<compile_context>
chip_gen: v7x
topology: tpu7x:2x2x1
jax: 0.10.2.dev20260603
libtpu: 0.0.44.dev20260713+nightly
codegen_flags: <defaults>
</compile_context>

<pallas_src>
import functools

import jax
import jax.numpy as jnp
from jax import lax
from jax.experimental import pallas as pl
from jax.experimental.pallas import tpu as pltpu
from jax.experimental.pallas import tpu_sc as plsc

_DIM = 16
_G = 128
_CH = 8


@functools.lru_cache(maxsize=None)
def _build_gather(b_batch: int, l_seq: int, vocab: int):
    info = plsc.get_sparse_core_info()
    nc, ns = info.num_cores, info.num_subcores
    nw = nc * ns
    total = b_batch * l_seq
    npw = total // nw
    rows = _CH * _G
    assert npw * nw == total and npw % rows == 0
    assert b_batch % rows == 0
    ng = npw // _G
    nchunk = ng // _CH
    rstride = rows + 8

    mesh = plsc.VectorSubcoreMesh(core_axis_name="c", subcore_axis_name="s")

    @functools.partial(
        pl.kernel,
        mesh=mesh,
        compiler_params=pltpu.CompilerParams(
            use_tc_tiling_on_sc=False, needs_layout_passes=False),
        out_type=jax.ShapeDtypeStruct((l_seq * _DIM * b_batch,), jnp.float32),
        scratch_types=[
            pltpu.VMEM((ng, _G), jnp.int32),
            pltpu.VMEM((2, rows, _DIM), jnp.float32),
            pltpu.VMEM((_DIM * rstride,), jnp.float32),
            pltpu.SemaphoreType.DMA,
            pltpu.SemaphoreType.DMA,
        ],
    )
    def gather_kernel(ids_hbm, table_hbm, out_p,
                      idx_v, row_v, pl_v, sem_g, sem_o):
        wid = lax.axis_index("s") * nc + lax.axis_index("c")
        pltpu.sync_copy(ids_hbm.at[wid], idx_v)
        col16 = lax.iota(jnp.int32, 16) * rstride

        def fire(c, slot):
            for j in range(_CH):
                g = c * _CH + j
                dst = pl.ds(j * _G, _G)
                pltpu.make_async_copy(
                    table_hbm.at[idx_v.at[g]],
                    row_v.at[slot].at[dst], sem_g).start()

        def drain(c, slot):
            for j in range(_CH):
                g = c * _CH + j
                dst = pl.ds(j * _G, _G)
                pltpu.make_async_copy(
                    table_hbm.at[idx_v.at[g]],
                    row_v.at[slot].at[dst], sem_g).wait()

        fire(0, 0)

        def chunk_body(c, carry):
            slot = lax.rem(c, 2)

            @pl.when(c + 1 < nchunk)
            def _():
                fire(c + 1, 1 - slot)

            drain(c, slot)

            def blk_body(blk, carry2):
                t0 = blk * 16
                for u in range(16):
                    cols = col16 + (t0 + u)
                    plsc.store_scatter(pl_v, [cols], row_v[slot, t0 + u, :])
                return carry2

            lax.fori_loop(0, rows // 16, blk_body, 0)

            u0 = wid * npw + c * rows
            l_idx = u0 // b_batch
            b0 = lax.rem(u0, b_batch)
            owaits = []
            for d in range(_DIM):
                src = pl.ds(d * rstride, rows)
                o = (l_idx * _DIM + d) * b_batch + b0
                owaits.append(pltpu.async_copy(
                    pl_v.at[src], out_p.at[pl.ds(o, rows)], sem_o))
            for w in owaits:
                w.wait()
            return carry

        lax.fori_loop(0, nchunk, chunk_body, 0)

    return gather_kernel, nw, ng


def kernel(ids, embed, imag_embed):
    b, l = ids.shape
    vocab = embed.shape[0]
    gather_kernel, nw, ng = _build_gather(b, l, vocab)
    ids_u = ids.T.reshape(nw, ng, _G).astype(jnp.int32)
    out_r = gather_kernel(ids_u, embed)
    out_i = gather_kernel(ids_u, imag_embed)
    r_t, i_t = lax.optimization_barrier(
        (out_r.reshape(l, _DIM, b), out_i.reshape(l, _DIM, b)))
    c_t = lax.optimization_barrier(lax.complex(r_t, i_t))
    return lax.transpose(c_t, (2, 0, 1))

# --- scband reference (transcript-rebuilt; emitter-appended) ---
"""Pipeline reference for scband-token-embedding-11390253269471 (READ-ONLY COPY).

The authoritative reference and input builder live on the scoring server;
editing this copy changes nothing except your own understanding.
"""

import jax, jax.numpy as jnp
import numpy as np

VOCAB = 1000000
DIM = 16
B = 16384
L = 20


def setup_inputs(seed: int = 0) -> dict:
    key = jax.random.key(seed)
    k1, k2, k3 = jax.random.split(key, 3)
    ids = jax.random.randint(k1, (B, L), 0, VOCAB)
    embed = jax.random.normal(k2, (VOCAB, DIM), dtype=jnp.float32) * 0.02
    imag_embed = jax.random.normal(k3, (VOCAB, DIM), dtype=jnp.float32) * 0.02
    return {"ids": ids, "embed": embed, "imag_embed": imag_embed}


def reference(ids, embed, imag_embed):
    # TokenEmbedding.forward: project token ids to complex domain
    real = jnp.take(embed, ids, axis=0)
    imag = jnp.take(imag_embed, ids, axis=0)
    return real + 1j * imag

if __name__ == "__main__":
    import jax
    _d = setup_inputs()
    print(jax.jit(kernel)(*tuple(_d.values())))

</pallas_src>

<mosaic_0001>
#map = affine_map<(d0, d1) -> (0, 0, 0)>
#map1 = affine_map<(d0, d1) -> (0, 0)>
#map2 = affine_map<(d0, d1) -> (0)>
module attributes {stable_mosaic.version = 14 : i64} {
  func.func @gather_kernel(%arg0: i32, %arg1: i32, %arg2: memref<32x80x128xi32, #tpu.memory_space<hbm>>, %arg3: memref<1000000x16xf32, #tpu.memory_space<hbm>>, %arg4: memref<5242880xf32, #tpu.memory_space<hbm>>, %arg5: memref<80x128xi32, #tpu.memory_space<vmem>>, %arg6: memref<2x1024x16xf32, #tpu.memory_space<vmem>>, %arg7: memref<16512xf32, #tpu.memory_space<vmem>>, %arg8: memref<!tpu.dma_semaphore, #tpu.memory_space<semaphore_mem>>, %arg9: memref<!tpu.dma_semaphore, #tpu.memory_space<semaphore_mem>>) attributes {dimension_semantics = [#tpu.dimension_semantics<core_parallel>, #tpu.dimension_semantics<subcore_parallel>], iteration_bounds = array<i64: 2, 16>, scalar_prefetch = 0 : i64, scratch_operands = 5 : i64, tpu.core_type = #tpu.core_type<sc_vector_subcore>, window_params = [{transform_indices = #map}, {transform_indices = #map1}, {transform_indices = #map2}]} {
    %mul3A = arith.constant 2 : i32
    %mul3A_0 = arith.muli %arg1, %mul3A : i32
    %add3A = arith.addi %mul3A_0, %arg0 : i32
    "tpu.region"() ({
      %run_scoped3A = tpu.sem_alloc : memref<!tpu.dma_semaphore, #tpu.memory_space<semaphore_mem>>
      %dma_start3A_128 = arith.constant 0 : i32
      %dma_start3A_129 = arith.constant 0 : i32
      %dma_start3A_130 = tpu.memref_slice %arg2[%add3A, %dma_start3A_128, %dma_start3A_129] : memref<32x80x128xi32, #tpu.memory_space<hbm>> -> memref<1x80x128xi32, #tpu.memory_space<hbm>>
      %dma_start3A_131 = tpu.memref_squeeze %dma_start3A_130 : memref<1x80x128xi32, #tpu.memory_space<hbm>> -> memref<80x128xi32, #tpu.memory_space<hbm>>
      %dma_start3A_132 = arith.constant 0 : i32
      %dma_start3A_133 = arith.constant 0 : i32
      %dma_start3A_134 = tpu.memref_slice %arg2[%add3A, %dma_start3A_132, %dma_start3A_133] : memref<32x80x128xi32, #tpu.memory_space<hbm>> -> memref<1x80x128xi32, #tpu.memory_space<hbm>>
      %dma_start3A_135 = tpu.memref_squeeze %dma_start3A_134 : memref<1x80x128xi32, #tpu.memory_space<hbm>> -> memref<80x128xi32, #tpu.memory_space<hbm>>
      tpu.enqueue_dma source(%dma_start3A_135 : memref<80x128xi32, #tpu.memory_space<hbm>>) target(%arg5 : memref<80x128xi32, #tpu.memory_space<vmem>>) target_semaphore(%run_scoped3A : memref<!tpu.dma_semaphore, #tpu.memory_space<semaphore_mem>>)
      %dma_wait3A = arith.constant 0 : i32
      %dma_wait3A_136 = arith.constant 0 : i32
      %dma_wait3A_137 = tpu.memref_slice %arg2[%add3A, %dma_wait3A, %dma_wait3A_136] : memref<32x80x128xi32, #tpu.memory_space<hbm>> -> memref<1x80x128xi32, #tpu.memory_space<hbm>>
      %dma_wait3A_138 = tpu.memref_squeeze %dma_wait3A_137 : memref<1x80x128xi32, #tpu.memory_space<hbm>> -> memref<80x128xi32, #tpu.memory_space<hbm>>
      %dma_wait3A_139 = arith.constant 0 : i32
      %dma_wait3A_140 = arith.constant 0 : i32
      %dma_wait3A_141 = tpu.memref_slice %arg2[%add3A, %dma_wait3A_139, %dma_wait3A_140] : memref<32x80x128xi32, #tpu.memory_space<hbm>> -> memref<1x80x128xi32, #tpu.memory_space<hbm>>
      %dma_wait3A_142 = tpu.memref_squeeze %dma_wait3A_141 : memref<1x80x128xi32, #tpu.memory_space<hbm>> -> memref<80x128xi32, #tpu.memory_space<hbm>>
      tpu.wait_dma2 semaphore(%run_scoped3A : memref<!tpu.dma_semaphore, #tpu.memory_space<semaphore_mem>>) src(%dma_wait3A_142 : memref<80x128xi32, #tpu.memory_space<hbm>>) dst(%arg5 : memref<80x128xi32, #tpu.memory_space<vmem>>)
      tpu.yield
    }) : () -> ()
    %iota3A = tpu.iota {dimensions = array<i32: 0>} : vector<16xi32>
    %mul3A_1 = arith.constant 1032 : i32
    %mul3A_2 = vector.broadcast %mul3A_1 : i32 to vector<16xi32>
    %mul3A_3 = arith.muli %iota3A, %mul3A_2 : vector<16xi32>
    %dma_start3A = arith.constant 0 : i32
    %dma_start3A_4 = arith.constant 0 : i32
    %dma_start3A_5 = arith.constant 0 : i32
    %dma_start3A_6 = arith.constant 0 : i32
    %dma_start3A_7 = tpu.memref_slice %arg6[%dma_start3A_4, %dma_start3A_5, %dma_start3A_6] : memref<2x1024x16xf32, #tpu.memory_space<vmem>> -> memref<1x1024x16xf32, #tpu.memory_space<vmem>>
    %dma_start3A_8 = tpu.memref_squeeze %dma_start3A_7 : memref<1x1024x16xf32, #tpu.memory_space<vmem>> -> memref<1024x16xf32, #tpu.memory_space<vmem>>
    %dma_start3A_9 = arith.constant 0 : i32
    %dma_start3A_10 = arith.constant 0 : i32
    %dma_start3A_11 = tpu.memref_slice %dma_start3A_8[%dma_start3A_9, %dma_start3A_10] : memref<1024x16xf32, #tpu.memory_space<vmem>> -> memref<128x16xf32, #tpu.memory_space<vmem>>
    %dma_start3A_12 = arith.constant 0 : i32
    %dma_start3A_13 = tpu.memref_slice %arg5[%dma_start3A, %dma_start3A_12] : memref<80x128xi32, #tpu.memory_space<vmem>> -> memref<1x128xi32, #tpu.memory_space<vmem>>
    %dma_start3A_14 = tpu.memref_squeeze %dma_start3A_13 : memref<1x128xi32, #tpu.memory_space<vmem>> -> memref<128xi32, #tpu.memory_space<vmem>>
    %dma_start3A_15 = arith.constant 0 : i32
    %dma_start3A_16 = arith.constant 0 : i32
    %dma_start3A_17 = tpu.memref_slice %arg3[%dma_start3A_15, %dma_start3A_16] : memref<1000000x16xf32, #tpu.memory_space<hbm>> -> memref<1000000x16xf32, #tpu.memory_space<hbm>>
    tpu.enqueue_indirect_dma source(%dma_start3A_17 : memref<1000000x16xf32, #tpu.memory_space<hbm>>) target(%dma_start3A_11 : memref<128x16xf32, #tpu.memory_space<vmem>>) offsets(%dma_start3A_14 : memref<128xi32, #tpu.memory_space<vmem>>) semaphore(%arg8 : memref<!tpu.dma_semaphore, #tpu.memory_space<semaphore_mem>>)
    %dma_start3A_18 = arith.constant 1 : i32
    %dma_start3A_19 = arith.constant 0 : i32
    %dma_start3A_20 = arith.constant 0 : i32
    %dma_start3A_21 = arith.constant 0 : i32
    %dma_start3A_22 = tpu.memref_slice %arg6[%dma_start3A_19, %dma_start3A_20, %dma_start3A_21] : memref<2x1024x16xf32, #tpu.memory_space<vmem>> -> memref<1x1024x16xf32, #tpu.memory_space<vmem>>
    %dma_start3A_23 = tpu.memref_squeeze %dma_start3A_22 : memref<1x1024x16xf32, #tpu.memory_space<vmem>> -> memref<1024x16xf32, #tpu.memory_space<vmem>>
    %dma_start3A_24 = arith.constant 128 : i32
    %dma_start3A_25 = arith.constant 0 : i32
    %dma_start3A_26 = tpu.memref_slice %dma_start3A_23[%dma_start3A_24, %dma_start3A_25] : memref<1024x16xf32, #tpu.memory_space<vmem>> -> memref<128x16xf32, #tpu.memory_space<vmem>>
    %dma_start3A_27 = arith.constant 0 : i32
    %dma_start3A_28 = tpu.memref_slice %arg5[%dma_start3A_18, %dma_start3A_27] : memref<80x128xi32, #tpu.memory_space<vmem>> -> memref<1x128xi32, #tpu.memory_space<vmem>>
    %dma_start3A_29 = tpu.memref_squeeze %dma_start3A_28 : memref<1x128xi32, #tpu.memory_space<vmem>> -> memref<128xi32, #tpu.memory_space<vmem>>
    %dma_start3A_30 = arith.constant 0 : i32
    %dma_start3A_31 = arith.constant 0 : i32
    %dma_start3A_32 = tpu.memref_slice %arg3[%dma_start3A_30, %dma_start3A_31] : memref<1000000x16xf32, #tpu.memory_space<hbm>> -> memref<1000000x16xf32, #tpu.memory_space<hbm>>
    tpu.enqueue_indirect_dma source(%dma_start3A_32 : memref<1000000x16xf32, #tpu.memory_space<hbm>>) target(%dma_start3A_26 : memref<128x16xf32, #tpu.memory_space<vmem>>) offsets(%dma_start3A_29 : memref<128xi32, #tpu.memory_space<vmem>>) semaphore(%arg8 : memref<!tpu.dma_semaphore, #tpu.memory_space<semaphore_mem>>)
    %dma_start3A_33 = arith.constant 2 : i32
    %dma_start3A_34 = arith.constant 0 : i32
    %dma_start3A_35 = arith.constant 0 : i32
    %dma_start3A_36 = arith.constant 0 : i32
    %dma_start3A_37 = tpu.memref_slice %arg6[%dma_start3A_34, %dma_start3A_35, %dma_start3A_36] : memref<2x1024x16xf32, #tpu.memory_space<vmem>> -> memref<1x1024x16xf32, #tpu.memory_space<vmem>>
    %dma_start3A_38 = tpu.memref_squeeze %dma_start3A_37 : memref<1x1024x16xf32, #tpu.memory_space<vmem>> -> memref<1024x16xf32, #tpu.memory_space<vmem>>
    %dma_start3A_39 = arith.constant 256 : i32
    %dma_start3A_40 = arith.constant 0 : i32
    %dma_start3A_41 = tpu.memref_slice %dma_start3A_38[%dma_start3A_39, %dma_start3A_40] : memref<1024x16xf32, #tpu.memory_space<vmem>> -> memref<128x16xf32, #tpu.memory_space<vmem>>
    %dma_start3A_42 = arith.constant 0 : i32
    %dma_start3A_43 = tpu.memref_slice %arg5[%dma_start3A_33, %dma_start3A_42] : memref<80x128xi32, #tpu.memory_space<vmem>> -> memref<1x128xi32, #tpu.memory_space<vmem>>
    %dma_start3A_44 = tpu.memref_squeeze %dma_start3A_43 : memref<1x128xi32, #tpu.memory_space<vmem>> -> memref<128xi32, #tpu.memory_space<vmem>>
    %dma_start3A_45 = arith.constant 0 : i32
    %dma_start3A_46 = arith.constant 0 : i32
    %dma_start3A_47 = tpu.memref_slice %arg3[%dma_start3A_45, %dma_start3A_46] : memref<1000000x16xf32, #tpu.memory_space<hbm>> -> memref<1000000x16xf32, #tpu.memory_space<hbm>>
    tpu.enqueue_indirect_dma source(%dma_start3A_47 : memref<1000000x16xf32, #tpu.memory_space<hbm>>) target(%dma_start3A_41 : memref<128x16xf32, #tpu.memory_space<vmem>>) offsets(%dma_start3A_44 : memref<128xi32, #tpu.memory_space<vmem>>) semaphore(%arg8 : memref<!tpu.dma_semaphore, #tpu.memory_space<semaphore_mem>>)
    %dma_start3A_48 = arith.constant 3 : i32
    %dma_start3A_49 = arith.constant 0 : i32
    %dma_start3A_50 = arith.constant 0 : i32
    %dma_start3A_51 = arith.constant 0 : i32
    %dma_start3A_52 = tpu.memref_slice %arg6[%dma_start3A_49, %dma_start3A_50, %dma_start3A_51] : memref<2x1024x16xf32, #tpu.memory_space<vmem>> -> memref<1x1024x16xf32, #tpu.memory_space<vmem>>
    %dma_start3A_53 = tpu.memref_squeeze %dma_start3A_52 : memref<1x1024x16xf32, #tpu.memory_space<vmem>> -> memref<1024x16xf32, #tpu.memory_space<vmem>>
    %dma_start3A_54 = arith.constant 384 : i32
    %dma_start3A_55 = arith.constant 0 : i32
    %dma_start3A_56 = tpu.memref_slice %dma_start3A_53[%dma_start3A_54, %dma_start3A_55] : memref<1024x16xf32, #tpu.memory_space<vmem>> -> memref<128x16xf32, #tpu.memory_space<vmem>>
    %dma_start3A_57 = arith.constant 0 : i32
    %dma_start3A_58 = tpu.memref_slice %arg5[%dma_start3A_48, %dma_start3A_57] : memref<80x128xi32, #tpu.memory_space<vmem>> -> memref<1x128xi32, #tpu.memory_space<vmem>>
    %dma_start3A_59 = tpu.memref_squeeze %dma_start3A_58 : memref<1x128xi32, #tpu.memory_space<vmem>> -> memref<128xi32, #tpu.memory_space<vmem>>
    %dma_start3A_60 = arith.constant 0 : i32
    %dma_start3A_61 = arith.constant 0 : i32
    %dma_start3A_62 = tpu.memref_slice %arg3[%dma_start3A_60, %dma_start3A_61] : memref<1000000x16xf32, #tpu.memory_space<hbm>> -> memref<1000000x16xf32, #tpu.memory_space<hbm>>
    tpu.enqueue_indirect_dma source(%dma_start3A_62 : memref<1000000x16xf32, #tpu.memory_space<hbm>>) target(%dma_start3A_56 : memref<128x16xf32, #tpu.memory_space<vmem>>) offsets(%dma_start3A_59 : memref<128xi32, #tpu.memory_space<vmem>>) semaphore(%arg8 : memref<!tpu.dma_semaphore, #tpu.memory_space<semaphore_mem>>)
    %dma_start3A_63 = arith.constant 4 : i32
    %dma_start3A_64 = arith.constant 0 : i32
    %dma_start3A_65 = arith.constant 0 : i32
    %dma_start3A_66 = arith.constant 0 : i32
    %dma_start3A_67 = tpu.memref_slice %arg6[%dma_start3A_64, %dma_start3A_65, %dma_start3A_66] : memref<2x1024x16xf32, #tpu.memory_space<vmem>> -> memref<1x1024x16xf32, #tpu.memory_space<vmem>>
    %dma_start3A_68 = tpu.memref_squeeze %dma_start3A_67 : memref<1x1024x16xf32, #tpu.memory_space<vmem>> -> memref<1024x16xf32, #tpu.memory_space<vmem>>
    %dma_start3A_69 = arith.constant 512 : i32
    %dma_start3A_70 = arith.constant 0 : i32
    %dma_start3A_71 = tpu.memref_slice %dma_start3A_68[%dma_start3A_69, %dma_start3A_70] : memref<1024x16xf32, #tpu.memory_space<vmem>> -> memref<128x16xf32, #tpu.memory_space<vmem>>
    %dma_start3A_72 = arith.constant 0 : i32
    %dma_start3A_73 = tpu.memref_slice %arg5[%dma_start3A_63, %dma_start3A_72] : memref<80x128xi32, #tpu.memory_space<vmem>> -> memref<1x128xi32, #tpu.memory_space<vmem>>
    %dma_start3A_74 = tpu.memref_squeeze %dma_start3A_73 : memref<1x128xi32, #tpu.memory_space<vmem>> -> memref<128xi32, #tpu.memory_space<vmem>>
    %dma_start3A_75 = arith.constant 0 : i32
    %dma_start3A_76 = arith.constant 0 : i32
    %dma_start3A_77 = tpu.memref_slice %arg3[%dma_start3A_75, %dma_start3A_76] : memref<1000000x16xf32, #tpu.memory_space<hbm>> -> memref<1000000x16xf32, #tpu.memory_space<hbm>>
    tpu.enqueue_indirect_dma source(%dma_start3A_77 : memref<1000000x16xf32, #tpu.memory_space<hbm>>) target(%dma_start3A_71 : memref<128x16xf32, #tpu.memory_space<vmem>>) offsets(%dma_start3A_74 : memref<128xi32, #tpu.memory_space<vmem>>) semaphore(%arg8 : memref<!tpu.dma_semaphore, #tpu.memory_space<semaphore_mem>>)
    %dma_start3A_78 = arith.constant 5 : i32
    %dma_start3A_79 = arith.constant 0 : i32
    %dma_start3A_80 = arith.constant 0 : i32
    %dma_start3A_81 = arith.constant 0 : i32
    %dma_start3A_82 = tpu.memref_slice %arg6[%dma_start3A_79, %dma_start3A_80, %dma_start3A_81] : memref<2x1024x16xf32, #tpu.memory_space<vmem>> -> memref<1x1024x16xf32, #tpu.memory_space<vmem>>
    %dma_start3A_83 = tpu.memref_squeeze %dma_start3A_82 : memref<1x1024x16xf32, #tpu.memory_space<vmem>> -> memref<1024x16xf32, #tpu.memory_space<vmem>>
    %dma_start3A_84 = arith.constant 640 : i32
    %dma_start3A_85 = arith.constant 0 : i32
    %dma_start3A_86 = tpu.memref_slice %dma_start3A_83[%dma_start3A_84, %dma_start3A_85] : memref<1024x16xf32, #tpu.memory_space<vmem>> -> memref<128x16xf32, #tpu.memory_space<vmem>>
    %dma_start3A_87 = arith.constant 0 : i32
    %dma_start3A_88 = tpu.memref_slice %arg5[%dma_start3A_78, %dma_start3A_87] : memref<80x128xi32, #tpu.memory_space<vmem>> -> memref<1x128xi32, #tpu.memory_space<vmem>>
    %dma_start3A_89 = tpu.memref_squeeze %dma_start3A_88 : memref<1x128xi32, #tpu.memory_space<vmem>> -> memref<128xi32, #tpu.memory_space<vmem>>
    %dma_start3A_90 = arith.constant 0 : i32
    %dma_start3A_91 = arith.constant 0 : i32
    %dma_start3A_92 = tpu.memref_slice %arg3[%dma_start3A_90, %dma_start3A_91] : memref<1000000x16xf32, #tpu.memory_space<hbm>> -> memref<1000000x16xf32, #tpu.memory_space<hbm>>
    tpu.enqueue_indirect_dma source(%dma_start3A_92 : memref<1000000x16xf32, #tpu.memory_space<hbm>>) target(%dma_start3A_86 : memref<128x16xf32, #tpu.memory_space<vmem>>) offsets(%dma_start3A_89 : memref<128xi32, #tpu.memory_space<vmem>>) semaphore(%arg8 : memref<!tpu.dma_semaphore, #tpu.memory_space<semaphore_mem>>)
    %dma_start3A_93 = arith.constant 6 : i32
    %dma_start3A_94 = arith.constant 0 : i32
    %dma_start3A_95 = arith.constant 0 : i32
    %dma_start3A_96 = arith.constant 0 : i32
    %dma_start3A_97 = tpu.memref_slice %arg6[%dma_start3A_94, %dma_start3A_95, %dma_start3A_96] : memref<2x1024x16xf32, #tpu.memory_space<vmem>> -> memref<1x1024x16xf32, #tpu.memory_space<vmem>>
    %dma_start3A_98 = tpu.memref_squeeze %dma_start3A_97 : memref<1x1024x16xf32, #tpu.memory_space<vmem>> -> memref<1024x16xf32, #tpu.memory_space<vmem>>
    %dma_start3A_99 = arith.constant 768 : i32
    %dma_start3A_100 = arith.constant 0 : i32
    %dma_start3A_101 = tpu.memref_slice %dma_start3A_98[%dma_start3A_99, %dma_start3A_100] : memref<1024x16xf32, #tpu.memory_space<vmem>> -> memref<128x16xf32, #tpu.memory_space<vmem>>
    %dma_start3A_102 = arith.constant 0 : i32
    %dma_start3A_103 = tpu.memref_slice %arg5[%dma_start3A_93, %dma_start3A_102] : memref<80x128xi32, #tpu.memory_space<vmem>> -> memref<1x128xi32, #tpu.memory_space<vmem>>
    %dma_start3A_104 = tpu.memref_squeeze %dma_start3A_103 : memref<1x128xi32, #tpu.memory_space<vmem>> -> memref<128xi32, #tpu.memory_space<vmem>>
    %dma_start3A_105 = arith.constant 0 : i32
    %dma_start3A_106 = arith.constant 0 : i32
    %dma_start3A_107 = tpu.memref_slice %arg3[%dma_start3A_105, %dma_start3A_106] : memref<1000000x16xf32, #tpu.memory_space<hbm>> -> memref<1000000x16xf32, #tpu.memory_space<hbm>>
    tpu.enqueue_indirect_dma source(%dma_start3A_107 : memref<1000000x16xf32, #tpu.memory_space<hbm>>) target(%dma_start3A_101 : memref<128x16xf32, #tpu.memory_space<vmem>>) offsets(%dma_start3A_104 : memref<128xi32, #tpu.memory_space<vmem>>) semaphore(%arg8 : memref<!tpu.dma_semaphore, #tpu.memory_space<semaphore_mem>>)
    %dma_start3A_108 = arith.constant 7 : i32
    %dma_start3A_109 = arith.constant 0 : i32
    %dma_start3A_110 = arith.constant 0 : i32
    %dma_start3A_111 = arith.constant 0 : i32
    %dma_start3A_112 = tpu.memref_slice %arg6[%dma_start3A_109, %dma_start3A_110, %dma_start3A_111] : memref<2x1024x16xf32, #tpu.memory_space<vmem>> -> memref<1x1024x16xf32, #tpu.memory_space<vmem>>
    %dma_start3A_113 = tpu.memref_squeeze %dma_start3A_112 : memref<1x1024x16xf32, #tpu.memory_space<vmem>> -> memref<1024x16xf32, #tpu.memory_space<vmem>>
    %dma_start3A_114 = arith.constant 896 : i32
    %dma_start3A_115 = arith.constant 0 : i32
    %dma_start3A_116 = tpu.memref_slice %dma_start3A_113[%dma_start3A_114, %dma_start3A_115] : memref<1024x16xf32, #tpu.memory_space<vmem>> -> memref<128x16xf32, #tpu.memory_space<vmem>>
    %dma_start3A_117 = arith.constant 0 : i32
    %dma_start3A_118 = tpu.memref_slice %arg5[%dma_start3A_108, %dma_start3A_117] : memref<80x128xi32, #tpu.memory_space<vmem>> -> memref<1x128xi32, #tpu.memory_space<vmem>>
    %dma_start3A_119 = tpu.memref_squeeze %dma_start3A_118 : memref<1x128xi32, #tpu.memory_space<vmem>> -> memref<128xi32, #tpu.memory_space<vmem>>
    %dma_start3A_120 = arith.constant 0 : i32
    %dma_start3A_121 = arith.constant 0 : i32
    %dma_start3A_122 = tpu.memref_slice %arg3[%dma_start3A_120, %dma_start3A_121] : memref<1000000x16xf32, #tpu.memory_space<hbm>> -> memref<1000000x16xf32, #tpu.memory_space<hbm>>
    tpu.enqueue_indirect_dma source(%dma_start3A_122 : memref<1000000x16xf32, #tpu.memory_space<hbm>>) target(%dma_start3A_116 : memref<128x16xf32, #tpu.memory_space<vmem>>) offsets(%dma_start3A_119 : memref<128xi32, #tpu.memory_space<vmem>>) semaphore(%arg8 : memref<!tpu.dma_semaphore, #tpu.memory_space<semaphore_mem>>)
    %scan3A = arith.constant 0 : i32
    %scan3A_123 = arith.constant 0 : i32
    %scan3A_124 = arith.constant 10 : i32
    %scan3A_125 = arith.addi %scan3A_123, %scan3A_124 : i32
    %scan3A_126 = arith.constant 1 : i32
    scf.for %scan3A_128 = %scan3A_123 to %scan3A_125 step %scan3A_126  : i32 {
      %rem3A = arith.constant 2 : i32
      %rem3A_129 = arith.remsi %scan3A_128, %rem3A : i32
      %add3A_130 = arith.constant 1 : i32
      %add3A_131 = arith.addi %scan3A_128, %add3A_130 : i32
      %lt3A = arith.constant 10 : i32
      %lt3A_132 = arith.cmpi slt, %add3A_131, %lt3A : i32
      %convert_element_type3A = arith.extui %lt3A_132 : i1 to i32
      %cond3A = arith.constant 0 : i32
      %cond3A_133 = arith.cmpi ne, %convert_element_type3A, %cond3A : i32
      scf.if %cond3A_133 {
        %add3A_603 = arith.constant 1 : i32
        %add3A_604 = arith.addi %scan3A_128, %add3A_603 : i32
        %sub3A_605 = arith.constant 1 : i32
        %sub3A_606 = arith.subi %sub3A_605, %rem3A_129 : i32
        %mul3A_607 = arith.constant 8 : i32
        %mul3A_608 = arith.muli %add3A_604, %mul3A_607 : i32
        %add3A_609 = arith.constant 0 : i32
        %add3A_610 = arith.addi %mul3A_608, %add3A_609 : i32
        %dma_start3A_611 = arith.constant 0 : i32
        %dma_start3A_612 = arith.constant 0 : i32
        %dma_start3A_613 = tpu.memref_slice %arg6[%sub3A_606, %dma_start3A_611, %dma_start3A_612] : memref<2x1024x16xf32, #tpu.memory_space<vmem>> -> memref<1x1024x16xf32, #tpu.memory_space<vmem>>
        %dma_start3A_614 = tpu.memref_squeeze %dma_start3A_613 : memref<1x1024x16xf32, #tpu.memory_space<vmem>> -> memref<1024x16xf32, #tpu.memory_space<vmem>>
        %dma_start3A_615 = arith.constant 0 : i32
        %dma_start3A_616 = arith.constant 0 : i32
        %dma_start3A_617 = tpu.memref_slice %dma_start3A_614[%dma_start3A_615, %dma_start3A_616] : memref<1024x16xf32, #tpu.memory_space<vmem>> -> memref<128x16xf32, #tpu.memory_space<vmem>>
        %dma_start3A_618 = arith.constant 0 : i32
        %dma_start3A_619 = tpu.memref_slice %arg5[%add3A_610, %dma_start3A_618] : memref<80x128xi32, #tpu.memory_space<vmem>> -> memref<1x128xi32, #tpu.memory_space<vmem>>
        %dma_start3A_620 = tpu.memref_squeeze %dma_start3A_619 : memref<1x128xi32, #tpu.memory_space<vmem>> -> memref<128xi32, #tpu.memory_space<vmem>>
        %dma_start3A_621 = arith.constant 0 : i32
        %dma_start3A_622 = arith.constant 0 : i32
        %dma_start3A_623 = tpu.memref_slice %arg3[%dma_start3A_621, %dma_start3A_622] : memref<1000000x16xf32, #tpu.memory_space<hbm>> -> memref<1000000x16xf32, #tpu.memory_space<hbm>>
        tpu.enqueue_indirect_dma source(%dma_start3A_623 : memref<1000000x16xf32, #tpu.memory_space<hbm>>) target(%dma_start3A_617 : memref<128x16xf32, #tpu.memory_space<vmem>>) offsets(%dma_start3A_620 : memref<128xi32, #tpu.memory_space<vmem>>) semaphore(%arg8 : memref<!tpu.dma_semaphore, #tpu.memory_space<semaphore_mem>>)
        %mul3A_624 = arith.constant 8 : i32
        %mul3A_625 = arith.muli %add3A_604, %mul3A_624 : i32
        %add3A_626 = arith.constant 1 : i32
        %add3A_627 = arith.addi %mul3A_625, %add3A_626 : i32
        %dma_start3A_628 = arith.constant 0 : i32
        %dma_start3A_629 = arith.constant 0 : i32
        %dma_start3A_630 = tpu.memref_slice %arg6[%sub3A_606, %dma_start3A_628, %dma_start3A_629] : memref<2x1024x16xf32, #tpu.memory_space<vmem>> -> memref<1x1024x16xf32, #tpu.memory_space<vmem>>
        %dma_start3A_631 = tpu.memref_squeeze %dma_start3A_630 : memref<1x1024x16xf32, #tpu.memory_space<vmem>> -> memref<1024x16xf32, #tpu.memory_space<vmem>>
        %dma_start3A_632 = arith.constant 128 : i32
        %dma_start3A_633 = arith.constant 0 : i32
        %dma_start3A_634 = tpu.memref_slice %dma_start3A_631[%dma_start3A_632, %dma_start3A_633] : memref<1024x16xf32, #tpu.memory_space<vmem>> -> memref<128x16xf32, #tpu.memory_space<vmem>>
        %dma_start3A_635 = arith.constant 0 : i32
        %dma_start3A_636 = tpu.memref_slice %arg5[%add3A_627, %dma_start3A_635] : memref<80x128xi32, #tpu.memory_space<vmem>> -> memref<1x128xi32, #tpu.memory_space<vmem>>
        %dma_start3A_637 = tpu.memref_squeeze %dma_start3A_636 : memref<1x128xi32, #tpu.memory_space<vmem>> -> memref<128xi32, #tpu.memory_space<vmem>>
        %dma_start3A_638 = arith.constant 0 : i32
        %dma_start3A_639 = arith.constant 0 : i32
        %dma_start3A_640 = tpu.memref_slice %arg3[%dma_start3A_638, %dma_start3A_639] : memref<1000000x16xf32, #tpu.memory_space<hbm>> -> memref<1000000x16xf32, #tpu.memory_space<hbm>>
        tpu.enqueue_indirect_dma source(%dma_start3A_640 : memref<1000000x16xf32, #tpu.memory_space<hbm>>) target(%dma_start3A_634 : memref<128x16xf32, #tpu.memory_space<vmem>>) offsets(%dma_start3A_637 : memref<128xi32, #tpu.memory_space<vmem>>) semaphore(%arg8 : memref<!tpu.dma_semaphore, #tpu.memory_space<semaphore_mem>>)
        %mul3A_641 = arith.constant 8 : i32
        %mul3A_642 = arith.muli %add3A_604, %mul3A_641 : i32
        %add3A_643 = arith.constant 2 : i32
        %add3A_644 = arith.addi %mul3A_642, %add3A_643 : i32
        %dma_start3A_645 = arith.constant 0 : i32
        %dma_start3A_646 = arith.constant 0 : i32
        %dma_start3A_647 = tpu.memref_slice %arg6[%sub3A_606, %dma_start3A_645, %dma_start3A_646] : memref<2x1024x16xf32, #tpu.memory_space<vmem>> -> memref<1x1024x16xf32, #tpu.memory_space<vmem>>
        %dma_start3A_648 = tpu.memref_squeeze %dma_start3A_647 : memref<1x1024x16xf32, #tpu.memory_space<vmem>> -> memref<1024x16xf32, #tpu.memory_space<vmem>>
        %dma_start3A_649 = arith.constant 256 : i32
        %dma_start3A_650 = arith.constant 0 : i32
        %dma_start3A_651 = tpu.memref_slice %dma_start3A_648[%dma_start3A_649, %dma_start3A_650] : memref<1024x16xf32, #tpu.memory_space<vmem>> -> memref<128x16xf32, #tpu.memory_space<vmem>>
        %dma_start3A_652 = arith.constant 0 : i32
        %dma_start3A_653 = tpu.memref_slice %arg5[%add3A_644, %dma_start3A_652] : memref<80x128xi32, #tpu.memory_space<vmem>> -> memref<1x128xi32, #tpu.memory_space<vmem>>
        %dma_start3A_654 = tpu.memref_squeeze %dma_start3A_653 : memref<1x128xi32, #tpu.memory_space<vmem>> -> memref<128xi32, #tpu.memory_space<vmem>>
        %dma_start3A_655 = arith.constant 0 : i32
        %dma_start3A_656 = arith.constant 0 : i32
        %dma_start3A_657 = tpu.memref_slice %arg3[%dma_start3A_655, %dma_start3A_656] : memref<1000000x16xf32, #tpu.memory_space<hbm>> -> memref<1000000x16xf32, #tpu.memory_space<hbm>>
        tpu.enqueue_indirect_dma source(%dma_start3A_657 : memref<1000000x16xf32, #tpu.memory_space<hbm>>) target(%dma_start3A_651 : memref<128x16xf32, #tpu.memory_space<vmem>>) offsets(%dma_start3A_654 : memref<128xi32, #tpu.memory_space<vmem>>) semaphore(%arg8 : memref<!tpu.dma_semaphore, #tpu.memory_space<semaphore_mem>>)
        %mul3A_658 = arith.constant 8 : i32
        %mul3A_659 = arith.muli %add3A_604, %mul3A_658 : i32
        %add3A_660 = arith.constant 3 : i32
        %add3A_661 = arith.addi %mul3A_659, %add3A_660 : i32
        %dma_start3A_662 = arith.constant 0 : i32
        %dma_start3A_663 = arith.constant 0 : i32
        %dma_start3A_664 = tpu.memref_slice %arg6[%sub3A_606, %dma_start3A_662, %dma_start3A_663] : memref<2x1024x16xf32, #tpu.memory_space<vmem>> -> memref<1x1024x16xf32, #tpu.memory_space<vmem>>
        %dma_start3A_665 = tpu.memref_squeeze %dma_start3A_664 : memref<1x1024x16xf32, #tpu.memory_space<vmem>> -> memref<1024x16xf32, #tpu.memory_space<vmem>>
        %dma_start3A_666 = arith.constant 384 : i32
        %dma_start3A_667 = arith.constant 0 : i32
        %dma_start3A_668 = tpu.memref_slice %dma_start3A_665[%dma_start3A_666, %dma_start3A_667] : memref<1024x16xf32, #tpu.memory_space<vmem>> -> memref<128x16xf32, #tpu.memory_space<vmem>>
        %dma_start3A_669 = arith.constant 0 : i32
        %dma_start3A_670 = tpu.memref_slice %arg5[%add3A_661, %dma_start3A_669] : memref<80x128xi32, #tpu.memory_space<vmem>> -> memref<1x128xi32, #tpu.memory_space<vmem>>
        %dma_start3A_671 = tpu.memref_squeeze %dma_start3A_670 : memref<1x128xi32, #tpu.memory_space<vmem>> -> memref<128xi32, #tpu.memory_space<vmem>>
        %dma_start3A_672 = arith.constant 0 : i32
        %dma_start3A_673 = arith.constant 0 : i32
        %dma_start3A_674 = tpu.memref_slice %arg3[%dma_start3A_672, %dma_start3A_673] : memref<1000000x16xf32, #tpu.memory_space<hbm>> -> memref<1000000x16xf32, #tpu.memory_space<hbm>>
        tpu.enqueue_indirect_dma source(%dma_start3A_674 : memref<1000000x16xf32, #tpu.memory_space<hbm>>) target(%dma_start3A_668 : memref<128x16xf32, #tpu.memory_space<vmem>>) offsets(%dma_start3A_671 : memref<128xi32, #tpu.memory_space<vmem>>) semaphore(%arg8 : memref<!tpu.dma_semaphore, #tpu.memory_space<semaphore_mem>>)
        %mul3A_675 = arith.constant 8 : i32
        %mul3A_676 = arith.muli %add3A_604, %mul3A_675 : i32
        %add3A_677 = arith.constant 4 : i32
        %add3A_678 = arith.addi %mul3A_676, %add3A_677 : i32
        %dma_start3A_679 = arith.constant 0 : i32
        %dma_start3A_680 = arith.constant 0 : i32
        %dma_start3A_681 = tpu.memref_slice %arg6[%sub3A_606, %dma_start3A_679, %dma_start3A_680] : memref<2x1024x16xf32, #tpu.memory_space<vmem>> -> memref<1x1024x16xf32, #tpu.memory_space<vmem>>
        %dma_start3A_682 = tpu.memref_squeeze %dma_start3A_681 : memref<1x1024x16xf32, #tpu.memory_space<vmem>> -> memref<1024x16xf32, #tpu.memory_space<vmem>>
        %dma_start3A_683 = arith.constant 512 : i32
        %dma_start3A_684 = arith.constant 0 : i32
        %dma_start3A_685 = tpu.memref_slice %dma_start3A_682[%dma_start3A_683, %dma_start3A_684] : memref<1024x16xf32, #tpu.memory_space<vmem>> -> memref<128x16xf32, #tpu.memory_space<vmem>>
        %dma_start3A_686 = arith.constant 0 : i32
        %dma_start3A_687 = tpu.memref_slice %arg5[%add3A_678, %dma_start3A_686] : memref<80x128xi32, #tpu.memory_space<vmem>> -> memref<1x128xi32, #tpu.memory_space<vmem>>
        %dma_start3A_688 = tpu.memref_squeeze %dma_start3A_687 : memref<1x128xi32, #tpu.memory_space<vmem>> -> memref<128xi32, #tpu.memory_space<vmem>>
        %dma_start3A_689 = arith.constant 0 : i32
        %dma_start3A_690 = arith.constant 0 : i32
        %dma_start3A_691 = tpu.memref_slice %arg3[%dma_start3A_689, %dma_start3A_690] : memref<1000000x16xf32, #tpu.memory_space<hbm>> -> memref<1000000x16xf32, #tpu.memory_space<hbm>>
        tpu.enqueue_indirect_dma source(%dma_start3A_691 : memref<1000000x16xf32, #tpu.memory_space<hbm>>) target(%dma_start3A_685 : memref<128x16xf32, #tpu.memory_space<vmem>>) offsets(%dma_start3A_688 : memref<128xi32, #tpu.memory_space<vmem>>) semaphore(%arg8 : memref<!tpu.dma_semaphore, #tpu.memory_space<semaphore_mem>>)
        %mul3A_692 = arith.constant 8 : i32
        %mul3A_693 = arith.muli %add3A_604, %mul3A_692 : i32
        %add3A_694 = arith.constant 5 : i32
        %add3A_695 = arith.addi %mul3A_693, %add3A_694 : i32
        %dma_start3A_696 = arith.constant 0 : i32
        %dma_start3A_697 = arith.constant 0 : i32
        %dma_start3A_698 = tpu.memref_slice %arg6[%sub3A_606, %dma_start3A_696, %dma_start3A_697] : memref<2x1024x16xf32, #tpu.memory_space<vmem>> -> memref<1x1024x16xf32, #tpu.memory_space<vmem>>
        %dma_start3A_699 = tpu.memref_squeeze %dma_start3A_698 : memref<1x1024x16xf32, #tpu.memory_space<vmem>> -> memref<1024x16xf32, #tpu.memory_space<vmem>>
        %dma_start3A_700 = arith.constant 640 : i32
        %dma_start3A_701 = arith.constant 0 : i32
        %dma_start3A_702 = tpu.memref_slice %dma_start3A_699[%dma_start3A_700, %dma_start3A_701] : memref<1024x16xf32, #tpu.memory_space<vmem>> -> memref<128x16xf32, #tpu.memory_space<vmem>>
        %dma_start3A_703 = arith.constant 0 : i32
        %dma_start3A_704 = tpu.memref_slice %arg5[%add3A_695, %dma_start3A_703] : memref<80x128xi32, #tpu.memory_space<vmem>> -> memref<1x128xi32, #tpu.memory_space<vmem>>
        %dma_start3A_705 = tpu.memref_squeeze %dma_start3A_704 : memref<1x128xi32, #tpu.memory_space<vmem>> -> memref<128xi32, #tpu.memory_space<vmem>>
        %dma_start3A_706 = arith.constant 0 : i32
        %dma_start3A_707 = arith.constant 0 : i32
        %dma_start3A_708 = tpu.memref_slice %arg3[%dma_start3A_706, %dma_start3A_707] : memref<1000000x16xf32, #tpu.memory_space<hbm>> -> memref<1000000x16xf32, #tpu.memory_space<hbm>>
        tpu.enqueue_indirect_dma source(%dma_start3A_708 : memref<1000000x16xf32, #tpu.memory_space<hbm>>) target(%dma_start3A_702 : memref<128x16xf32, #tpu.memory_space<vmem>>) offsets(%dma_start3A_705 : memref<128xi32, #tpu.memory_space<vmem>>) semaphore(%arg8 : memref<!tpu.dma_semaphore, #tpu.memory_space<semaphore_mem>>)
        %mul3A_709 = arith.constant 8 : i32
        %mul3A_710 = arith.muli %add3A_604, %mul3A_709 : i32
        %add3A_711 = arith.constant 6 : i32
        %add3A_712 = arith.addi %mul3A_710, %add3A_711 : i32
        %dma_start3A_713 = arith.constant 0 : i32
        %dma_start3A_714 = arith.constant 0 : i32
        %dma_start3A_715 = tpu.memref_slice %arg6[%sub3A_606, %dma_start3A_713, %dma_start3A_714] : memref<2x1024x16xf32, #tpu.memory_space<vmem>> -> memref<1x1024x16xf32, #tpu.memory_space<vmem>>
        %dma_start3A_716 = tpu.memref_squeeze %dma_start3A_715 : memref<1x1024x16xf32, #tpu.memory_space<vmem>> -> memref<1024x16xf32, #tpu.memory_space<vmem>>
        %dma_start3A_717 = arith.constant 768 : i32
        %dma_start3A_718 = arith.constant 0 : i32
        %dma_start3A_719 = tpu.memref_slice %dma_start3A_716[%dma_start3A_717, %dma_start3A_718] : memref<1024x16xf32, #tpu.memory_space<vmem>> -> memref<128x16xf32, #tpu.memory_space<vmem>>
        %dma_start3A_720 = arith.constant 0 : i32
        %dma_start3A_721 = tpu.memref_slice %arg5[%add3A_712, %dma_start3A_720] : memref<80x128xi32, #tpu.memory_space<vmem>> -> memref<1x128xi32, #tpu.memory_space<vmem>>
        %dma_start3A_722 = tpu.memref_squeeze %dma_start3A_721 : memref<1x128xi32, #tpu.memory_space<vmem>> -> memref<128xi32, #tpu.memory_space<vmem>>
        %dma_start3A_723 = arith.constant 0 : i32
        %dma_start3A_724 = arith.constant 0 : i32
        %dma_start3A_725 = tpu.memref_slice %arg3[%dma_start3A_723, %dma_start3A_724] : memref<1000000x16xf32, #tpu.memory_space<hbm>> -> memref<1000000x16xf32, #tpu.memory_space<hbm>>
        tpu.enqueue_indirect_dma source(%dma_start3A_725 : memref<1000000x16xf32, #tpu.memory_space<hbm>>) target(%dma_start3A_719 : memref<128x16xf32, #tpu.memory_space<vmem>>) offsets(%dma_start3A_722 : memref<128xi32, #tpu.memory_space<vmem>>) semaphore(%arg8 : memref<!tpu.dma_semaphore, #tpu.memory_space<semaphore_mem>>)
        %mul3A_726 = arith.constant 8 : i32
        %mul3A_727 = arith.muli %add3A_604, %mul3A_726 : i32
        %add3A_728 = arith.constant 7 : i32
        %add3A_729 = arith.addi %mul3A_727, %add3A_728 : i32
        %dma_start3A_730 = arith.constant 0 : i32
        %dma_start3A_731 = arith.constant 0 : i32
        %dma_start3A_732 = tpu.memref_slice %arg6[%sub3A_606, %dma_start3A_730, %dma_start3A_731] : memref<2x1024x16xf32, #tpu.memory_space<vmem>> -> memref<1x1024x16xf32, #tpu.memory_space<vmem>>
        %dma_start3A_733 = tpu.memref_squeeze %dma_start3A_732 : memref<1x1024x16xf32, #tpu.memory_space<vmem>> -> memref<1024x16xf32, #tpu.memory_space<vmem>>
        %dma_start3A_734 = arith.constant 896 : i32
        %dma_start3A_735 = arith.constant 0 : i32
        %dma_start3A_736 = tpu.memref_slice %dma_start3A_733[%dma_start3A_734, %dma_start3A_735] : memref<1024x16xf32, #tpu.memory_space<vmem>> -> memref<128x16xf32, #tpu.memory_space<vmem>>
        %dma_start3A_737 = arith.constant 0 : i32
        %dma_start3A_738 = tpu.memref_slice %arg5[%add3A_729, %dma_start3A_737] : memref<80x128xi32, #tpu.memory_space<vmem>> -> memref<1x128xi32, #tpu.memory_space<vmem>>
        %dma_start3A_739 = tpu.memref_squeeze %dma_start3A_738 : memref<1x128xi32, #tpu.memory_space<vmem>> -> memref<128xi32, #tpu.memory_space<vmem>>
        %dma_start3A_740 = arith.constant 0 : i32
        %dma_start3A_741 = arith.constant 0 : i32
        %dma_start3A_742 = tpu.memref_slice %arg3[%dma_start3A_740, %dma_start3A_741] : memref<1000000x16xf32, #tpu.memory_space<hbm>> -> memref<1000000x16xf32, #tpu.memory_space<hbm>>
        tpu.enqueue_indirect_dma source(%dma_start3A_742 : memref<1000000x16xf32, #tpu.memory_space<hbm>>) target(%dma_start3A_736 : memref<128x16xf32, #tpu.memory_space<vmem>>) offsets(%dma_start3A_739 : memref<128xi32, #tpu.memory_space<vmem>>) semaphore(%arg8 : memref<!tpu.dma_semaphore, #tpu.memory_space<semaphore_mem>>)
      } else {
      }
      %mul3A_134 = arith.constant 8 : i32
      %mul3A_135 = arith.muli %scan3A_128, %mul3A_134 : i32
      %add3A_136 = arith.constant 0 : i32
      %add3A_137 = arith.addi %mul3A_135, %add3A_136 : i32
      %dma_wait3A = arith.constant 0 : i32
      %dma_wait3A_138 = arith.constant 0 : i32
      %dma_wait3A_139 = tpu.memref_slice %arg6[%rem3A_129, %dma_wait3A, %dma_wait3A_138] : memref<2x1024x16xf32, #tpu.memory_space<vmem>> -> memref<1x1024x16xf32, #tpu.memory_space<vmem>>
      %dma_wait3A_140 = tpu.memref_squeeze %dma_wait3A_139 : memref<1x1024x16xf32, #tpu.memory_space<vmem>> -> memref<1024x16xf32, #tpu.memory_space<vmem>>
      %dma_wait3A_141 = arith.constant 0 : i32
      %dma_wait3A_142 = arith.constant 0 : i32
      %dma_wait3A_143 = tpu.memref_slice %dma_wait3A_140[%dma_wait3A_141, %dma_wait3A_142] : memref<1024x16xf32, #tpu.memory_space<vmem>> -> memref<128x16xf32, #tpu.memory_space<vmem>>
      %dma_wait3A_144 = arith.constant 0 : i32
      %dma_wait3A_145 = tpu.memref_slice %arg5[%add3A_137, %dma_wait3A_144] : memref<80x128xi32, #tpu.memory_space<vmem>> -> memref<1x128xi32, #tpu.memory_space<vmem>>
      %dma_wait3A_146 = tpu.memref_squeeze %dma_wait3A_145 : memref<1x128xi32, #tpu.memory_space<vmem>> -> memref<128xi32, #tpu.memory_space<vmem>>
      %dma_wait3A_147 = arith.constant 0 : i32
      %dma_wait3A_148 = arith.constant 0 : i32
      %dma_wait3A_149 = tpu.memref_slice %arg3[%dma_wait3A_147, %dma_wait3A_148] : memref<1000000x16xf32, #tpu.memory_space<hbm>> -> memref<1000000x16xf32, #tpu.memory_space<hbm>>
      tpu.wait_indirect_dma semaphore(%arg8 : memref<!tpu.dma_semaphore, #tpu.memory_space<semaphore_mem>>) src(%dma_wait3A_149 : memref<1000000x16xf32, #tpu.memory_space<hbm>>) dst(%dma_wait3A_143 : memref<128x16xf32, #tpu.memory_space<vmem>>)
      %mul3A_150 = arith.constant 8 : i32
      %mul3A_151 = arith.muli %scan3A_128, %mul3A_150 : i32
      %add3A_152 = arith.constant 1 : i32
      %add3A_153 = arith.addi %mul3A_151, %add3A_152 : i32
      %dma_wait3A_154 = arith.constant 0 : i32
      %dma_wait3A_155 = arith.constant 0 : i32
      %dma_wait3A_156 = tpu.memref_slice %arg6[%rem3A_129, %dma_wait3A_154, %dma_wait3A_155] : memref<2x1024x16xf32, #tpu.memory_space<vmem>> -> memref<1x1024x16xf32, #tpu.memory_space<vmem>>
      %dma_wait3A_157 = tpu.memref_squeeze %dma_wait3A_156 : memref<1x1024x16xf32, #tpu.memory_space<vmem>> -> memref<1024x16xf32, #tpu.memory_space<vmem>>
      %dma_wait3A_158 = arith.constant 128 : i32
      %dma_wait3A_159 = arith.constant 0 : i32
      %dma_wait3A_160 = tpu.memref_slice %dma_wait3A_157[%dma_wait3A_158, %dma_wait3A_159] : memref<1024x16xf32, #tpu.memory_space<vmem>> -> memref<128x16xf32, #tpu.memory_space<vmem>>
      %dma_wait3A_161 = arith.constant 0 : i32
      %dma_wait3A_162 = tpu.memref_slice %arg5[%add3A_153, %dma_wait3A_161] : memref<80x128xi32, #tpu.memory_space<vmem>> -> memref<1x128xi32, #tpu.memory_space<vmem>>
      %dma_wait3A_163 = tpu.memref_squeeze %dma_wait3A_162 : memref<1x128xi32, #tpu.memory_space<vmem>> -> memref<128xi32, #tpu.memory_space<vmem>>
      %dma_wait3A_164 = arith.constant 0 : i32
      %dma_wait3A_165 = arith.constant 0 : i32
      %dma_wait3A_166 = tpu.memref_slice %arg3[%dma_wait3A_164, %dma_wait3A_165] : memref<1000000x16xf32, #tpu.memory_space<hbm>> -> memref<1000000x16xf32, #tpu.memory_space<hbm>>
      tpu.wait_indirect_dma semaphore(%arg8 : memref<!tpu.dma_semaphore, #tpu.memory_space<semaphore_mem>>) src(%dma_wait3A_166 : memref<1000000x16xf32, #tpu.memory_space<hbm>>) dst(%dma_wait3A_160 : memref<128x16xf32, #tpu.memory_space<vmem>>)
      %mul3A_167 = arith.constant 8 : i32
      %mul3A_168 = arith.muli %scan3A_128, %mul3A_167 : i32
      %add3A_169 = arith.constant 2 : i32
      %add3A_170 = arith.addi %mul3A_168, %add3A_169 : i32
      %dma_wait3A_171 = arith.constant 0 : i32
      %dma_wait3A_172 = arith.constant 0 : i32
      %dma_wait3A_173 = tpu.memref_slice %arg6[%rem3A_129, %dma_wait3A_171, %dma_wait3A_172] : memref<2x1024x16xf32, #tpu.memory_space<vmem>> -> memref<1x1024x16xf32, #tpu.memory_space<vmem>>
      %dma_wait3A_174 = tpu.memref_squeeze %dma_wait3A_173 : memref<1x1024x16xf32, #tpu.memory_space<vmem>> -> memref<1024x16xf32, #tpu.memory_space<vmem>>
      %dma_wait3A_175 = arith.constant 256 : i32
      %dma_wait3A_176 = arith.constant 0 : i32
      %dma_wait3A_177 = tpu.memref_slice %dma_wait3A_174[%dma_wait3A_175, %dma_wait3A_176] : memref<1024x16xf32, #tpu.memory_space<vmem>> -> memref<128x16xf32, #tpu.memory_space<vmem>>
      %dma_wait3A_178 = arith.constant 0 : i32
      %dma_wait3A_179 = tpu.memref_slice %arg5[%add3A_170, %dma_wait3A_178] : memref<80x128xi32, #tpu.memory_space<vmem>> -> memref<1x128xi32, #tpu.memory_space<vmem>>
      %dma_wait3A_180 = tpu.memref_squeeze %dma_wait3A_179 : memref<1x128xi32, #tpu.memory_space<vmem>> -> memref<128xi32, #tpu.memory_space<vmem>>
      %dma_wait3A_181 = arith.constant 0 : i32
      %dma_wait3A_182 = arith.constant 0 : i32
      %dma_wait3A_183 = tpu.memref_slice %arg3[%dma_wait3A_181, %dma_wait3A_182] : memref<1000000x16xf32, #tpu.memory_space<hbm>> -> memref<1000000x16xf32, #tpu.memory_space<hbm>>
      tpu.wait_indirect_dma semaphore(%arg8 : memref<!tpu.dma_semaphore, #tpu.memory_space<semaphore_mem>>) src(%dma_wait3A_183 : memref<1000000x16xf32, #tpu.memory_space<hbm>>) dst(%dma_wait3A_177 : memref<128x16xf32, #tpu.memory_space<vmem>>)
      %mul3A_184 = arith.constant 8 : i32
      %mul3A_185 = arith.muli %scan3A_128, %mul3A_184 : i32
      %add3A_186 = arith.constant 3 : i32
      %add3A_187 = arith.addi %mul3A_185, %add3A_186 : i32
      %dma_wait3A_188 = arith.constant 0 : i32
      %dma_wait3A_189 = arith.constant 0 : i32
      %dma_wait3A_190 = tpu.memref_slice %arg6[%rem3A_129, %dma_wait3A_188, %dma_wait3A_189] : memref<2x1024x16xf32, #tpu.memory_space<vmem>> -> memref<1x1024x16xf32, #tpu.memory_space<vmem>>
      %dma_wait3A_191 = tpu.memref_squeeze %dma_wait3A_190 : memref<1x1024x16xf32, #tpu.memory_space<vmem>> -> memref<1024x16xf32, #tpu.memory_space<vmem>>
      %dma_wait3A_192 = arith.constant 384 : i32
      %dma_wait3A_193 = arith.constant 0 : i32
      %dma_wait3A_194 = tpu.memref_slice %dma_wait3A_191[%dma_wait3A_192, %dma_wait3A_193] : memref<1024x16xf32, #tpu.memory_space<vmem>> -> memref<128x16xf32, #tpu.memory_space<vmem>>
      %dma_wait3A_195 = arith.constant 0 : i32
      %dma_wait3A_196 = tpu.memref_slice %arg5[%add3A_187, %dma_wait3A_195] : memref<80x128xi32, #tpu.memory_space<vmem>> -> memref<1x128xi32, #tpu.memory_space<vmem>>
      %dma_wait3A_197 = tpu.memref_squeeze %dma_wait3A_196 : memref<1x128xi32, #tpu.memory_space<vmem>> -> memref<128xi32, #tpu.memory_space<vmem>>
      %dma_wait3A_198 = arith.constant 0 : i32
      %dma_wait3A_199 = arith.constant 0 : i32
      %dma_wait3A_200 = tpu.memref_slice %arg3[%dma_wait3A_198, %dma_wait3A_199] : memref<1000000x16xf32, #tpu.memory_space<hbm>> -> memref<1000000x16xf32, #tpu.memory_space<hbm>>
      tpu.wait_indirect_dma semaphore(%arg8 : memref<!tpu.dma_semaphore, #tpu.memory_space<semaphore_mem>>) src(%dma_wait3A_200 : memref<1000000x16xf32, #tpu.memory_space<hbm>>) dst(%dma_wait3A_194 : memref<128x16xf32, #tpu.memory_space<vmem>>)
      %mul3A_201 = arith.constant 8 : i32
      %mul3A_202 = arith.muli %scan3A_128, %mul3A_201 : i32
      %add3A_203 = arith.constant 4 : i32
      %add3A_204 = arith.addi %mul3A_202, %add3A_203 : i32
      %dma_wait3A_205 = arith.constant 0 : i32
      %dma_wait3A_206 = arith.constant 0 : i32
      %dma_wait3A_207 = tpu.memref_slice %arg6[%rem3A_129, %dma_wait3A_205, %dma_wait3A_206] : memref<2x1024x16xf32, #tpu.memory_space<vmem>> -> memref<1x1024x16xf32, #tpu.memory_space<vmem>>
      %dma_wait3A_208 = tpu.memref_squeeze %dma_wait3A_207 : memref<1x1024x16xf32, #tpu.memory_space<vmem>> -> memref<1024x16xf32, #tpu.memory_space<vmem>>
      %dma_wait3A_209 = arith.constant 512 : i32
      %dma_wait3A_210 = arith.constant 0 : i32
      %dma_wait3A_211 = tpu.memref_slice %dma_wait3A_208[%dma_wait3A_209, %dma_wait3A_210] : memref<1024x16xf32, #tpu.memory_space<vmem>> -> memref<128x16xf32, #tpu.memory_space<vmem>>
      %dma_wait3A_212 = arith.constant 0 : i32
      %dma_wait3A_213 = tpu.memref_slice %arg5[%add3A_204, %dma_wait3A_212] : memref<80x128xi32, #tpu.memory_space<vmem>> -> memref<1x128xi32, #tpu.memory_space<vmem>>
      %dma_wait3A_214 = tpu.memref_squeeze %dma_wait3A_213 : memref<1x128xi32, #tpu.memory_space<vmem>> -> memref<128xi32, #tpu.memory_space<vmem>>
      %dma_wait3A_215 = arith.constant 0 : i32
      %dma_wait3A_216 = arith.constant 0 : i32
      %dma_wait3A_217 = tpu.memref_slice %arg3[%dma_wait3A_215, %dma_wait3A_216] : memref<1000000x16xf32, #tpu.memory_space<hbm>> -> memref<1000000x16xf32, #tpu.memory_space<hbm>>
      tpu.wait_indirect_dma semaphore(%arg8 : memref<!tpu.dma_semaphore, #tpu.memory_space<semaphore_mem>>) src(%dma_wait3A_217 : memref<1000000x16xf32, #tpu.memory_space<hbm>>) dst(%dma_wait3A_211 : memref<128x16xf32, #tpu.memory_space<vmem>>)
      %mul3A_218 = arith.constant 8 : i32
      %mul3A_219 = arith.muli %scan3A_128, %mul3A_218 : i32
      %add3A_220 = arith.constant 5 : i32
      %add3A_221 = arith.addi %mul3A_219, %add3A_220 : i32
      %dma_wait3A_222 = arith.constant 0 : i32
      %dma_wait3A_223 = arith.constant 0 : i32
      %dma_wait3A_224 = tpu.memref_slice %arg6[%rem3A_129, %dma_wait3A_222, %dma_wait3A_223] : memref<2x1024x16xf32, #tpu.memory_space<vmem>> -> memref<1x1024x16xf32, #tpu.memory_space<vmem>>
      %dma_wait3A_225 = tpu.memref_squeeze %dma_wait3A_224 : memref<1x1024x16xf32, #tpu.memory_space<vmem>> -> memref<1024x16xf32, #tpu.memory_space<vmem>>
      %dma_wait3A_226 = arith.constant 640 : i32
      %dma_wait3A_227 = arith.constant 0 : i32
      %dma_wait3A_228 = tpu.memref_slice %dma_wait3A_225[%dma_wait3A_226, %dma_wait3A_227] : memref<1024x16xf32, #tpu.memory_space<vmem>> -> memref<128x16xf32, #tpu.memory_space<vmem>>
      %dma_wait3A_229 = arith.constant 0 : i32
      %dma_wait3A_230 = tpu.memref_slice %arg5[%add3A_221, %dma_wait3A_229] : memref<80x128xi32, #tpu.memory_space<vmem>> -> memref<1x128xi32, #tpu.memory_space<vmem>>
      %dma_wait3A_231 = tpu.memref_squeeze %dma_wait3A_230 : memref<1x128xi32, #tpu.memory_space<vmem>> -> memref<128xi32, #tpu.memory_space<vmem>>
      %dma_wait3A_232 = arith.constant 0 : i32
      %dma_wait3A_233 = arith.constant 0 : i32
      %dma_wait3A_234 = tpu.memref_slice %arg3[%dma_wait3A_232, %dma_wait3A_233] : memref<1000000x16xf32, #tpu.memory_space<hbm>> -> memref<1000000x16xf32, #tpu.memory_space<hbm>>
      tpu.wait_indirect_dma semaphore(%arg8 : memref<!tpu.dma_semaphore, #tpu.memory_space<semaphore_mem>>) src(%dma_wait3A_234 : memref<1000000x16xf32, #tpu.memory_space<hbm>>) dst(%dma_wait3A_228 : memref<128x16xf32, #tpu.memory_space<vmem>>)
      %mul3A_235 = arith.constant 8 : i32
      %mul3A_236 = arith.muli %scan3A_128, %mul3A_235 : i32
      %add3A_237 = arith.constant 6 : i32
      %add3A_238 = arith.addi %mul3A_236, %add3A_237 : i32
      %dma_wait3A_239 = arith.constant 0 : i32
      %dma_wait3A_240 = arith.constant 0 : i32
      %dma_wait3A_241 = tpu.memref_slice %arg6[%rem3A_129, %dma_wait3A_239, %dma_wait3A_240] : memref<2x1024x16xf32, #tpu.memory_space<vmem>> -> memref<1x1024x16xf32, #tpu.memory_space<vmem>>
      %dma_wait3A_242 = tpu.memref_squeeze %dma_wait3A_241 : memref<1x1024x16xf32, #tpu.memory_space<vmem>> -> memref<1024x16xf32, #tpu.memory_space<vmem>>
      %dma_wait3A_243 = arith.constant 768 : i32
      %dma_wait3A_244 = arith.constant 0 : i32
      %dma_wait3A_245 = tpu.memref_slice %dma_wait3A_242[%dma_wait3A_243, %dma_wait3A_244] : memref<1024x16xf32, #tpu.memory_space<vmem>> -> memref<128x16xf32, #tpu.memory_space<vmem>>
      %dma_wait3A_246 = arith.constant 0 : i32
      %dma_wait3A_247 = tpu.memref_slice %arg5[%add3A_238, %dma_wait3A_246] : memref<80x128xi32, #tpu.memory_space<vmem>> -> memref<1x128xi32, #tpu.memory_space<vmem>>
      %dma_wait3A_248 = tpu.memref_squeeze %dma_wait3A_247 : memref<1x128xi32, #tpu.memory_space<vmem>> -> memref<128xi32, #tpu.memory_space<vmem>>
      %dma_wait3A_249 = arith.constant 0 : i32
      %dma_wait3A_250 = arith.constant 0 : i32
      %dma_wait3A_251 = tpu.memref_slice %arg3[%dma_wait3A_249, %dma_wait3A_250] : memref<1000000x16xf32, #tpu.memory_space<hbm>> -> memref<1000000x16xf32, #tpu.memory_space<hbm>>
      tpu.wait_indirect_dma semaphore(%arg8 : memref<!tpu.dma_semaphore, #tpu.memory_space<semaphore_mem>>) src(%dma_wait3A_251 : memref<1000000x16xf32, #tpu.memory_space<hbm>>) dst(%dma_wait3A_245 : memref<128x16xf32, #tpu.memory_space<vmem>>)
      %mul3A_252 = arith.constant 8 : i32
      %mul3A_253 = arith.muli %scan3A_128, %mul3A_252 : i32
      %add3A_254 = arith.constant 7 : i32
      %add3A_255 = arith.addi %mul3A_253, %add3A_254 : i32
      %dma_wait3A_256 = arith.constant 0 : i32
      %dma_wait3A_257 = arith.constant 0 : i32
      %dma_wait3A_258 = tpu.memref_slice %arg6[%rem3A_129, %dma_wait3A_256, %dma_wait3A_257] : memref<2x1024x16xf32, #tpu.memory_space<vmem>> -> memref<1x1024x16xf32, #tpu.memory_space<vmem>>
      %dma_wait3A_259 = tpu.memref_squeeze %dma_wait3A_258 : memref<1x1024x16xf32, #tpu.memory_space<vmem>> -> memref<1024x16xf32, #tpu.memory_space<vmem>>
      %dma_wait3A_260 = arith.constant 896 : i32
      %dma_wait3A_261 = arith.constant 0 : i32
      %dma_wait3A_262 = tpu.memref_slice %dma_wait3A_259[%dma_wait3A_260, %dma_wait3A_261] : memref<1024x16xf32, #tpu.memory_space<vmem>> -> memref<128x16xf32, #tpu.memory_space<vmem>>
      %dma_wait3A_263 = arith.constant 0 : i32
      %dma_wait3A_264 = tpu.memref_slice %arg5[%add3A_255, %dma_wait3A_263] : memref<80x128xi32, #tpu.memory_space<vmem>> -> memref<1x128xi32, #tpu.memory_space<vmem>>
      %dma_wait3A_265 = tpu.memref_squeeze %dma_wait3A_264 : memref<1x128xi32, #tpu.memory_space<vmem>> -> memref<128xi32, #tpu.memory_space<vmem>>
      %dma_wait3A_266 = arith.constant 0 : i32
      %dma_wait3A_267 = arith.constant 0 : i32
      %dma_wait3A_268 = tpu.memref_slice %arg3[%dma_wait3A_266, %dma_wait3A_267] : memref<1000000x16xf32, #tpu.memory_space<hbm>> -> memref<1000000x16xf32, #tpu.memory_space<hbm>>
      tpu.wait_indirect_dma semaphore(%arg8 : memref<!tpu.dma_semaphore, #tpu.memory_space<semaphore_mem>>) src(%dma_wait3A_268 : memref<1000000x16xf32, #tpu.memory_space<hbm>>) dst(%dma_wait3A_262 : memref<128x16xf32, #tpu.memory_space<vmem>>)
      %scan3A_269 = arith.constant 0 : i32
      %scan3A_270 = arith.constant 0 : i32
      %scan3A_271 = arith.constant 64 : i32
      %scan3A_272 = arith.addi %scan3A_270, %scan3A_271 : i32
      %scan3A_273 = arith.constant 1 : i32
      scf.for %scan3A_603 = %scan3A_270 to %scan3A_272 step %scan3A_273  : i32 {
        %mul3A_604 = arith.constant 16 : i32
        %mul3A_605 = arith.muli %scan3A_603, %mul3A_604 : i32
        %add3A_606 = arith.constant 0 : i32
        %add3A_607 = arith.addi %mul3A_605, %add3A_606 : i32
        %add3A_608 = vector.broadcast %add3A_607 : i32 to vector<16xi32>
        %add3A_609 = arith.addi %mul3A_3, %add3A_608 : vector<16xi32>
        %add3A_610 = arith.constant 0 : i32
        %add3A_611 = arith.addi %mul3A_605, %add3A_610 : i32
        %get3A = arith.index_cast %rem3A_129 : i32 to index
        %get3A_612 = arith.index_cast %add3A_611 : i32 to index
        %get3A_613 = arith.constant 0 : index
        %get3A_614 = tpu.vector_load %arg6[%get3A, %get3A_612, %get3A_613] {strides = array<i32>} : memref<2x1024x16xf32, #tpu.memory_space<vmem>>, vector<16xf32>,
        tpu.vector_store_idx %arg7[%add3A_609], %get3A_614 : memref<16512xf32, #tpu.memory_space<vmem>>[vector<16xi32>], vector<16xf32>,
        %add3A_615 = arith.constant 1 : i32
        %add3A_616 = arith.addi %mul3A_605, %add3A_615 : i32
        %add3A_617 = vector.broadcast %add3A_616 : i32 to vector<16xi32>
        %add3A_618 = arith.addi %mul3A_3, %add3A_617 : vector<16xi32>
        %add3A_619 = arith.constant 1 : i32
        %add3A_620 = arith.addi %mul3A_605, %add3A_619 : i32
        %get3A_621 = arith.index_cast %rem3A_129 : i32 to index
        %get3A_622 = arith.index_cast %add3A_620 : i32 to index
        %get3A_623 = arith.constant 0 : index
        %get3A_624 = tpu.vector_load %arg6[%get3A_621, %get3A_622, %get3A_623] {strides = array<i32>} : memref<2x1024x16xf32, #tpu.memory_space<vmem>>, vector<16xf32>,
        tpu.vector_store_idx %arg7[%add3A_618], %get3A_624 : memref<16512xf32, #tpu.memory_space<vmem>>[vector<16xi32>], vector<16xf32>,
        %add3A_625 = arith.constant 2 : i32
        %add3A_626 = arith.addi %mul3A_605, %add3A_625 : i32
        %add3A_627 = vector.broadcast %add3A_626 : i32 to vector<16xi32>
        %add3A_628 = arith.addi %mul3A_3, %add3A_627 : vector<16xi32>
        %add3A_629 = arith.constant 2 : i32
        %add3A_630 = arith.addi %mul3A_605, %add3A_629 : i32
        %get3A_631 = arith.index_cast %rem3A_129 : i32 to index
        %get3A_632 = arith.index_cast %add3A_630 : i32 to index
        %get3A_633 = arith.constant 0 : index
        %get3A_634 = tpu.vector_load %arg6[%get3A_631, %get3A_632, %get3A_633] {strides = array<i32>} : memref<2x1024x16xf32, #tpu.memory_space<vmem>>, vector<16xf32>,
        tpu.vector_store_idx %arg7[%add3A_628], %get3A_634 : memref<16512xf32, #tpu.memory_space<vmem>>[vector<16xi32>], vector<16xf32>,
        %add3A_635 = arith.constant 3 : i32
        %add3A_636 = arith.addi %mul3A_605, %add3A_635 : i32
        %add3A_637 = vector.broadcast %add3A_636 : i32 to vector<16xi32>
        %add3A_638 = arith.addi %mul3A_3, %add3A_637 : vector<16xi32>
        %add3A_639 = arith.constant 3 : i32
        %add3A_640 = arith.addi %mul3A_605, %add3A_639 : i32
        %get3A_641 = arith.index_cast %rem3A_129 : i32 to index
        %get3A_642 = arith.index_cast %add3A_640 : i32 to index
        %get3A_643 = arith.constant 0 : index
        %get3A_644 = tpu.vector_load %arg6[%get3A_641, %get3A_642, %get3A_643] {strides = array<i32>} : memref<2x1024x16xf32, #tpu.memory_space<vmem>>, vector<16xf32>,
        tpu.vector_store_idx %arg7[%add3A_638], %get3A_644 : memref<16512xf32, #tpu.memory_space<vmem>>[vector<16xi32>], vector<16xf32>,
        %add3A_645 = arith.constant 4 : i32
        %add3A_646 = arith.addi %mul3A_605, %add3A_645 : i32
        %add3A_647 = vector.broadcast %add3A_646 : i32 to vector<16xi32>
        %add3A_648 = arith.addi %mul3A_3, %add3A_647 : vector<16xi32>
        %add3A_649 = arith.constant 4 : i32
        %add3A_650 = arith.addi %mul3A_605, %add3A_649 : i32
        %get3A_651 = arith.index_cast %rem3A_129 : i32 to index
        %get3A_652 = arith.index_cast %add3A_650 : i32 to index
        %get3A_653 = arith.constant 0 : index
        %get3A_654 = tpu.vector_load %arg6[%get3A_651, %get3A_652, %get3A_653] {strides = array<i32>} : memref<2x1024x16xf32, #tpu.memory_space<vmem>>, vector<16xf32>,
        tpu.vector_store_idx %arg7[%add3A_648], %get3A_654 : memref<16512xf32, #tpu.memory_space<vmem>>[vector<16xi32>], vector<16xf32>,
        %add3A_655 = arith.constant 5 : i32
        %add3A_656 = arith.addi %mul3A_605, %add3A_655 : i32
        %add3A_657 = vector.broadcast %add3A_656 : i32 to vector<16xi32>
        %add3A_658 = arith.addi %mul3A_3, %add3A_657 : vector<16xi32>
        %add3A_659 = arith.constant 5 : i32
        %add3A_660 = arith.addi %mul3A_605, %add3A_659 : i32
        %get3A_661 = arith.index_cast %rem3A_129 : i32 to index
        %get3A_662 = arith.index_cast %add3A_660 : i32 to index
        %get3A_663 = arith.constant 0 : index
        %get3A_664 = tpu.vector_load %arg6[%get3A_661, %get3A_662, %get3A_663] {strides = array<i32>} : memref<2x1024x16xf32, #tpu.memory_space<vmem>>, vector<16xf32>,
        tpu.vector_store_idx %arg7[%add3A_658], %get3A_664 : memref<16512xf32, #tpu.memory_space<vmem>>[vector<16xi32>], vector<16xf32>,
        %add3A_665 = arith.constant 6 : i32
        %add3A_666 = arith.addi %mul3A_605, %add3A_665 : i32
        %add3A_667 = vector.broadcast %add3A_666 : i32 to vector<16xi32>
        %add3A_668 = arith.addi %mul3A_3, %add3A_667 : vector<16xi32>
        %add3A_669 = arith.constant 6 : i32
        %add3A_670 = arith.addi %mul3A_605, %add3A_669 : i32
        %get3A_671 = arith.index_cast %rem3A_129 : i32 to index
        %get3A_672 = arith.index_cast %add3A_670 : i32 to index
        %get3A_673 = arith.constant 0 : index
        %get3A_674 = tpu.vector_load %arg6[%get3A_671, %get3A_672, %get3A_673] {strides = array<i32>} : memref<2x1024x16xf32, #tpu.memory_space<vmem>>, vector<16xf32>,
        tpu.vector_store_idx %arg7[%add3A_668], %get3A_674 : memref<16512xf32, #tpu.memory_space<vmem>>[vector<16xi32>], vector<16xf32>,
        %add3A_675 = arith.constant 7 : i32
        %add3A_676 = arith.addi %mul3A_605, %add3A_675 : i32
        %add3A_677 = vector.broadcast %add3A_676 : i32 to vector<16xi32>
        %add3A_678 = arith.addi %mul3A_3, %add3A_677 : vector<16xi32>
        %add3A_679 = arith.constant 7 : i32
        %add3A_680 = arith.addi %mul3A_605, %add3A_679 : i32
        %get3A_681 = arith.index_cast %rem3A_129 : i32 to index
        %get3A_682 = arith.index_cast %add3A_680 : i32 to index
        %get3A_683 = arith.constant 0 : index
        %get3A_684 = tpu.vector_load %arg6[%get3A_681, %get3A_682, %get3A_683] {strides = array<i32>} : memref<2x1024x16xf32, #tpu.memory_space<vmem>>, vector<16xf32>,
        tpu.vector_store_idx %arg7[%add3A_678], %get3A_684 : memref<16512xf32, #tpu.memory_space<vmem>>[vector<16xi32>], vector<16xf32>,
        %add3A_685 = arith.constant 8 : i32
        %add3A_686 = arith.addi %mul3A_605, %add3A_685 : i32
        %add3A_687 = vector.broadcast %add3A_686 : i32 to vector<16xi32>
        %add3A_688 = arith.addi %mul3A_3, %add3A_687 : vector<16xi32>
        %add3A_689 = arith.constant 8 : i32
        %add3A_690 = arith.addi %mul3A_605, %add3A_689 : i32
        %get3A_691 = arith.index_cast %rem3A_129 : i32 to index
        %get3A_692 = arith.index_cast %add3A_690 : i32 to index
        %get3A_693 = arith.constant 0 : index
        %get3A_694 = tpu.vector_load %arg6[%get3A_691, %get3A_692, %get3A_693] {strides = array<i32>} : memref<2x1024x16xf32, #tpu.memory_space<vmem>>, vector<16xf32>,
        tpu.vector_store_idx %arg7[%add3A_688], %get3A_694 : memref<16512xf32, #tpu.memory_space<vmem>>[vector<16xi32>], vector<16xf32>,
        %add3A_695 = arith.constant 9 : i32
        %add3A_696 = arith.addi %mul3A_605, %add3A_695 : i32
        %add3A_697 = vector.broadcast %add3A_696 : i32 to vector<16xi32>
        %add3A_698 = arith.addi %mul3A_3, %add3A_697 : vector<16xi32>
        %add3A_699 = arith.constant 9 : i32
        %add3A_700 = arith.addi %mul3A_605, %add3A_699 : i32
        %get3A_701 = arith.index_cast %rem3A_129 : i32 to index
        %get3A_702 = arith.index_cast %add3A_700 : i32 to index
        %get3A_703 = arith.constant 0 : index
        %get3A_704 = tpu.vector_load %arg6[%get3A_701, %get3A_702, %get3A_703] {strides = array<i32>} : memref<2x1024x16xf32, #tpu.memory_space<vmem>>, vector<16xf32>,
        tpu.vector_store_idx %arg7[%add3A_698], %get3A_704 : memref<16512xf32, #tpu.memory_space<vmem>>[vector<16xi32>], vector<16xf32>,
        %add3A_705 = arith.constant 10 : i32
        %add3A_706 = arith.addi %mul3A_605, %add3A_705 : i32
        %add3A_707 = vector.broadcast %add3A_706 : i32 to vector<16xi32>
        %add3A_708 = arith.addi %mul3A_3, %add3A_707 : vector<16xi32>
        %add3A_709 = arith.constant 10 : i32
        %add3A_710 = arith.addi %mul3A_605, %add3A_709 : i32
        %get3A_711 = arith.index_cast %rem3A_129 : i32 to index
        %get3A_712 = arith.index_cast %add3A_710 : i32 to index
        %get3A_713 = arith.constant 0 : index
        %get3A_714 = tpu.vector_load %arg6[%get3A_711, %get3A_712, %get3A_713] {strides = array<i32>} : memref<2x1024x16xf32, #tpu.memory_space<vmem>>, vector<16xf32>,
        tpu.vector_store_idx %arg7[%add3A_708], %get3A_714 : memref<16512xf32, #tpu.memory_space<vmem>>[vector<16xi32>], vector<16xf32>,
        %add3A_715 = arith.constant 11 : i32
        %add3A_716 = arith.addi %mul3A_605, %add3A_715 : i32
        %add3A_717 = vector.broadcast %add3A_716 : i32 to vector<16xi32>
        %add3A_718 = arith.addi %mul3A_3, %add3A_717 : vector<16xi32>
        %add3A_719 = arith.constant 11 : i32
        %add3A_720 = arith.addi %mul3A_605, %add3A_719 : i32
        %get3A_721 = arith.index_cast %rem3A_129 : i32 to index
        %get3A_722 = arith.index_cast %add3A_720 : i32 to index
        %get3A_723 = arith.constant 0 : index
        %get3A_724 = tpu.vector_load %arg6[%get3A_721, %get3A_722, %get3A_723] {strides = array<i32>} : memref<2x1024x16xf32, #tpu.memory_space<vmem>>, vector<16xf32>,
        tpu.vector_store_idx %arg7[%add3A_718], %get3A_724 : memref<16512xf32, #tpu.memory_space<vmem>>[vector<16xi32>], vector<16xf32>,
        %add3A_725 = arith.constant 12 : i32
        %add3A_726 = arith.addi %mul3A_605, %add3A_725 : i32
        %add3A_727 = vector.broadcast %add3A_726 : i32 to vector<16xi32>
        %add3A_728 = arith.addi %mul3A_3, %add3A_727 : vector<16xi32>
        %add3A_729 = arith.constant 12 : i32
        %add3A_730 = arith.addi %mul3A_605, %add3A_729 : i32
        %get3A_731 = arith.index_cast %rem3A_129 : i32 to index
        %get3A_732 = arith.index_cast %add3A_730 : i32 to index
        %get3A_733 = arith.constant 0 : index
        %get3A_734 = tpu.vector_load %arg6[%get3A_731, %get3A_732, %get3A_733] {strides = array<i32>} : memref<2x1024x16xf32, #tpu.memory_space<vmem>>, vector<16xf32>,
        tpu.vector_store_idx %arg7[%add3A_728], %get3A_734 : memref<16512xf32, #tpu.memory_space<vmem>>[vector<16xi32>], vector<16xf32>,
        %add3A_735 = arith.constant 13 : i32
        %add3A_736 = arith.addi %mul3A_605, %add3A_735 : i32
        %add3A_737 = vector.broadcast %add3A_736 : i32 to vector<16xi32>
        %add3A_738 = arith.addi %mul3A_3, %add3A_737 : vector<16xi32>
        %add3A_739 = arith.constant 13 : i32
        %add3A_740 = arith.addi %mul3A_605, %add3A_739 : i32
        %get3A_741 = arith.index_cast %rem3A_129 : i32 to index
        %get3A_742 = arith.index_cast %add3A_740 : i32 to index
        %get3A_743 = arith.constant 0 : index
        %get3A_744 = tpu.vector_load %arg6[%get3A_741, %get3A_742, %get3A_743] {strides = array<i32>} : memref<2x1024x16xf32, #tpu.memory_space<vmem>>, vector<16xf32>,
        tpu.vector_store_idx %arg7[%add3A_738], %get3A_744 : memref<16512xf32, #tpu.memory_space<vmem>>[vector<16xi32>], vector<16xf32>,
        %add3A_745 = arith.constant 14 : i32
        %add3A_746 = arith.addi %mul3A_605, %add3A_745 : i32
        %add3A_747 = vector.broadcast %add3A_746 : i32 to vector<16xi32>
        %add3A_748 = arith.addi %mul3A_3, %add3A_747 : vector<16xi32>
        %add3A_749 = arith.constant 14 : i32
        %add3A_750 = arith.addi %mul3A_605, %add3A_749 : i32
        %get3A_751 = arith.index_cast %rem3A_129 : i32 to index
        %get3A_752 = arith.index_cast %add3A_750 : i32 to index
        %get3A_753 = arith.constant 0 : index
        %get3A_754 = tpu.vector_load %arg6[%get3A_751, %get3A_752, %get3A_753] {strides = array<i32>} : memref<2x1024x16xf32, #tpu.memory_space<vmem>>, vector<16xf32>,
        tpu.vector_store_idx %arg7[%add3A_748], %get3A_754 : memref<16512xf32, #tpu.memory_space<vmem>>[vector<16xi32>], vector<16xf32>,
        %add3A_755 = arith.constant 15 : i32
        %add3A_756 = arith.addi %mul3A_605, %add3A_755 : i32
        %add3A_757 = vector.broadcast %add3A_756 : i32 to vector<16xi32>
        %add3A_758 = arith.addi %mul3A_3, %add3A_757 : vector<16xi32>
        %add3A_759 = arith.constant 15 : i32
        %add3A_760 = arith.addi %mul3A_605, %add3A_759 : i32
        %get3A_761 = arith.index_cast %rem3A_129 : i32 to index
        %get3A_762 = arith.index_cast %add3A_760 : i32 to index
        %get3A_763 = arith.constant 0 : index
        %get3A_764 = tpu.vector_load %arg6[%get3A_761, %get3A_762, %get3A_763] {strides = array<i32>} : memref<2x1024x16xf32, #tpu.memory_space<vmem>>, vector<16xf32>,
        tpu.vector_store_idx %arg7[%add3A_758], %get3A_764 : memref<16512xf32, #tpu.memory_space<vmem>>[vector<16xi32>], vector<16xf32>,
      }
      %scan3A_274 = arith.constant 64 : i32
      %mul3A_275 = arith.constant 10240 : i32
      %mul3A_276 = arith.muli %add3A, %mul3A_275 : i32
      %mul3A_277 = arith.constant 1024 : i32
      %mul3A_278 = arith.muli %scan3A_128, %mul3A_277 : i32
      %add3A_279 = arith.addi %mul3A_276, %mul3A_278 : i32
      %jit3A = arith.constant 16384 : i32
      %div3A = arith.divsi %add3A_279, %jit3A : i32
      %sign3A = arith.constant 0 : i32
      %sign3A_280 = arith.cmpi sgt, %add3A_279, %sign3A : i32
      %sign3A_281 = arith.extui %sign3A_280 : i1 to i32
      %sign3A_282 = arith.constant 0 : i32
      %sign3A_283 = arith.cmpi slt, %add3A_279, %sign3A_282 : i32
      %sign3A_284 = arith.extui %sign3A_283 : i1 to i32
      %sign3A_285 = arith.subi %sign3A_281, %sign3A_284 : i32
      %sign3A_286 = arith.constant 0 : i32
      %sign3A_287 = arith.cmpi sgt, %jit3A, %sign3A_286 : i32
      %sign3A_288 = arith.extui %sign3A_287 : i1 to i32
      %sign3A_289 = arith.constant 0 : i32
      %sign3A_290 = arith.cmpi slt, %jit3A, %sign3A_289 : i32
      %sign3A_291 = arith.extui %sign3A_290 : i1 to i32
      %sign3A_292 = arith.subi %sign3A_288, %sign3A_291 : i32
      %ne3A = arith.cmpi ne, %sign3A_285, %sign3A_292 : i32
      %rem3A_293 = arith.remsi %add3A_279, %jit3A : i32
      %ne3A_294 = arith.constant 0 : i32
      %ne3A_295 = arith.cmpi ne, %rem3A_293, %ne3A_294 : i32
      %and3A = arith.andi %ne3A, %ne3A_295 : i1
      %sub3A = arith.constant 1 : i32
      %sub3A_296 = arith.subi %div3A, %sub3A : i32
      %select_n3A = arith.select %and3A, %sub3A_296, %div3A : i32
      %rem3A_297 = arith.constant 16384 : i32
      %rem3A_298 = arith.remsi %add3A_279, %rem3A_297 : i32
      %mul3A_299 = arith.constant 16 : i32
      %mul3A_300 = arith.muli %select_n3A, %mul3A_299 : i32
      %add3A_301 = arith.constant 0 : i32
      %add3A_302 = arith.addi %mul3A_300, %add3A_301 : i32
      %mul3A_303 = arith.constant 16384 : i32
      %mul3A_304 = arith.muli %add3A_302, %mul3A_303 : i32
      %add3A_305 = arith.addi %mul3A_304, %rem3A_298 : i32
      %dma_start3A_306 = arith.constant 0 : i32
      %dma_start3A_307 = tpu.memref_slice %arg7[%dma_start3A_306] : memref<16512xf32, #tpu.memory_space<vmem>> -> memref<1024xf32, #tpu.memory_space<vmem>>
      %dma_start3A_308 = tpu.memref_slice %arg4[%add3A_305] : memref<5242880xf32, #tpu.memory_space<hbm>> -> memref<1024xf32, #tpu.memory_space<hbm>>
      %dma_start3A_309 = tpu.memref_slice %arg4[%add3A_305] : memref<5242880xf32, #tpu.memory_space<hbm>> -> memref<1024xf32, #tpu.memory_space<hbm>>
      %dma_start3A_310 = arith.constant 0 : i32
      %dma_start3A_311 = tpu.memref_slice %arg7[%dma_start3A_310] : memref<16512xf32, #tpu.memory_space<vmem>> -> memref<1024xf32, #tpu.memory_space<vmem>>
      tpu.enqueue_dma source(%dma_start3A_311 : memref<1024xf32, #tpu.memory_space<vmem>>) target(%dma_start3A_309 : memref<1024xf32, #tpu.memory_space<hbm>>) target_semaphore(%arg9 : memref<!tpu.dma_semaphore, #tpu.memory_space<semaphore_mem>>)
      %mul3A_312 = arith.constant 16 : i32
      %mul3A_313 = arith.muli %select_n3A, %mul3A_312 : i32
      %add3A_314 = arith.constant 1 : i32
      %add3A_315 = arith.addi %mul3A_313, %add3A_314 : i32
      %mul3A_316 = arith.constant 16384 : i32
      %mul3A_317 = arith.muli %add3A_315, %mul3A_316 : i32
      %add3A_318 = arith.addi %mul3A_317, %rem3A_298 : i32
      %dma_start3A_319 = arith.constant 1032 : i32
      %dma_start3A_320 = tpu.memref_slice %arg7[%dma_start3A_319] : memref<16512xf32, #tpu.memory_space<vmem>> -> memref<1024xf32, #tpu.memory_space<vmem>>
      %dma_start3A_321 = tpu.memref_slice %arg4[%add3A_318] : memref<5242880xf32, #tpu.memory_space<hbm>> -> memref<1024xf32, #tpu.memory_space<hbm>>
      %dma_start3A_322 = tpu.memref_slice %arg4[%add3A_318] : memref<5242880xf32, #tpu.memory_space<hbm>> -> memref<1024xf32, #tpu.memory_space<hbm>>
      %dma_start3A_323 = arith.constant 1032 : i32
      %dma_start3A_324 = tpu.memref_slice %arg7[%dma_start3A_323] : memref<16512xf32, #tpu.memory_space<vmem>> -> memref<1024xf32, #tpu.memory_space<vmem>>
      tpu.enqueue_dma source(%dma_start3A_324 : memref<1024xf32, #tpu.memory_space<vmem>>) target(%dma_start3A_322 : memref<1024xf32, #tpu.memory_space<hbm>>) target_semaphore(%arg9 : memref<!tpu.dma_semaphore, #tpu.memory_space<semaphore_mem>>)
      %mul3A_325 = arith.constant 16 : i32
      %mul3A_326 = arith.muli %select_n3A, %mul3A_325 : i32
      %add3A_327 = arith.constant 2 : i32
      %add3A_328 = arith.addi %mul3A_326, %add3A_327 : i32
      %mul3A_329 = arith.constant 16384 : i32
      %mul3A_330 = arith.muli %add3A_328, %mul3A_329 : i32
      %add3A_331 = arith.addi %mul3A_330, %rem3A_298 : i32
      %dma_start3A_332 = arith.constant 2064 : i32
      %dma_start3A_333 = tpu.memref_slice %arg7[%dma_start3A_332] : memref<16512xf32, #tpu.memory_space<vmem>> -> memref<1024xf32, #tpu.memory_space<vmem>>
      %dma_start3A_334 = tpu.memref_slice %arg4[%add3A_331] : memref<5242880xf32, #tpu.memory_space<hbm>> -> memref<1024xf32, #tpu.memory_space<hbm>>
      %dma_start3A_335 = tpu.memref_slice %arg4[%add3A_331] : memref<5242880xf32, #tpu.memory_space<hbm>> -> memref<1024xf32, #tpu.memory_space<hbm>>
      %dma_start3A_336 = arith.constant 2064 : i32
      %dma_start3A_337 = tpu.memref_slice %arg7[%dma_start3A_336] : memref<16512xf32, #tpu.memory_space<vmem>> -> memref<1024xf32, #tpu.memory_space<vmem>>
      tpu.enqueue_dma source(%dma_start3A_337 : memref<1024xf32, #tpu.memory_space<vmem>>) target(%dma_start3A_335 : memref<1024xf32, #tpu.memory_space<hbm>>) target_semaphore(%arg9 : memref<!tpu.dma_semaphore, #tpu.memory_space<semaphore_mem>>)
      %mul3A_338 = arith.constant 16 : i32
      %mul3A_339 = arith.muli %select_n3A, %mul3A_338 : i32
      %add3A_340 = arith.constant 3 : i32
      %add3A_341 = arith.addi %mul3A_339, %add3A_340 : i32
      %mul3A_342 = arith.constant 16384 : i32
      %mul3A_343 = arith.muli %add3A_341, %mul3A_342 : i32
      %add3A_344 = arith.addi %mul3A_343, %rem3A_298 : i32
      %dma_start3A_345 = arith.constant 3096 : i32
      %dma_start3A_346 = tpu.memref_slice %arg7[%dma_start3A_345] : memref<16512xf32, #tpu.memory_space<vmem>> -> memref<1024xf32, #tpu.memory_space<vmem>>
      %dma_start3A_347 = tpu.memref_slice %arg4[%add3A_344] : memref<5242880xf32, #tpu.memory_space<hbm>> -> memref<1024xf32, #tpu.memory_space<hbm>>
      %dma_start3A_348 = tpu.memref_slice %arg4[%add3A_344] : memref<5242880xf32, #tpu.memory_space<hbm>> -> memref<1024xf32, #tpu.memory_space<hbm>>
      %dma_start3A_349 = arith.constant 3096 : i32
      %dma_start3A_350 = tpu.memref_slice %arg7[%dma_start3A_349] : memref<16512xf32, #tpu.memory_space<vmem>> -> memref<1024xf32, #tpu.memory_space<vmem>>
      tpu.enqueue_dma source(%dma_start3A_350 : memref<1024xf32, #tpu.memory_space<vmem>>) target(%dma_start3A_348 : memref<1024xf32, #tpu.memory_space<hbm>>) target_semaphore(%arg9 : memref<!tpu.dma_semaphore, #tpu.memory_space<semaphore_mem>>)
      %mul3A_351 = arith.constant 16 : i32
      %mul3A_352 = arith.muli %select_n3A, %mul3A_351 : i32
      %add3A_353 = arith.constant 4 : i32
      %add3A_354 = arith.addi %mul3A_352, %add3A_353 : i32
      %mul3A_355 = arith.constant 16384 : i32
      %mul3A_356 = arith.muli %add3A_354, %mul3A_355 : i32
      %add3A_357 = arith.addi %mul3A_356, %rem3A_298 : i32
      %dma_start3A_358 = arith.constant 4128 : i32
      %dma_start3A_359 = tpu.memref_slice %arg7[%dma_start3A_358] : memref<16512xf32, #tpu.memory_space<vmem>> -> memref<1024xf32, #tpu.memory_space<vmem>>
      %dma_start3A_360 = tpu.memref_slice %arg4[%add3A_357] : memref<5242880xf32, #tpu.memory_space<hbm>> -> memref<1024xf32, #tpu.memory_space<hbm>>
      %dma_start3A_361 = tpu.memref_slice %arg4[%add3A_357] : memref<5242880xf32, #tpu.memory_space<hbm>> -> memref<1024xf32, #tpu.memory_space<hbm>>
      %dma_start3A_362 = arith.constant 4128 : i32
      %dma_start3A_363 = tpu.memref_slice %arg7[%dma_start3A_362] : memref<16512xf32, #tpu.memory_space<vmem>> -> memref<1024xf32, #tpu.memory_space<vmem>>
      tpu.enqueue_dma source(%dma_start3A_363 : memref<1024xf32, #tpu.memory_space<vmem>>) target(%dma_start3A_361 : memref<1024xf32, #tpu.memory_space<hbm>>) target_semaphore(%arg9 : memref<!tpu.dma_semaphore, #tpu.memory_space<semaphore_mem>>)
      %mul3A_364 = arith.constant 16 : i32
      %mul3A_365 = arith.muli %select_n3A, %mul3A_364 : i32
      %add3A_366 = arith.constant 5 : i32
      %add3A_367 = arith.addi %mul3A_365, %add3A_366 : i32
      %mul3A_368 = arith.constant 16384 : i32
      %mul3A_369 = arith.muli %add3A_367, %mul3A_368 : i32
      %add3A_370 = arith.addi %mul3A_369, %rem3A_298 : i32
      %dma_start3A_371 = arith.constant 5160 : i32
      %dma_start3A_372 = tpu.memref_slice %arg7[%dma_start3A_371] : memref<16512xf32, #tpu.memory_space<vmem>> -> memref<1024xf32, #tpu.memory_space<vmem>>
      %dma_start3A_373 = tpu.memref_slice %arg4[%add3A_370] : memref<5242880xf32, #tpu.memory_space<hbm>> -> memref<1024xf32, #tpu.memory_space<hbm>>
      %dma_start3A_374 = tpu.memref_slice %arg4[%add3A_370] : memref<5242880xf32, #tpu.memory_space<hbm>> -> memref<1024xf32, #tpu.memory_space<hbm>>
      %dma_start3A_375 = arith.constant 5160 : i32
      %dma_start3A_376 = tpu.memref_slice %arg7[%dma_start3A_375] : memref<16512xf32, #tpu.memory_space<vmem>> -> memref<1024xf32, #tpu.memory_space<vmem>>
      tpu.enqueue_dma source(%dma_start3A_376 : memref<1024xf32, #tpu.memory_space<vmem>>) target(%dma_start3A_374 : memref<1024xf32, #tpu.memory_space<hbm>>) target_semaphore(%arg9 : memref<!tpu.dma_semaphore, #tpu.memory_space<semaphore_mem>>)
      %mul3A_377 = arith.constant 16 : i32
      %mul3A_378 = arith.muli %select_n3A, %mul3A_377 : i32
      %add3A_379 = arith.constant 6 : i32
      %add3A_380 = arith.addi %mul3A_378, %add3A_379 : i32
      %mul3A_381 = arith.constant 16384 : i32
      %mul3A_382 = arith.muli %add3A_380, %mul3A_381 : i32
      %add3A_383 = arith.addi %mul3A_382, %rem3A_298 : i32
      %dma_start3A_384 = arith.constant 6192 : i32
      %dma_start3A_385 = tpu.memref_slice %arg7[%dma_start3A_384] : memref<16512xf32, #tpu.memory_space<vmem>> -> memref<1024xf32, #tpu.memory_space<vmem>>
      %dma_start3A_386 = tpu.memref_slice %arg4[%add3A_383] : memref<5242880xf32, #tpu.memory_space<hbm>> -> memref<1024xf32, #tpu.memory_space<hbm>>
      %dma_start3A_387 = tpu.memref_slice %arg4[%add3A_383] : memref<5242880xf32, #tpu.memory_space<hbm>> -> memref<1024xf32, #tpu.memory_space<hbm>>
      %dma_start3A_388 = arith.constant 6192 : i32
      %dma_start3A_389 = tpu.memref_slice %arg7[%dma_start3A_388] : memref<16512xf32, #tpu.memory_space<vmem>> -> memref<1024xf32, #tpu.memory_space<vmem>>
      tpu.enqueue_dma source(%dma_start3A_389 : memref<1024xf32, #tpu.memory_space<vmem>>) target(%dma_start3A_387 : memref<1024xf32, #tpu.memory_space<hbm>>) target_semaphore(%arg9 : memref<!tpu.dma_semaphore, #tpu.memory_space<semaphore_mem>>)
      %mul3A_390 = arith.constant 16 : i32
      %mul3A_391 = arith.muli %select_n3A, %mul3A_390 : i32
      %add3A_392 = arith.constant 7 : i32
      %add3A_393 = arith.addi %mul3A_391, %add3A_392 : i32
      %mul3A_394 = arith.constant 16384 : i32
      %mul3A_395 = arith.muli %add3A_393, %mul3A_394 : i32
      %add3A_396 = arith.addi %mul3A_395, %rem3A_298 : i32
      %dma_start3A_397 = arith.constant 7224 : i32
      %dma_start3A_398 = tpu.memref_slice %arg7[%dma_start3A_397] : memref<16512xf32, #tpu.memory_space<vmem>> -> memref<1024xf32, #tpu.memory_space<vmem>>
      %dma_start3A_399 = tpu.memref_slice %arg4[%add3A_396] : memref<5242880xf32, #tpu.memory_space<hbm>> -> memref<1024xf32, #tpu.memory_space<hbm>>
      %dma_start3A_400 = tpu.memref_slice %arg4[%add3A_396] : memref<5242880xf32, #tpu.memory_space<hbm>> -> memref<1024xf32, #tpu.memory_space<hbm>>
      %dma_start3A_401 = arith.constant 7224 : i32
      %dma_start3A_402 = tpu.memref_slice %arg7[%dma_start3A_401] : memref<16512xf32, #tpu.memory_space<vmem>> -> memref<1024xf32, #tpu.memory_space<vmem>>
      tpu.enqueue_dma source(%dma_start3A_402 : memref<1024xf32, #tpu.memory_space<vmem>>) target(%dma_start3A_400 : memref<1024xf32, #tpu.memory_space<hbm>>) target_semaphore(%arg9 : memref<!tpu.dma_semaphore, #tpu.memory_space<semaphore_mem>>)
      %mul3A_403 = arith.constant 16 : i32
      %mul3A_404 = arith.muli %select_n3A, %mul3A_403 : i32
      %add3A_405 = arith.constant 8 : i32
      %add3A_406 = arith.addi %mul3A_404, %add3A_405 : i32
      %mul3A_407 = arith.constant 16384 : i32
      %mul3A_408 = arith.muli %add3A_406, %mul3A_407 : i32
      %add3A_409 = arith.addi %mul3A_408, %rem3A_298 : i32
      %dma_start3A_410 = arith.constant 8256 : i32
      %dma_start3A_411 = tpu.memref_slice %arg7[%dma_start3A_410] : memref<16512xf32, #tpu.memory_space<vmem>> -> memref<1024xf32, #tpu.memory_space<vmem>>
      %dma_start3A_412 = tpu.memref_slice %arg4[%add3A_409] : memref<5242880xf32, #tpu.memory_space<hbm>> -> memref<1024xf32, #tpu.memory_space<hbm>>
      %dma_start3A_413 = tpu.memref_slice %arg4[%add3A_409] : memref<5242880xf32, #tpu.memory_space<hbm>> -> memref<1024xf32, #tpu.memory_space<hbm>>
      %dma_start3A_414 = arith.constant 8256 : i32
      %dma_start3A_415 = tpu.memref_slice %arg7[%dma_start3A_414] : memref<16512xf32, #tpu.memory_space<vmem>> -> memref<1024xf32, #tpu.memory_space<vmem>>
      tpu.enqueue_dma source(%dma_start3A_415 : memref<1024xf32, #tpu.memory_space<vmem>>) target(%dma_start3A_413 : memref<1024xf32, #tpu.memory_space<hbm>>) target_semaphore(%arg9 : memref<!tpu.dma_semaphore, #tpu.memory_space<semaphore_mem>>)
      %mul3A_416 = arith.constant 16 : i32
      %mul3A_417 = arith.muli %select_n3A, %mul3A_416 : i32
      %add3A_418 = arith.constant 9 : i32
      %add3A_419 = arith.addi %mul3A_417, %add3A_418 : i32
      %mul3A_420 = arith.constant 16384 : i32
      %mul3A_421 = arith.muli %add3A_419, %mul3A_420 : i32
      %add3A_422 = arith.addi %mul3A_421, %rem3A_298 : i32
      %dma_start3A_423 = arith.constant 9288 : i32
      %dma_start3A_424 = tpu.memref_slice %arg7[%dma_start3A_423] : memref<16512xf32, #tpu.memory_space<vmem>> -> memref<1024xf32, #tpu.memory_space<vmem>>
      %dma_start3A_425 = tpu.memref_slice %arg4[%add3A_422] : memref<5242880xf32, #tpu.memory_space<hbm>> -> memref<1024xf32, #tpu.memory_space<hbm>>
      %dma_start3A_426 = tpu.memref_slice %arg4[%add3A_422] : memref<5242880xf32, #tpu.memory_space<hbm>> -> memref<1024xf32, #tpu.memory_space<hbm>>
      %dma_start3A_427 = arith.constant 9288 : i32
      %dma_start3A_428 = tpu.memref_slice %arg7[%dma_start3A_427] : memref<16512xf32, #tpu.memory_space<vmem>> -> memref<1024xf32, #tpu.memory_space<vmem>>
      tpu.enqueue_dma source(%dma_start3A_428 : memref<1024xf32, #tpu.memory_space<vmem>>) target(%dma_start3A_426 : memref<1024xf32, #tpu.memory_space<hbm>>) target_semaphore(%arg9 : memref<!tpu.dma_semaphore, #tpu.memory_space<semaphore_mem>>)
      %mul3A_429 = arith.constant 16 : i32
      %mul3A_430 = arith.muli %select_n3A, %mul3A_429 : i32
      %add3A_431 = arith.constant 10 : i32
      %add3A_432 = arith.addi %mul3A_430, %add3A_431 : i32
      %mul3A_433 = arith.constant 16384 : i32
      %mul3A_434 = arith.muli %add3A_432, %mul3A_433 : i32
      %add3A_435 = arith.addi %mul3A_434, %rem3A_298 : i32
      %dma_start3A_436 = arith.constant 10320 : i32
      %dma_start3A_437 = tpu.memref_slice %arg7[%dma_start3A_436] : memref<16512xf32, #tpu.memory_space<vmem>> -> memref<1024xf32, #tpu.memory_space<vmem>>
      %dma_start3A_438 = tpu.memref_slice %arg4[%add3A_435] : memref<5242880xf32, #tpu.memory_space<hbm>> -> memref<1024xf32, #tpu.memory_space<hbm>>
      %dma_start3A_439 = tpu.memref_slice %arg4[%add3A_435] : memref<5242880xf32, #tpu.memory_space<hbm>> -> memref<1024xf32, #tpu.memory_space<hbm>>
      %dma_start3A_440 = arith.constant 10320 : i32
      %dma_start3A_441 = tpu.memref_slice %arg7[%dma_start3A_440] : memref<16512xf32, #tpu.memory_space<vmem>> -> memref<1024xf32, #tpu.memory_space<vmem>>
      tpu.enqueue_dma source(%dma_start3A_441 : memref<1024xf32, #tpu.memory_space<vmem>>) target(%dma_start3A_439 : memref<1024xf32, #tpu.memory_space<hbm>>) target_semaphore(%arg9 : memref<!tpu.dma_semaphore, #tpu.memory_space<semaphore_mem>>)
      %mul3A_442 = arith.constant 16 : i32
      %mul3A_443 = arith.muli %select_n3A, %mul3A_442 : i32
      %add3A_444 = arith.constant 11 : i32
      %add3A_445 = arith.addi %mul3A_443, %add3A_444 : i32
      %mul3A_446 = arith.constant 16384 : i32
      %mul3A_447 = arith.muli %add3A_445, %mul3A_446 : i32
      %add3A_448 = arith.addi %mul3A_447, %rem3A_298 : i32
      %dma_start3A_449 = arith.constant 11352 : i32
      %dma_start3A_450 = tpu.memref_slice %arg7[%dma_start3A_449] : memref<16512xf32, #tpu.memory_space<vmem>> -> memref<1024xf32, #tpu.memory_space<vmem>>
      %dma_start3A_451 = tpu.memref_slice %arg4[%add3A_448] : memref<5242880xf32, #tpu.memory_space<hbm>> -> memref<1024xf32, #tpu.memory_space<hbm>>
      %dma_start3A_452 = tpu.memref_slice %arg4[%add3A_448] : memref<5242880xf32, #tpu.memory_space<hbm>> -> memref<1024xf32, #tpu.memory_space<hbm>>
      %dma_start3A_453 = arith.constant 11352 : i32
      %dma_start3A_454 = tpu.memref_slice %arg7[%dma_start3A_453] : memref<16512xf32, #tpu.memory_space<vmem>> -> memref<1024xf32, #tpu.memory_space<vmem>>
      tpu.enqueue_dma source(%dma_start3A_454 : memref<1024xf32, #tpu.memory_space<vmem>>) target(%dma_start3A_452 : memref<1024xf32, #tpu.memory_space<hbm>>) target_semaphore(%arg9 : memref<!tpu.dma_semaphore, #tpu.memory_space<semaphore_mem>>)
      %mul3A_455 = arith.constant 16 : i32
      %mul3A_456 = arith.muli %select_n3A, %mul3A_455 : i32
      %add3A_457 = arith.constant 12 : i32
      %add3A_458 = arith.addi %mul3A_456, %add3A_457 : i32
      %mul3A_459 = arith.constant 16384 : i32
      %mul3A_460 = arith.muli %add3A_458, %mul3A_459 : i32
      %add3A_461 = arith.addi %mul3A_460, %rem3A_298 : i32
      %dma_start3A_462 = arith.constant 12384 : i32
      %dma_start3A_463 = tpu.memref_slice %arg7[%dma_start3A_462] : memref<16512xf32, #tpu.memory_space<vmem>> -> memref<1024xf32, #tpu.memory_space<vmem>>
      %dma_start3A_464 = tpu.memref_slice %arg4[%add3A_461] : memref<5242880xf32, #tpu.memory_space<hbm>> -> memref<1024xf32, #tpu.memory_space<hbm>>
      %dma_start3A_465 = tpu.memref_slice %arg4[%add3A_461] : memref<5242880xf32, #tpu.memory_space<hbm>> -> memref<1024xf32, #tpu.memory_space<hbm>>
      %dma_start3A_466 = arith.constant 12384 : i32
      %dma_start3A_467 = tpu.memref_slice %arg7[%dma_start3A_466] : memref<16512xf32, #tpu.memory_space<vmem>> -> memref<1024xf32, #tpu.memory_space<vmem>>
      tpu.enqueue_dma source(%dma_start3A_467 : memref<1024xf32, #tpu.memory_space<vmem>>) target(%dma_start3A_465 : memref<1024xf32, #tpu.memory_space<hbm>>) target_semaphore(%arg9 : memref<!tpu.dma_semaphore, #tpu.memory_space<semaphore_mem>>)
      %mul3A_468 = arith.constant 16 : i32
      %mul3A_469 = arith.muli %select_n3A, %mul3A_468 : i32
      %add3A_470 = arith.constant 13 : i32
      %add3A_471 = arith.addi %mul3A_469, %add3A_470 : i32
      %mul3A_472 = arith.constant 16384 : i32
      %mul3A_473 = arith.muli %add3A_471, %mul3A_472 : i32
      %add3A_474 = arith.addi %mul3A_473, %rem3A_298 : i32
      %dma_start3A_475 = arith.constant 13416 : i32
      %dma_start3A_476 = tpu.memref_slice %arg7[%dma_start3A_475] : memref<16512xf32, #tpu.memory_space<vmem>> -> memref<1024xf32, #tpu.memory_space<vmem>>
      %dma_start3A_477 = tpu.memref_slice %arg4[%add3A_474] : memref<5242880xf32, #tpu.memory_space<hbm>> -> memref<1024xf32, #tpu.memory_space<hbm>>
      %dma_start3A_478 = tpu.memref_slice %arg4[%add3A_474] : memref<5242880xf32, #tpu.memory_space<hbm>> -> memref<1024xf32, #tpu.memory_space<hbm>>
      %dma_start3A_479 = arith.constant 13416 : i32
      %dma_start3A_480 = tpu.memref_slice %arg7[%dma_start3A_479] : memref<16512xf32, #tpu.memory_space<vmem>> -> memref<1024xf32, #tpu.memory_space<vmem>>
      tpu.enqueue_dma source(%dma_start3A_480 : memref<1024xf32, #tpu.memory_space<vmem>>) target(%dma_start3A_478 : memref<1024xf32, #tpu.memory_space<hbm>>) target_semaphore(%arg9 : memref<!tpu.dma_semaphore, #tpu.memory_space<semaphore_mem>>)
      %mul3A_481 = arith.constant 16 : i32
      %mul3A_482 = arith.muli %select_n3A, %mul3A_481 : i32
      %add3A_483 = arith.constant 14 : i32
      %add3A_484 = arith.addi %mul3A_482, %add3A_483 : i32
      %mul3A_485 = arith.constant 16384 : i32
      %mul3A_486 = arith.muli %add3A_484, %mul3A_485 : i32
      %add3A_487 = arith.addi %mul3A_486, %rem3A_298 : i32
      %dma_start3A_488 = arith.constant 14448 : i32
      %dma_start3A_489 = tpu.memref_slice %arg7[%dma_start3A_488] : memref<16512xf32, #tpu.memory_space<vmem>> -> memref<1024xf32, #tpu.memory_space<vmem>>
      %dma_start3A_490 = tpu.memref_slice %arg4[%add3A_487] : memref<5242880xf32, #tpu.memory_space<hbm>> -> memref<1024xf32, #tpu.memory_space<hbm>>
      %dma_start3A_491 = tpu.memref_slice %arg4[%add3A_487] : memref<5242880xf32, #tpu.memory_space<hbm>> -> memref<1024xf32, #tpu.memory_space<hbm>>
      %dma_start3A_492 = arith.constant 14448 : i32
      %dma_start3A_493 = tpu.memref_slice %arg7[%dma_start3A_492] : memref<16512xf32, #tpu.memory_space<vmem>> -> memref<1024xf32, #tpu.memory_space<vmem>>
      tpu.enqueue_dma source(%dma_start3A_493 : memref<1024xf32, #tpu.memory_space<vmem>>) target(%dma_start3A_491 : memref<1024xf32, #tpu.memory_space<hbm>>) target_semaphore(%arg9 : memref<!tpu.dma_semaphore, #tpu.memory_space<semaphore_mem>>)
      %mul3A_494 = arith.constant 16 : i32
      %mul3A_495 = arith.muli %select_n3A, %mul3A_494 : i32
      %add3A_496 = arith.constant 15 : i32
      %add3A_497 = arith.addi %mul3A_495, %add3A_496 : i32
      %mul3A_498 = arith.constant 16384 : i32
      %mul3A_499 = arith.muli %add3A_497, %mul3A_498 : i32
      %add3A_500 = arith.addi %mul3A_499, %rem3A_298 : i32
      %dma_start3A_501 = arith.constant 15480 : i32
      %dma_start3A_502 = tpu.memref_slice %arg7[%dma_start3A_501] : memref<16512xf32, #tpu.memory_space<vmem>> -> memref<1024xf32, #tpu.memory_space<vmem>>
      %dma_start3A_503 = tpu.memref_slice %arg4[%add3A_500] : memref<5242880xf32, #tpu.memory_space<hbm>> -> memref<1024xf32, #tpu.memory_space<hbm>>
      %dma_start3A_504 = tpu.memref_slice %arg4[%add3A_500] : memref<5242880xf32, #tpu.memory_space<hbm>> -> memref<1024xf32, #tpu.memory_space<hbm>>
      %dma_start3A_505 = arith.constant 15480 : i32
      %dma_start3A_506 = tpu.memref_slice %arg7[%dma_start3A_505] : memref<16512xf32, #tpu.memory_space<vmem>> -> memref<1024xf32, #tpu.memory_space<vmem>>
      tpu.enqueue_dma source(%dma_start3A_506 : memref<1024xf32, #tpu.memory_space<vmem>>) target(%dma_start3A_504 : memref<1024xf32, #tpu.memory_space<hbm>>) target_semaphore(%arg9 : memref<!tpu.dma_semaphore, #tpu.memory_space<semaphore_mem>>)
      %dma_wait3A_507 = arith.constant 0 : i32
      %dma_wait3A_508 = tpu.memref_slice %arg7[%dma_wait3A_507] : memref<16512xf32, #tpu.memory_space<vmem>> -> memref<1024xf32, #tpu.memory_space<vmem>>
      %dma_wait3A_509 = tpu.memref_slice %arg4[%add3A_305] : memref<5242880xf32, #tpu.memory_space<hbm>> -> memref<1024xf32, #tpu.memory_space<hbm>>
      %dma_wait3A_510 = tpu.memref_slice %arg4[%add3A_305] : memref<5242880xf32, #tpu.memory_space<hbm>> -> memref<1024xf32, #tpu.memory_space<hbm>>
      %dma_wait3A_511 = arith.constant 0 : i32
      %dma_wait3A_512 = tpu.memref_slice %arg7[%dma_wait3A_511] : memref<16512xf32, #tpu.memory_space<vmem>> -> memref<1024xf32, #tpu.memory_space<vmem>>
      tpu.wait_dma2 semaphore(%arg9 : memref<!tpu.dma_semaphore, #tpu.memory_space<semaphore_mem>>) src(%dma_wait3A_512 : memref<1024xf32, #tpu.memory_space<vmem>>) dst(%dma_wait3A_510 : memref<1024xf32, #tpu.memory_space<hbm>>)
      %dma_wait3A_513 = arith.constant 1032 : i32
      %dma_wait3A_514 = tpu.memref_slice %arg7[%dma_wait3A_513] : memref<16512xf32, #tpu.memory_space<vmem>> -> memref<1024xf32, #tpu.memory_space<vmem>>
      %dma_wait3A_515 = tpu.memref_slice %arg4[%add3A_318] : memref<5242880xf32, #tpu.memory_space<hbm>> -> memref<1024xf32, #tpu.memory_space<hbm>>
      %dma_wait3A_516 = tpu.memref_slice %arg4[%add3A_318] : memref<5242880xf32, #tpu.memory_space<hbm>> -> memref<1024xf32, #tpu.memory_space<hbm>>
      %dma_wait3A_517 = arith.constant 1032 : i32
      %dma_wait3A_518 = tpu.memref_slice %arg7[%dma_wait3A_517] : memref<16512xf32, #tpu.memory_space<vmem>> -> memref<1024xf32, #tpu.memory_space<vmem>>
      tpu.wait_dma2 semaphore(%arg9 : memref<!tpu.dma_semaphore, #tpu.memory_space<semaphore_mem>>) src(%dma_wait3A_518 : memref<1024xf32, #tpu.memory_space<vmem>>) dst(%dma_wait3A_516 : memref<1024xf32, #tpu.memory_space<hbm>>)
      %dma_wait3A_519 = arith.constant 2064 : i32
      %dma_wait3A_520 = tpu.memref_slice %arg7[%dma_wait3A_519] : memref<16512xf32, #tpu.memory_space<vmem>> -> memref<1024xf32, #tpu.memory_space<vmem>>
      %dma_wait3A_521 = tpu.memref_slice %arg4[%add3A_331] : memref<5242880xf32, #tpu.memory_space<hbm>> -> memref<1024xf32, #tpu.memory_space<hbm>>
      %dma_wait3A_522 = tpu.memref_slice %arg4[%add3A_331] : memref<5242880xf32, #tpu.memory_space<hbm>> -> memref<1024xf32, #tpu.memory_space<hbm>>
      %dma_wait3A_523 = arith.constant 2064 : i32
      %dma_wait3A_524 = tpu.memref_slice %arg7[%dma_wait3A_523] : memref<16512xf32, #tpu.memory_space<vmem>> -> memref<1024xf32, #tpu.memory_space<vmem>>
      tpu.wait_dma2 semaphore(%arg9 : memref<!tpu.dma_semaphore, #tpu.memory_space<semaphore_mem>>) src(%dma_wait3A_524 : memref<1024xf32, #tpu.memory_space<vmem>>) dst(%dma_wait3A_522 : memref<1024xf32, #tpu.memory_space<hbm>>)
      %dma_wait3A_525 = arith.constant 3096 : i32
      %dma_wait3A_526 = tpu.memref_slice %arg7[%dma_wait3A_525] : memref<16512xf32, #tpu.memory_space<vmem>> -> memref<1024xf32, #tpu.memory_space<vmem>>
      %dma_wait3A_527 = tpu.memref_slice %arg4[%add3A_344] : memref<5242880xf32, #tpu.memory_space<hbm>> -> memref<1024xf32, #tpu.memory_space<hbm>>
      %dma_wait3A_528 = tpu.memref_slice %arg4[%add3A_344] : memref<5242880xf32, #tpu.memory_space<hbm>> -> memref<1024xf32, #tpu.memory_space<hbm>>
      %dma_wait3A_529 = arith.constant 3096 : i32
      %dma_wait3A_530 = tpu.memref_slice %arg7[%dma_wait3A_529] : memref<16512xf32, #tpu.memory_space<vmem>> -> memref<1024xf32, #tpu.memory_space<vmem>>
      tpu.wait_dma2 semaphore(%arg9 : memref<!tpu.dma_semaphore, #tpu.memory_space<semaphore_mem>>) src(%dma_wait3A_530 : memref<1024xf32, #tpu.memory_space<vmem>>) dst(%dma_wait3A_528 : memref<1024xf32, #tpu.memory_space<hbm>>)
      %dma_wait3A_531 = arith.constant 4128 : i32
      %dma_wait3A_532 = tpu.memref_slice %arg7[%dma_wait3A_531] : memref<16512xf32, #tpu.memory_space<vmem>> -> memref<1024xf32, #tpu.memory_space<vmem>>
      %dma_wait3A_533 = tpu.memref_slice %arg4[%add3A_357] : memref<5242880xf32, #tpu.memory_space<hbm>> -> memref<1024xf32, #tpu.memory_space<hbm>>
      %dma_wait3A_534 = tpu.memref_slice %arg4[%add3A_357] : memref<5242880xf32, #tpu.memory_space<hbm>> -> memref<1024xf32, #tpu.memory_space<hbm>>
      %dma_wait3A_535 = arith.constant 4128 : i32
      %dma_wait3A_536 = tpu.memref_slice %arg7[%dma_wait3A_535] : memref<16512xf32, #tpu.memory_space<vmem>> -> memref<1024xf32, #tpu.memory_space<vmem>>
      tpu.wait_dma2 semaphore(%arg9 : memref<!tpu.dma_semaphore, #tpu.memory_space<semaphore_mem>>) src(%dma_wait3A_536 : memref<1024xf32, #tpu.memory_space<vmem>>) dst(%dma_wait3A_534 : memref<1024xf32, #tpu.memory_space<hbm>>)
      %dma_wait3A_537 = arith.constant 5160 : i32
      %dma_wait3A_538 = tpu.memref_slice %arg7[%dma_wait3A_537] : memref<16512xf32, #tpu.memory_space<vmem>> -> memref<1024xf32, #tpu.memory_space<vmem>>
      %dma_wait3A_539 = tpu.memref_slice %arg4[%add3A_370] : memref<5242880xf32, #tpu.memory_space<hbm>> -> memref<1024xf32, #tpu.memory_space<hbm>>
      %dma_wait3A_540 = tpu.memref_slice %arg4[%add3A_370] : memref<5242880xf32, #tpu.memory_space<hbm>> -> memref<1024xf32, #tpu.memory_space<hbm>>
      %dma_wait3A_541 = arith.constant 5160 : i32
      %dma_wait3A_542 = tpu.memref_slice %arg7[%dma_wait3A_541] : memref<16512xf32, #tpu.memory_space<vmem>> -> memref<1024xf32, #tpu.memory_space<vmem>>
      tpu.wait_dma2 semaphore(%arg9 : memref<!tpu.dma_semaphore, #tpu.memory_space<semaphore_mem>>) src(%dma_wait3A_542 : memref<1024xf32, #tpu.memory_space<vmem>>) dst(%dma_wait3A_540 : memref<1024xf32, #tpu.memory_space<hbm>>)
      %dma_wait3A_543 = arith.constant 6192 : i32
      %dma_wait3A_544 = tpu.memref_slice %arg7[%dma_wait3A_543] : memref<16512xf32, #tpu.memory_space<vmem>> -> memref<1024xf32, #tpu.memory_space<vmem>>
      %dma_wait3A_545 = tpu.memref_slice %arg4[%add3A_383] : memref<5242880xf32, #tpu.memory_space<hbm>> -> memref<1024xf32, #tpu.memory_space<hbm>>
      %dma_wait3A_546 = tpu.memref_slice %arg4[%add3A_383] : memref<5242880xf32, #tpu.memory_space<hbm>> -> memref<1024xf32, #tpu.memory_space<hbm>>
      %dma_wait3A_547 = arith.constant 6192 : i32
      %dma_wait3A_548 = tpu.memref_slice %arg7[%dma_wait3A_547] : memref<16512xf32, #tpu.memory_space<vmem>> -> memref<1024xf32, #tpu.memory_space<vmem>>
      tpu.wait_dma2 semaphore(%arg9 : memref<!tpu.dma_semaphore, #tpu.memory_space<semaphore_mem>>) src(%dma_wait3A_548 : memref<1024xf32, #tpu.memory_space<vmem>>) dst(%dma_wait3A_546 : memref<1024xf32, #tpu.memory_space<hbm>>)
      %dma_wait3A_549 = arith.constant 7224 : i32
      %dma_wait3A_550 = tpu.memref_slice %arg7[%dma_wait3A_549] : memref<16512xf32, #tpu.memory_space<vmem>> -> memref<1024xf32, #tpu.memory_space<vmem>>
      %dma_wait3A_551 = tpu.memref_slice %arg4[%add3A_396] : memref<5242880xf32, #tpu.memory_space<hbm>> -> memref<1024xf32, #tpu.memory_space<hbm>>
      %dma_wait3A_552 = tpu.memref_slice %arg4[%add3A_396] : memref<5242880xf32, #tpu.memory_space<hbm>> -> memref<1024xf32, #tpu.memory_space<hbm>>
      %dma_wait3A_553 = arith.constant 7224 : i32
      %dma_wait3A_554 = tpu.memref_slice %arg7[%dma_wait3A_553] : memref<16512xf32, #tpu.memory_space<vmem>> -> memref<1024xf32, #tpu.memory_space<vmem>>
      tpu.wait_dma2 semaphore(%arg9 : memref<!tpu.dma_semaphore, #tpu.memory_space<semaphore_mem>>) src(%dma_wait3A_554 : memref<1024xf32, #tpu.memory_space<vmem>>) dst(%dma_wait3A_552 : memref<1024xf32, #tpu.memory_space<hbm>>)
      %dma_wait3A_555 = arith.constant 8256 : i32
      %dma_wait3A_556 = tpu.memref_slice %arg7[%dma_wait3A_555] : memref<16512xf32, #tpu.memory_space<vmem>> -> memref<1024xf32, #tpu.memory_space<vmem>>
      %dma_wait3A_557 = tpu.memref_slice %arg4[%add3A_409] : memref<5242880xf32, #tpu.memory_space<hbm>> -> memref<1024xf32, #tpu.memory_space<hbm>>
      %dma_wait3A_558 = tpu.memref_slice %arg4[%add3A_409] : memref<5242880xf32, #tpu.memory_space<hbm>> -> memref<1024xf32, #tpu.memory_space<hbm>>
      %dma_wait3A_559 = arith.constant 8256 : i32
      %dma_wait3A_560 = tpu.memref_slice %arg7[%dma_wait3A_559] : memref<16512xf32, #tpu.memory_space<vmem>> -> memref<1024xf32, #tpu.memory_space<vmem>>
      tpu.wait_dma2 semaphore(%arg9 : memref<!tpu.dma_semaphore, #tpu.memory_space<semaphore_mem>>) src(%dma_wait3A_560 : memref<1024xf32, #tpu.memory_space<vmem>>) dst(%dma_wait3A_558 : memref<1024xf32, #tpu.memory_space<hbm>>)
      %dma_wait3A_561 = arith.constant 9288 : i32
      %dma_wait3A_562 = tpu.memref_slice %arg7[%dma_wait3A_561] : memref<16512xf32, #tpu.memory_space<vmem>> -> memref<1024xf32, #tpu.memory_space<vmem>>
      %dma_wait3A_563 = tpu.memref_slice %arg4[%add3A_422] : memref<5242880xf32, #tpu.memory_space<hbm>> -> memref<1024xf32, #tpu.memory_space<hbm>>
      %dma_wait3A_564 = tpu.memref_slice %arg4[%add3A_422] : memref<5242880xf32, #tpu.memory_space<hbm>> -> memref<1024xf32, #tpu.memory_space<hbm>>
      %dma_wait3A_565 = arith.constant 9288 : i32
      %dma_wait3A_566 = tpu.memref_slice %arg7[%dma_wait3A_565] : memref<16512xf32, #tpu.memory_space<vmem>> -> memref<1024xf32, #tpu.memory_space<vmem>>
      tpu.wait_dma2 semaphore(%arg9 : memref<!tpu.dma_semaphore, #tpu.memory_space<semaphore_mem>>) src(%dma_wait3A_566 : memref<1024xf32, #tpu.memory_space<vmem>>) dst(%dma_wait3A_564 : memref<1024xf32, #tpu.memory_space<hbm>>)
      %dma_wait3A_567 = arith.constant 10320 : i32
      %dma_wait3A_568 = tpu.memref_slice %arg7[%dma_wait3A_567] : memref<16512xf32, #tpu.memory_space<vmem>> -> memref<1024xf32, #tpu.memory_space<vmem>>
      %dma_wait3A_569 = tpu.memref_slice %arg4[%add3A_435] : memref<5242880xf32, #tpu.memory_space<hbm>> -> memref<1024xf32, #tpu.memory_space<hbm>>
      %dma_wait3A_570 = tpu.memref_slice %arg4[%add3A_435] : memref<5242880xf32, #tpu.memory_space<hbm>> -> memref<1024xf32, #tpu.memory_space<hbm>>
      %dma_wait3A_571 = arith.constant 10320 : i32
      %dma_wait3A_572 = tpu.memref_slice %arg7[%dma_wait3A_571] : memref<16512xf32, #tpu.memory_space<vmem>> -> memref<1024xf32, #tpu.memory_space<vmem>>
      tpu.wait_dma2 semaphore(%arg9 : memref<!tpu.dma_semaphore, #tpu.memory_space<semaphore_mem>>) src(%dma_wait3A_572 : memref<1024xf32, #tpu.memory_space<vmem>>) dst(%dma_wait3A_570 : memref<1024xf32, #tpu.memory_space<hbm>>)
      %dma_wait3A_573 = arith.constant 11352 : i32
      %dma_wait3A_574 = tpu.memref_slice %arg7[%dma_wait3A_573] : memref<16512xf32, #tpu.memory_space<vmem>> -> memref<1024xf32, #tpu.memory_space<vmem>>
      %dma_wait3A_575 = tpu.memref_slice %arg4[%add3A_448] : memref<5242880xf32, #tpu.memory_space<hbm>> -> memref<1024xf32, #tpu.memory_space<hbm>>
      %dma_wait3A_576 = tpu.memref_slice %arg4[%add3A_448] : memref<5242880xf32, #tpu.memory_space<hbm>> -> memref<1024xf32, #tpu.memory_space<hbm>>
      %dma_wait3A_577 = arith.constant 11352 : i32
      %dma_wait3A_578 = tpu.memref_slice %arg7[%dma_wait3A_577] : memref<16512xf32, #tpu.memory_space<vmem>> -> memref<1024xf32, #tpu.memory_space<vmem>>
      tpu.wait_dma2 semaphore(%arg9 : memref<!tpu.dma_semaphore, #tpu.memory_space<semaphore_mem>>) src(%dma_wait3A_578 : memref<1024xf32, #tpu.memory_space<vmem>>) dst(%dma_wait3A_576 : memref<1024xf32, #tpu.memory_space<hbm>>)
      %dma_wait3A_579 = arith.constant 12384 : i32
      %dma_wait3A_580 = tpu.memref_slice %arg7[%dma_wait3A_579] : memref<16512xf32, #tpu.memory_space<vmem>> -> memref<1024xf32, #tpu.memory_space<vmem>>
      %dma_wait3A_581 = tpu.memref_slice %arg4[%add3A_461] : memref<5242880xf32, #tpu.memory_space<hbm>> -> memref<1024xf32, #tpu.memory_space<hbm>>
      %dma_wait3A_582 = tpu.memref_slice %arg4[%add3A_461] : memref<5242880xf32, #tpu.memory_space<hbm>> -> memref<1024xf32, #tpu.memory_space<hbm>>
      %dma_wait3A_583 = arith.constant 12384 : i32
      %dma_wait3A_584 = tpu.memref_slice %arg7[%dma_wait3A_583] : memref<16512xf32, #tpu.memory_space<vmem>> -> memref<1024xf32, #tpu.memory_space<vmem>>
      tpu.wait_dma2 semaphore(%arg9 : memref<!tpu.dma_semaphore, #tpu.memory_space<semaphore_mem>>) src(%dma_wait3A_584 : memref<1024xf32, #tpu.memory_space<vmem>>) dst(%dma_wait3A_582 : memref<1024xf32, #tpu.memory_space<hbm>>)
      %dma_wait3A_585 = arith.constant 13416 : i32
      %dma_wait3A_586 = tpu.memref_slice %arg7[%dma_wait3A_585] : memref<16512xf32, #tpu.memory_space<vmem>> -> memref<1024xf32, #tpu.memory_space<vmem>>
      %dma_wait3A_587 = tpu.memref_slice %arg4[%add3A_474] : memref<5242880xf32, #tpu.memory_space<hbm>> -> memref<1024xf32, #tpu.memory_space<hbm>>
      %dma_wait3A_588 = tpu.memref_slice %arg4[%add3A_474] : memref<5242880xf32, #tpu.memory_space<hbm>> -> memref<1024xf32, #tpu.memory_space<hbm>>
      %dma_wait3A_589 = arith.constant 13416 : i32
      %dma_wait3A_590 = tpu.memref_slice %arg7[%dma_wait3A_589] : memref<16512xf32, #tpu.memory_space<vmem>> -> memref<1024xf32, #tpu.memory_space<vmem>>
      tpu.wait_dma2 semaphore(%arg9 : memref<!tpu.dma_semaphore, #tpu.memory_space<semaphore_mem>>) src(%dma_wait3A_590 : memref<1024xf32, #tpu.memory_space<vmem>>) dst(%dma_wait3A_588 : memref<1024xf32, #tpu.memory_space<hbm>>)
      %dma_wait3A_591 = arith.constant 14448 : i32
      %dma_wait3A_592 = tpu.memref_slice %arg7[%dma_wait3A_591] : memref<16512xf32, #tpu.memory_space<vmem>> -> memref<1024xf32, #tpu.memory_space<vmem>>
      %dma_wait3A_593 = tpu.memref_slice %arg4[%add3A_487] : memref<5242880xf32, #tpu.memory_space<hbm>> -> memref<1024xf32, #tpu.memory_space<hbm>>
      %dma_wait3A_594 = tpu.memref_slice %arg4[%add3A_487] : memref<5242880xf32, #tpu.memory_space<hbm>> -> memref<1024xf32, #tpu.memory_space<hbm>>
      %dma_wait3A_595 = arith.constant 14448 : i32
      %dma_wait3A_596 = tpu.memref_slice %arg7[%dma_wait3A_595] : memref<16512xf32, #tpu.memory_space<vmem>> -> memref<1024xf32, #tpu.memory_space<vmem>>
      tpu.wait_dma2 semaphore(%arg9 : memref<!tpu.dma_semaphore, #tpu.memory_space<semaphore_mem>>) src(%dma_wait3A_596 : memref<1024xf32, #tpu.memory_space<vmem>>) dst(%dma_wait3A_594 : memref<1024xf32, #tpu.memory_space<hbm>>)
      %dma_wait3A_597 = arith.constant 15480 : i32
      %dma_wait3A_598 = tpu.memref_slice %arg7[%dma_wait3A_597] : memref<16512xf32, #tpu.memory_space<vmem>> -> memref<1024xf32, #tpu.memory_space<vmem>>
      %dma_wait3A_599 = tpu.memref_slice %arg4[%add3A_500] : memref<5242880xf32, #tpu.memory_space<hbm>> -> memref<1024xf32, #tpu.memory_space<hbm>>
      %dma_wait3A_600 = tpu.memref_slice %arg4[%add3A_500] : memref<5242880xf32, #tpu.memory_space<hbm>> -> memref<1024xf32, #tpu.memory_space<hbm>>
      %dma_wait3A_601 = arith.constant 15480 : i32
      %dma_wait3A_602 = tpu.memref_slice %arg7[%dma_wait3A_601] : memref<16512xf32, #tpu.memory_space<vmem>> -> memref<1024xf32, #tpu.memory_space<vmem>>
      tpu.wait_dma2 semaphore(%arg9 : memref<!tpu.dma_semaphore, #tpu.memory_space<semaphore_mem>>) src(%dma_wait3A_602 : memref<1024xf32, #tpu.memory_space<vmem>>) dst(%dma_wait3A_600 : memref<1024xf32, #tpu.memory_space<hbm>>)
    }
    %scan3A_127 = arith.constant 10 : i32
    return
  }
}

#map = affine_map<(d0, d1) -> (0, 0, 0)>
#map1 = affine_map<(d0, d1) -> (0, 0)>
#map2 = affine_map<(d0, d1) -> (0)>
module attributes {stable_mosaic.version = 14 : i64} {
  func.func @gather_kernel(%arg0: i32, %arg1: i32, %arg2: memref<32x80x128xi32, #tpu.memory_space<hbm>>, %arg3: memref<1000000x16xf32, #tpu.memory_space<hbm>>, %arg4: memref<5242880xf32, #tpu.memory_space<hbm>>, %arg5: memref<80x128xi32, #tpu.memory_space<vmem>>, %arg6: memref<2x1024x16xf32, #tpu.memory_space<vmem>>, %arg7: memref<16512xf32, #tpu.memory_space<vmem>>, %arg8: memref<!tpu.dma_semaphore, #tpu.memory_space<semaphore_mem>>, %arg9: memref<!tpu.dma_semaphore, #tpu.memory_space<semaphore_mem>>) attributes {dimension_semantics = [#tpu.dimension_semantics<core_parallel>, #tpu.dimension_semantics<subcore_parallel>], iteration_bounds = array<i64: 2, 16>, scalar_prefetch = 0 : i64, scratch_operands = 5 : i64, tpu.core_type = #tpu.core_type<sc_vector_subcore>, window_params = [{transform_indices = #map}, {transform_indices = #map1}, {transform_indices = #map2}]} {
    %mul3A = arith.constant 2 : i32
    %mul3A_0 = arith.muli %arg1, %mul3A : i32
    %add3A = arith.addi %mul3A_0, %arg0 : i32
    "tpu.region"() ({
      %run_scoped3A = tpu.sem_alloc : memref<!tpu.dma_semaphore, #tpu.memory_space<semaphore_mem>>
      %dma_start3A_128 = arith.constant 0 : i32
      %dma_start3A_129 = arith.constant 0 : i32
      %dma_start3A_130 = tpu.memref_slice %arg2[%add3A, %dma_start3A_128, %dma_start3A_129] : memref<32x80x128xi32, #tpu.memory_space<hbm>> -> memref<1x80x128xi32, #tpu.memory_space<hbm>>
      %dma_start3A_131 = tpu.memref_squeeze %dma_start3A_130 : memref<1x80x128xi32, #tpu.memory_space<hbm>> -> memref<80x128xi32, #tpu.memory_space<hbm>>
      %dma_start3A_132 = arith.constant 0 : i32
      %dma_start3A_133 = arith.constant 0 : i32
      %dma_start3A_134 = tpu.memref_slice %arg2[%add3A, %dma_start3A_132, %dma_start3A_133] : memref<32x80x128xi32, #tpu.memory_space<hbm>> -> memref<1x80x128xi32, #tpu.memory_space<hbm>>
      %dma_start3A_135 = tpu.memref_squeeze %dma_start3A_134 : memref<1x80x128xi32, #tpu.memory_space<hbm>> -> memref<80x128xi32, #tpu.memory_space<hbm>>
      tpu.enqueue_dma source(%dma_start3A_135 : memref<80x128xi32, #tpu.memory_space<hbm>>) target(%arg5 : memref<80x128xi32, #tpu.memory_space<vmem>>) target_semaphore(%run_scoped3A : memref<!tpu.dma_semaphore, #tpu.memory_space<semaphore_mem>>)
      %dma_wait3A = arith.constant 0 : i32
      %dma_wait3A_136 = arith.constant 0 : i32
      %dma_wait3A_137 = tpu.memref_slice %arg2[%add3A, %dma_wait3A, %dma_wait3A_136] : memref<32x80x128xi32, #tpu.memory_space<hbm>> -> memref<1x80x128xi32, #tpu.memory_space<hbm>>
      %dma_wait3A_138 = tpu.memref_squeeze %dma_wait3A_137 : memref<1x80x128xi32, #tpu.memory_space<hbm>> -> memref<80x128xi32, #tpu.memory_space<hbm>>
      %dma_wait3A_139 = arith.constant 0 : i32
      %dma_wait3A_140 = arith.constant 0 : i32
      %dma_wait3A_141 = tpu.memref_slice %arg2[%add3A, %dma_wait3A_139, %dma_wait3A_140] : memref<32x80x128xi32, #tpu.memory_space<hbm>> -> memref<1x80x128xi32, #tpu.memory_space<hbm>>
      %dma_wait3A_142 = tpu.memref_squeeze %dma_wait3A_141 : memref<1x80x128xi32, #tpu.memory_space<hbm>> -> memref<80x128xi32, #tpu.memory_space<hbm>>
      tpu.wait_dma2 semaphore(%run_scoped3A : memref<!tpu.dma_semaphore, #tpu.memory_space<semaphore_mem>>) src(%dma_wait3A_142 : memref<80x128xi32, #tpu.memory_space<hbm>>) dst(%arg5 : memref<80x128xi32, #tpu.memory_space<vmem>>)
      tpu.yield
    }) : () -> ()
    %iota3A = tpu.iota {dimensions = array<i32: 0>} : vector<16xi32>
    %mul3A_1 = arith.constant 1032 : i32
    %mul3A_2 = vector.broadcast %mul3A_1 : i32 to vector<16xi32>
    %mul3A_3 = arith.muli %iota3A, %mul3A_2 : vector<16xi32>
    %dma_start3A = arith.constant 0 : i32
    %dma_start3A_4 = arith.constant 0 : i32
    %dma_start3A_5 = arith.constant 0 : i32
    %dma_start3A_6 = arith.constant 0 : i32
    %dma_start3A_7 = tpu.memref_slice %arg6[%dma_start3A_4, %dma_start3A_5, %dma_start3A_6] : memref<2x1024x16xf32, #tpu.memory_space<vmem>> -> memref<1x1024x16xf32, #tpu.memory_space<vmem>>
    %dma_start3A_8 = tpu.memref_squeeze %dma_start3A_7 : memref<1x1024x16xf32, #tpu.memory_space<vmem>> -> memref<1024x16xf32, #tpu.memory_space<vmem>>
    %dma_start3A_9 = arith.constant 0 : i32
    %dma_start3A_10 = arith.constant 0 : i32
    %dma_start3A_11 = tpu.memref_slice %dma_start3A_8[%dma_start3A_9, %dma_start3A_10] : memref<1024x16xf32, #tpu.memory_space<vmem>> -> memref<128x16xf32, #tpu.memory_space<vmem>>
    %dma_start3A_12 = arith.constant 0 : i32
    %dma_start3A_13 = tpu.memref_slice %arg5[%dma_start3A, %dma_start3A_12] : memref<80x128xi32, #tpu.memory_space<vmem>> -> memref<1x128xi32, #tpu.memory_space<vmem>>
    %dma_start3A_14 = tpu.memref_squeeze %dma_start3A_13 : memref<1x128xi32, #tpu.memory_space<vmem>> -> memref<128xi32, #tpu.memory_space<vmem>>
    %dma_start3A_15 = arith.constant 0 : i32
    %dma_start3A_16 = arith.constant 0 : i32
    %dma_start3A_17 = tpu.memref_slice %arg3[%dma_start3A_15, %dma_start3A_16] : memref<1000000x16xf32, #tpu.memory_space<hbm>> -> memref<1000000x16xf32, #tpu.memory_space<hbm>>
    tpu.enqueue_indirect_dma source(%dma_start3A_17 : memref<1000000x16xf32, #tpu.memory_space<hbm>>) target(%dma_start3A_11 : memref<128x16xf32, #tpu.memory_space<vmem>>) offsets(%dma_start3A_14 : memref<128xi32, #tpu.memory_space<vmem>>) semaphore(%arg8 : memref<!tpu.dma_semaphore, #tpu.memory_space<semaphore_mem>>)
    %dma_start3A_18 = arith.constant 1 : i32
    %dma_start3A_19 = arith.constant 0 : i32
    %dma_start3A_20 = arith.constant 0 : i32
    %dma_start3A_21 = arith.constant 0 : i32
    %dma_start3A_22 = tpu.memref_slice %arg6[%dma_start3A_19, %dma_start3A_20, %dma_start3A_21] : memref<2x1024x16xf32, #tpu.memory_space<vmem>> -> memref<1x1024x16xf32, #tpu.memory_space<vmem>>
    %dma_start3A_23 = tpu.memref_squeeze %dma_start3A_22 : memref<1x1024x16xf32, #tpu.memory_space<vmem>> -> memref<1024x16xf32, #tpu.memory_space<vmem>>
    %dma_start3A_24 = arith.constant 128 : i32
    %dma_start3A_25 = arith.constant 0 : i32
    %dma_start3A_26 = tpu.memref_slice %dma_start3A_23[%dma_start3A_24, %dma_start3A_25] : memref<1024x16xf32, #tpu.memory_space<vmem>> -> memref<128x16xf32, #tpu.memory_space<vmem>>
    %dma_start3A_27 = arith.constant 0 : i32
    %dma_start3A_28 = tpu.memref_slice %arg5[%dma_start3A_18, %dma_start3A_27] : memref<80x128xi32, #tpu.memory_space<vmem>> -> memref<1x128xi32, #tpu.memory_space<vmem>>
    %dma_start3A_29 = tpu.memref_squeeze %dma_start3A_28 : memref<1x128xi32, #tpu.memory_space<vmem>> -> memref<128xi32, #tpu.memory_space<vmem>>
    %dma_start3A_30 = arith.constant 0 : i32
    %dma_start3A_31 = arith.constant 0 : i32
    %dma_start3A_32 = tpu.memref_slice %arg3[%dma_start3A_30, %dma_start3A_31] : memref<1000000x16xf32, #tpu.memory_space<hbm>> -> memref<1000000x16xf32, #tpu.memory_space<hbm>>
    tpu.enqueue_indirect_dma source(%dma_start3A_32 : memref<1000000x16xf32, #tpu.memory_space<hbm>>) target(%dma_start3A_26 : memref<128x16xf32, #tpu.memory_space<vmem>>) offsets(%dma_start3A_29 : memref<128xi32, #tpu.memory_space<vmem>>) semaphore(%arg8 : memref<!tpu.dma_semaphore, #tpu.memory_space<semaphore_mem>>)
    %dma_start3A_33 = arith.constant 2 : i32
    %dma_start3A_34 = arith.constant 0 : i32
    %dma_start3A_35 = arith.constant 0 : i32
    %dma_start3A_36 = arith.constant 0 : i32
    %dma_start3A_37 = tpu.memref_slice %arg6[%dma_start3A_34, %dma_start3A_35, %dma_start3A_36] : memref<2x1024x16xf32, #tpu.memory_space<vmem>> -> memref<1x1024x16xf32, #tpu.memory_space<vmem>>
    %dma_start3A_38 = tpu.memref_squeeze %dma_start3A_37 : memref<1x1024x16xf32, #tpu.memory_space<vmem>> -> memref<1024x16xf32, #tpu.memory_space<vmem>>
    %dma_start3A_39 = arith.constant 256 : i32
    %dma_start3A_40 = arith.constant 0 : i32
    %dma_start3A_41 = tpu.memref_slice %dma_start3A_38[%dma_start3A_39, %dma_start3A_40] : memref<1024x16xf32, #tpu.memory_space<vmem>> -> memref<128x16xf32, #tpu.memory_space<vmem>>
    %dma_start3A_42 = arith.constant 0 : i32
    %dma_start3A_43 = tpu.memref_slice %arg5[%dma_start3A_33, %dma_start3A_42] : memref<80x128xi32, #tpu.memory_space<vmem>> -> memref<1x128xi32, #tpu.memory_space<vmem>>
    %dma_start3A_44 = tpu.memref_squeeze %dma_start3A_43 : memref<1x128xi32, #tpu.memory_space<vmem>> -> memref<128xi32, #tpu.memory_space<vmem>>
    %dma_start3A_45 = arith.constant 0 : i32
    %dma_start3A_46 = arith.constant 0 : i32
    %dma_start3A_47 = tpu.memref_slice %arg3[%dma_start3A_45, %dma_start3A_46] : memref<1000000x16xf32, #tpu.memory_space<hbm>> -> memref<1000000x16xf32, #tpu.memory_space<hbm>>
    tpu.enqueue_indirect_dma source(%dma_start3A_47 : memref<1000000x16xf32, #tpu.memory_space<hbm>>) target(%dma_start3A_41 : memref<128x16xf32, #tpu.memory_space<vmem>>) offsets(%dma_start3A_44 : memref<128xi32, #tpu.memory_space<vmem>>) semaphore(%arg8 : memref<!tpu.dma_semaphore, #tpu.memory_space<semaphore_mem>>)
    %dma_start3A_48 = arith.constant 3 : i32
    %dma_start3A_49 = arith.constant 0 : i32
    %dma_start3A_50 = arith.constant 0 : i32
    %dma_start3A_51 = arith.constant 0 : i32
    %dma_start3A_52 = tpu.memref_slice %arg6[%dma_start3A_49, %dma_start3A_50, %dma_start3A_51] : memref<2x1024x16xf32, #tpu.memory_space<vmem>> -> memref<1x1024x16xf32, #tpu.memory_space<vmem>>
    %dma_start3A_53 = tpu.memref_squeeze %dma_start3A_52 : memref<1x1024x16xf32, #tpu.memory_space<vmem>> -> memref<1024x16xf32, #tpu.memory_space<vmem>>
    %dma_start3A_54 = arith.constant 384 : i32
    %dma_start3A_55 = arith.constant 0 : i32
    %dma_start3A_56 = tpu.memref_slice %dma_start3A_53[%dma_start3A_54, %dma_start3A_55] : memref<1024x16xf32, #tpu.memory_space<vmem>> -> memref<128x16xf32, #tpu.memory_space<vmem>>
    %dma_start3A_57 = arith.constant 0 : i32
    %dma_start3A_58 = tpu.memref_slice %arg5[%dma_start3A_48, %dma_start3A_57] : memref<80x128xi32, #tpu.memory_space<vmem>> -> memref<1x128xi32, #tpu.memory_space<vmem>>
    %dma_start3A_59 = tpu.memref_squeeze %dma_start3A_58 : memref<1x128xi32, #tpu.memory_space<vmem>> -> memref<128xi32, #tpu.memory_space<vmem>>
    %dma_start3A_60 = arith.constant 0 : i32
    %dma_start3A_61 = arith.constant 0 : i32
    %dma_start3A_62 = tpu.memref_slice %arg3[%dma_start3A_60, %dma_start3A_61] : memref<1000000x16xf32, #tpu.memory_space<hbm>> -> memref<1000000x16xf32, #tpu.memory_space<hbm>>
    tpu.enqueue_indirect_dma source(%dma_start3A_62 : memref<1000000x16xf32, #tpu.memory_space<hbm>>) target(%dma_start3A_56 : memref<128x16xf32, #tpu.memory_space<vmem>>) offsets(%dma_start3A_59 : memref<128xi32, #tpu.memory_space<vmem>>) semaphore(%arg8 : memref<!tpu.dma_semaphore, #tpu.memory_space<semaphore_mem>>)
    %dma_start3A_63 = arith.constant 4 : i32
    %dma_start3A_64 = arith.constant 0 : i32
    %dma_start3A_65 = arith.constant 0 : i32
    %dma_start3A_66 = arith.constant 0 : i32
    %dma_start3A_67 = tpu.memref_slice %arg6[%dma_start3A_64, %dma_start3A_65, %dma_start3A_66] : memref<2x1024x16xf32, #tpu.memory_space<vmem>> -> memref<1x1024x16xf32, #tpu.memory_space<vmem>>
    %dma_start3A_68 = tpu.memref_squeeze %dma_start3A_67 : memref<1x1024x16xf32, #tpu.memory_space<vmem>> -> memref<1024x16xf32, #tpu.memory_space<vmem>>
    %dma_start3A_69 = arith.constant 512 : i32
    %dma_start3A_70 = arith.constant 0 : i32
    %dma_start3A_71 = tpu.memref_slice %dma_start3A_68[%dma_start3A_69, %dma_start3A_70] : memref<1024x16xf32, #tpu.memory_space<vmem>> -> memref<128x16xf32, #tpu.memory_space<vmem>>
    %dma_start3A_72 = arith.constant 0 : i32
    %dma_start3A_73 = tpu.memref_slice %arg5[%dma_start3A_63, %dma_start3A_72] : memref<80x128xi32, #tpu.memory_space<vmem>> -> memref<1x128xi32, #tpu.memory_space<vmem>>
    %dma_start3A_74 = tpu.memref_squeeze %dma_start3A_73 : memref<1x128xi32, #tpu.memory_space<vmem>> -> memref<128xi32, #tpu.memory_space<vmem>>
    %dma_start3A_75 = arith.constant 0 : i32
    %dma_start3A_76 = arith.constant 0 : i32
    %dma_start3A_77 = tpu.memref_slice %arg3[%dma_start3A_75, %dma_start3A_76] : memref<1000000x16xf32, #tpu.memory_space<hbm>> -> memref<1000000x16xf32, #tpu.memory_space<hbm>>
    tpu.enqueue_indirect_dma source(%dma_start3A_77 : memref<1000000x16xf32, #tpu.memory_space<hbm>>) target(%dma_start3A_71 : memref<128x16xf32, #tpu.memory_space<vmem>>) offsets(%dma_start3A_74 : memref<128xi32, #tpu.memory_space<vmem>>) semaphore(%arg8 : memref<!tpu.dma_semaphore, #tpu.memory_space<semaphore_mem>>)
    %dma_start3A_78 = arith.constant 5 : i32
    %dma_start3A_79 = arith.constant 0 : i32
    %dma_start3A_80 = arith.constant 0 : i32
    %dma_start3A_81 = arith.constant 0 : i32
    %dma_start3A_82 = tpu.memref_slice %arg6[%dma_start3A_79, %dma_start3A_80, %dma_start3A_81] : memref<2x1024x16xf32, #tpu.memory_space<vmem>> -> memref<1x1024x16xf32, #tpu.memory_space<vmem>>
    %dma_start3A_83 = tpu.memref_squeeze %dma_start3A_82 : memref<1x1024x16xf32, #tpu.memory_space<vmem>> -> memref<1024x16xf32, #tpu.memory_space<vmem>>
    %dma_start3A_84 = arith.constant 640 : i32
    %dma_start3A_85 = arith.constant 0 : i32
    %dma_start3A_86 = tpu.memref_slice %dma_start3A_83[%dma_start3A_84, %dma_start3A_85] : memref<1024x16xf32, #tpu.memory_space<vmem>> -> memref<128x16xf32, #tpu.memory_space<vmem>>
    %dma_start3A_87 = arith.constant 0 : i32
    %dma_start3A_88 = tpu.memref_slice %arg5[%dma_start3A_78, %dma_start3A_87] : memref<80x128xi32, #tpu.memory_space<vmem>> -> memref<1x128xi32, #tpu.memory_space<vmem>>
    %dma_start3A_89 = tpu.memref_squeeze %dma_start3A_88 : memref<1x128xi32, #tpu.memory_space<vmem>> -> memref<128xi32, #tpu.memory_space<vmem>>
    %dma_start3A_90 = arith.constant 0 : i32
    %dma_start3A_91 = arith.constant 0 : i32
    %dma_start3A_92 = tpu.memref_slice %arg3[%dma_start3A_90, %dma_start3A_91] : memref<1000000x16xf32, #tpu.memory_space<hbm>> -> memref<1000000x16xf32, #tpu.memory_space<hbm>>
    tpu.enqueue_indirect_dma source(%dma_start3A_92 : memref<1000000x16xf32, #tpu.memory_space<hbm>>) target(%dma_start3A_86 : memref<128x16xf32, #tpu.memory_space<vmem>>) offsets(%dma_start3A_89 : memref<128xi32, #tpu.memory_space<vmem>>) semaphore(%arg8 : memref<!tpu.dma_semaphore, #tpu.memory_space<semaphore_mem>>)
    %dma_start3A_93 = arith.constant 6 : i32
    %dma_start3A_94 = arith.constant 0 : i32
    %dma_start3A_95 = arith.constant 0 : i32
    %dma_start3A_96 = arith.constant 0 : i32
    %dma_start3A_97 = tpu.memref_slice %arg6[%dma_start3A_94, %dma_start3A_95, %dma_start3A_96] : memref<2x1024x16xf32, #tpu.memory_space<vmem>> -> memref<1x1024x16xf32, #tpu.memory_space<vmem>>
    %dma_start3A_98 = tpu.memref_squeeze %dma_start3A_97 : memref<1x1024x16xf32, #tpu.memory_space<vmem>> -> memref<1024x16xf32, #tpu.memory_space<vmem>>
    %dma_start3A_99 = arith.constant 768 : i32
    %dma_start3A_100 = arith.constant 0 : i32
    %dma_start3A_101 = tpu.memref_slice %dma_start3A_98[%dma_start3A_99, %dma_start3A_100] : memref<1024x16xf32, #tpu.memory_space<vmem>> -> memref<128x16xf32, #tpu.memory_space<vmem>>
    %dma_start3A_102 = arith.constant 0 : i32
    %dma_start3A_103 = tpu.memref_slice %arg5[%dma_start3A_93, %dma_start3A_102] : memref<80x128xi32, #tpu.memory_space<vmem>> -> memref<1x128xi32, #tpu.memory_space<vmem>>
    %dma_start3A_104 = tpu.memref_squeeze %dma_start3A_103 : memref<1x128xi32, #tpu.memory_space<vmem>> -> memref<128xi32, #tpu.memory_space<vmem>>
    %dma_start3A_105 = arith.constant 0 : i32
    %dma_start3A_106 = arith.constant 0 : i32
    %dma_start3A_107 = tpu.memref_slice %arg3[%dma_start3A_105, %dma_start3A_106] : memref<1000000x16xf32, #tpu.memory_space<hbm>> -> memref<1000000x16xf32, #tpu.memory_space<hbm>>
    tpu.enqueue_indirect_dma source(%dma_start3A_107 : memref<1000000x16xf32, #tpu.memory_space<hbm>>) target(%dma_start3A_101 : memref<128x16xf32, #tpu.memory_space<vmem>>) offsets(%dma_start3A_104 : memref<128xi32, #tpu.memory_space<vmem>>) semaphore(%arg8 : memref<!tpu.dma_semaphore, #tpu.memory_space<semaphore_mem>>)
    %dma_start3A_108 = arith.constant 7 : i32
    %dma_start3A_109 = arith.constant 0 : i32
    %dma_start3A_110 = arith.constant 0 : i32
    %dma_start3A_111 = arith.constant 0 : i32
    %dma_start3A_112 = tpu.memref_slice %arg6[%dma_start3A_109, %dma_start3A_110, %dma_start3A_111] : memref<2x1024x16xf32, #tpu.memory_space<vmem>> -> memref<1x1024x16xf32, #tpu.memory_space<vmem>>
    %dma_start3A_113 = tpu.memref_squeeze %dma_start3A_112 : memref<1x1024x16xf32, #tpu.memory_space<vmem>> -> memref<1024x16xf32, #tpu.memory_space<vmem>>
    %dma_start3A_114 = arith.constant 896 : i32
    %dma_start3A_115 = arith.constant 0 : i32
    %dma_start3A_116 = tpu.memref_slice %dma_start3A_113[%dma_start3A_114, %dma_start3A_115] : memref<1024x16xf32, #tpu.memory_space<vmem>> -> memref<128x16xf32, #tpu.memory_space<vmem>>
    %dma_start3A_117 = arith.constant 0 : i32
    %dma_start3A_118 = tpu.memref_slice %arg5[%dma_start3A_108, %dma_start3A_117] : memref<80x128xi32, #tpu.memory_space<vmem>> -> memref<1x128xi32, #tpu.memory_space<vmem>>
    %dma_start3A_119 = tpu.memref_squeeze %dma_start3A_118 : memref<1x128xi32, #tpu.memory_space<vmem>> -> memref<128xi32, #tpu.memory_space<vmem>>
    %dma_start3A_120 = arith.constant 0 : i32
    %dma_start3A_121 = arith.constant 0 : i32
    %dma_start3A_122 = tpu.memref_slice %arg3[%dma_start3A_120, %dma_start3A_121] : memref<1000000x16xf32, #tpu.memory_space<hbm>> -> memref<1000000x16xf32, #tpu.memory_space<hbm>>
    tpu.enqueue_indirect_dma source(%dma_start3A_122 : memref<1000000x16xf32, #tpu.memory_space<hbm>>) target(%dma_start3A_116 : memref<128x16xf32, #tpu.memory_space<vmem>>) offsets(%dma_start3A_119 : memref<128xi32, #tpu.memory_space<vmem>>) semaphore(%arg8 : memref<!tpu.dma_semaphore, #tpu.memory_space<semaphore_mem>>)
    %scan3A = arith.constant 0 : i32
    %scan3A_123 = arith.constant 0 : i32
    %scan3A_124 = arith.constant 10 : i32
    %scan3A_125 = arith.addi %scan3A_123, %scan3A_124 : i32
    %scan3A_126 = arith.constant 1 : i32
    scf.for %scan3A_128 = %scan3A_123 to %scan3A_125 step %scan3A_126  : i32 {
      %rem3A = arith.constant 2 : i32
      %rem3A_129 = arith.remsi %scan3A_128, %rem3A : i32
      %add3A_130 = arith.constant 1 : i32
      %add3A_131 = arith.addi %scan3A_128, %add3A_130 : i32
      %lt3A = arith.constant 10 : i32
      %lt3A_132 = arith.cmpi slt, %add3A_131, %lt3A : i32
      %convert_element_type3A = arith.extui %lt3A_132 : i1 to i32
      %cond3A = arith.constant 0 : i32
      %cond3A_133 = arith.cmpi ne, %convert_element_type3A, %cond3A : i32
      scf.if %cond3A_133 {
        %add3A_603 = arith.constant 1 : i32
        %add3A_604 = arith.addi %scan3A_128, %add3A_603 : i32
        %sub3A_605 = arith.constant 1 : i32
        %sub3A_606 = arith.subi %sub3A_605, %rem3A_129 : i32
        %mul3A_607 = arith.constant 8 : i32
        %mul3A_608 = arith.muli %add3A_604, %mul3A_607 : i32
        %add3A_609 = arith.constant 0 : i32
        %add3A_610 = arith.addi %mul3A_608, %add3A_609 : i32
        %dma_start3A_611 = arith.constant 0 : i32
        %dma_start3A_612 = arith.constant 0 : i32
        %dma_start3A_613 = tpu.memref_slice %arg6[%sub3A_606, %dma_start3A_611, %dma_start3A_612] : memref<2x1024x16xf32, #tpu.memory_space<vmem>> -> memref<1x1024x16xf32, #tpu.memory_space<vmem>>
        %dma_start3A_614 = tpu.memref_squeeze %dma_start3A_613 : memref<1x1024x16xf32, #tpu.memory_space<vmem>> -> memref<1024x16xf32, #tpu.memory_space<vmem>>
        %dma_start3A_615 = arith.constant 0 : i32
        %dma_start3A_616 = arith.constant 0 : i32
        %dma_start3A_617 = tpu.memref_slice %dma_start3A_614[%dma_start3A_615, %dma_start3A_616] : memref<1024x16xf32, #tpu.memory_space<vmem>> -> memref<128x16xf32, #tpu.memory_space<vmem>>
        %dma_start3A_618 = arith.constant 0 : i32
        %dma_start3A_619 = tpu.memref_slice %arg5[%add3A_610, %dma_start3A_618] : memref<80x128xi32, #tpu.memory_space<vmem>> -> memref<1x128xi32, #tpu.memory_space<vmem>>
        %dma_start3A_620 = tpu.memref_squeeze %dma_start3A_619 : memref<1x128xi32, #tpu.memory_space<vmem>> -> memref<128xi32, #tpu.memory_space<vmem>>
        %dma_start3A_621 = arith.constant 0 : i32
        %dma_start3A_622 = arith.constant 0 : i32
        %dma_start3A_623 = tpu.memref_slice %arg3[%dma_start3A_621, %dma_start3A_622] : memref<1000000x16xf32, #tpu.memory_space<hbm>> -> memref<1000000x16xf32, #tpu.memory_space<hbm>>
        tpu.enqueue_indirect_dma source(%dma_start3A_623 : memref<1000000x16xf32, #tpu.memory_space<hbm>>) target(%dma_start3A_617 : memref<128x16xf32, #tpu.memory_space<vmem>>) offsets(%dma_start3A_620 : memref<128xi32, #tpu.memory_space<vmem>>) semaphore(%arg8 : memref<!tpu.dma_semaphore, #tpu.memory_space<semaphore_mem>>)
        %mul3A_624 = arith.constant 8 : i32
        %mul3A_625 = arith.muli %add3A_604, %mul3A_624 : i32
        %add3A_626 = arith.constant 1 : i32
        %add3A_627 = arith.addi %mul3A_625, %add3A_626 : i32
        %dma_start3A_628 = arith.constant 0 : i32
        %dma_start3A_629 = arith.constant 0 : i32
        %dma_start3A_630 = tpu.memref_slice %arg6[%sub3A_606, %dma_start3A_628, %dma_start3A_629] : memref<2x1024x16xf32, #tpu.memory_space<vmem>> -> memref<1x1024x16xf32, #tpu.memory_space<vmem>>
        %dma_start3A_631 = tpu.memref_squeeze %dma_start3A_630 : memref<1x1024x16xf32, #tpu.memory_space<vmem>> -> memref<1024x16xf32, #tpu.memory_space<vmem>>
        %dma_start3A_632 = arith.constant 128 : i32
        %dma_start3A_633 = arith.constant 0 : i32
        %dma_start3A_634 = tpu.memref_slice %dma_start3A_631[%dma_start3A_632, %dma_start3A_633] : memref<1024x16xf32, #tpu.memory_space<vmem>> -> memref<128x16xf32, #tpu.memory_space<vmem>>
        %dma_start3A_635 = arith.constant 0 : i32
        %dma_start3A_636 = tpu.memref_slice %arg5[%add3A_627, %dma_start3A_635] : memref<80x128xi32, #tpu.memory_space<vmem>> -> memref<1x128xi32, #tpu.memory_space<vmem>>
        %dma_start3A_637 = tpu.memref_squeeze %dma_start3A_636 : memref<1x128xi32, #tpu.memory_space<vmem>> -> memref<128xi32, #tpu.memory_space<vmem>>
        %dma_start3A_638 = arith.constant 0 : i32
        %dma_start3A_639 = arith.constant 0 : i32
        %dma_start3A_640 = tpu.memref_slice %arg3[%dma_start3A_638, %dma_start3A_639] : memref<1000000x16xf32, #tpu.memory_space<hbm>> -> memref<1000000x16xf32, #tpu.memory_space<hbm>>
        tpu.enqueue_indirect_dma source(%dma_start3A_640 : memref<1000000x16xf32, #tpu.memory_space<hbm>>) target(%dma_start3A_634 : memref<128x16xf32, #tpu.memory_space<vmem>>) offsets(%dma_start3A_637 : memref<128xi32, #tpu.memory_space<vmem>>) semaphore(%arg8 : memref<!tpu.dma_semaphore, #tpu.memory_space<semaphore_mem>>)
        %mul3A_641 = arith.constant 8 : i32
        %mul3A_642 = arith.muli %add3A_604, %mul3A_641 : i32
        %add3A_643 = arith.constant 2 : i32
        %add3A_644 = arith.addi %mul3A_642, %add3A_643 : i32
        %dma_start3A_645 = arith.constant 0 : i32
        %dma_start3A_646 = arith.constant 0 : i32
        %dma_start3A_647 = tpu.memref_slice %arg6[%sub3A_606, %dma_start3A_645, %dma_start3A_646] : memref<2x1024x16xf32, #tpu.memory_space<vmem>> -> memref<1x1024x16xf32, #tpu.memory_space<vmem>>
        %dma_start3A_648 = tpu.memref_squeeze %dma_start3A_647 : memref<1x1024x16xf32, #tpu.memory_space<vmem>> -> memref<1024x16xf32, #tpu.memory_space<vmem>>
        %dma_start3A_649 = arith.constant 256 : i32
        %dma_start3A_650 = arith.constant 0 : i32
        %dma_start3A_651 = tpu.memref_slice %dma_start3A_648[%dma_start3A_649, %dma_start3A_650] : memref<1024x16xf32, #tpu.memory_space<vmem>> -> memref<128x16xf32, #tpu.memory_space<vmem>>
        %dma_start3A_652 = arith.constant 0 : i32
        %dma_start3A_653 = tpu.memref_slice %arg5[%add3A_644, %dma_start3A_652] : memref<80x128xi32, #tpu.memory_space<vmem>> -> memref<1x128xi32, #tpu.memory_space<vmem>>
        %dma_start3A_654 = tpu.memref_squeeze %dma_start3A_653 : memref<1x128xi32, #tpu.memory_space<vmem>> -> memref<128xi32, #tpu.memory_space<vmem>>
        %dma_start3A_655 = arith.constant 0 : i32
        %dma_start3A_656 = arith.constant 0 : i32
        %dma_start3A_657 = tpu.memref_slice %arg3[%dma_start3A_655, %dma_start3A_656] : memref<1000000x16xf32, #tpu.memory_space<hbm>> -> memref<1000000x16xf32, #tpu.memory_space<hbm>>
        tpu.enqueue_indirect_dma source(%dma_start3A_657 : memref<1000000x16xf32, #tpu.memory_space<hbm>>) target(%dma_start3A_651 : memref<128x16xf32, #tpu.memory_space<vmem>>) offsets(%dma_start3A_654 : memref<128xi32, #tpu.memory_space<vmem>>) semaphore(%arg8 : memref<!tpu.dma_semaphore, #tpu.memory_space<semaphore_mem>>)
        %mul3A_658 = arith.constant 8 : i32
        %mul3A_659 = arith.muli %add3A_604, %mul3A_658 : i32
        %add3A_660 = arith.constant 3 : i32
        %add3A_661 = arith.addi %mul3A_659, %add3A_660 : i32
        %dma_start3A_662 = arith.constant 0 : i32
        %dma_start3A_663 = arith.constant 0 : i32
        %dma_start3A_664 = tpu.memref_slice %arg6[%sub3A_606, %dma_start3A_662, %dma_start3A_663] : memref<2x1024x16xf32, #tpu.memory_space<vmem>> -> memref<1x1024x16xf32, #tpu.memory_space<vmem>>
        %dma_start3A_665 = tpu.memref_squeeze %dma_start3A_664 : memref<1x1024x16xf32, #tpu.memory_space<vmem>> -> memref<1024x16xf32, #tpu.memory_space<vmem>>
        %dma_start3A_666 = arith.constant 384 : i32
        %dma_start3A_667 = arith.constant 0 : i32
        %dma_start3A_668 = tpu.memref_slice %dma_start3A_665[%dma_start3A_666, %dma_start3A_667] : memref<1024x16xf32, #tpu.memory_space<vmem>> -> memref<128x16xf32, #tpu.memory_space<vmem>>
        %dma_start3A_669 = arith.constant 0 : i32
        %dma_start3A_670 = tpu.memref_slice %arg5[%add3A_661, %dma_start3A_669] : memref<80x128xi32, #tpu.memory_space<vmem>> -> memref<1x128xi32, #tpu.memory_space<vmem>>
        %dma_start3A_671 = tpu.memref_squeeze %dma_start3A_670 : memref<1x128xi32, #tpu.memory_space<vmem>> -> memref<128xi32, #tpu.memory_space<vmem>>
        %dma_start3A_672 = arith.constant 0 : i32
        %dma_start3A_673 = arith.constant 0 : i32
        %dma_start3A_674 = tpu.memref_slice %arg3[%dma_start3A_672, %dma_start3A_673] : memref<1000000x16xf32, #tpu.memory_space<hbm>> -> memref<1000000x16xf32, #tpu.memory_space<hbm>>
        tpu.enqueue_indirect_dma source(%dma_start3A_674 : memref<1000000x16xf32, #tpu.memory_space<hbm>>) target(%dma_start3A_668 : memref<128x16xf32, #tpu.memory_space<vmem>>) offsets(%dma_start3A_671 : memref<128xi32, #tpu.memory_space<vmem>>) semaphore(%arg8 : memref<!tpu.dma_semaphore, #tpu.memory_space<semaphore_mem>>)
        %mul3A_675 = arith.constant 8 : i32
        %mul3A_676 = arith.muli %add3A_604, %mul3A_675 : i32
        %add3A_677 = arith.constant 4 : i32
        %add3A_678 = arith.addi %mul3A_676, %add3A_677 : i32
        %dma_start3A_679 = arith.constant 0 : i32
        %dma_start3A_680 = arith.constant 0 : i32
        %dma_start3A_681 = tpu.memref_slice %arg6[%sub3A_606, %dma_start3A_679, %dma_start3A_680] : memref<2x1024x16xf32, #tpu.memory_space<vmem>> -> memref<1x1024x16xf32, #tpu.memory_space<vmem>>
        %dma_start3A_682 = tpu.memref_squeeze %dma_start3A_681 : memref<1x1024x16xf32, #tpu.memory_space<vmem>> -> memref<1024x16xf32, #tpu.memory_space<vmem>>
        %dma_start3A_683 = arith.constant 512 : i32
        %dma_start3A_684 = arith.constant 0 : i32
        %dma_start3A_685 = tpu.memref_slice %dma_start3A_682[%dma_start3A_683, %dma_start3A_684] : memref<1024x16xf32, #tpu.memory_space<vmem>> -> memref<128x16xf32, #tpu.memory_space<vmem>>
        %dma_start3A_686 = arith.constant 0 : i32
        %dma_start3A_687 = tpu.memref_slice %arg5[%add3A_678, %dma_start3A_686] : memref<80x128xi32, #tpu.memory_space<vmem>> -> memref<1x128xi32, #tpu.memory_space<vmem>>
        %dma_start3A_688 = tpu.memref_squeeze %dma_start3A_687 : memref<1x128xi32, #tpu.memory_space<vmem>> -> memref<128xi32, #tpu.memory_space<vmem>>
        %dma_start3A_689 = arith.constant 0 : i32
        %dma_start3A_690 = arith.constant 0 : i32
        %dma_start3A_691 = tpu.memref_slice %arg3[%dma_start3A_689, %dma_start3A_690] : memref<1000000x16xf32, #tpu.memory_space<hbm>> -> memref<1000000x16xf32, #tpu.memory_space<hbm>>
        tpu.enqueue_indirect_dma source(%dma_start3A_691 : memref<1000000x16xf32, #tpu.memory_space<hbm>>) target(%dma_start3A_685 : memref<128x16xf32, #tpu.memory_space<vmem>>) offsets(%dma_start3A_688 : memref<128xi32, #tpu.memory_space<vmem>>) semaphore(%arg8 : memref<!tpu.dma_semaphore, #tpu.memory_space<semaphore_mem>>)
        %mul3A_692 = arith.constant 8 : i32
        %mul3A_693 = arith.muli %add3A_604, %mul3A_692 : i32
        %add3A_694 = arith.constant 5 : i32
        %add3A_695 = arith.addi %mul3A_693, %add3A_694 : i32
        %dma_start3A_696 = arith.constant 0 : i32
        %dma_start3A_697 = arith.constant 0 : i32
        %dma_start3A_698 = tpu.memref_slice %arg6[%sub3A_606, %dma_start3A_696, %dma_start3A_697] : memref<2x1024x16xf32, #tpu.memory_space<vmem>> -> memref<1x1024x16xf32, #tpu.memory_space<vmem>>
        %dma_start3A_699 = tpu.memref_squeeze %dma_start3A_698 : memref<1x1024x16xf32, #tpu.memory_space<vmem>> -> memref<1024x16xf32, #tpu.memory_space<vmem>>
        %dma_start3A_700 = arith.constant 640 : i32
        %dma_start3A_701 = arith.constant 0 : i32
        %dma_start3A_702 = tpu.memref_slice %dma_start3A_699[%dma_start3A_700, %dma_start3A_701] : memref<1024x16xf32, #tpu.memory_space<vmem>> -> memref<128x16xf32, #tpu.memory_space<vmem>>
        %dma_start3A_703 = arith.constant 0 : i32
        %dma_start3A_704 = tpu.memref_slice %arg5[%add3A_695, %dma_start3A_703] : memref<80x128xi32, #tpu.memory_space<vmem>> -> memref<1x128xi32, #tpu.memory_space<vmem>>
        %dma_start3A_705 = tpu.memref_squeeze %dma_start3A_704 : memref<1x128xi32, #tpu.memory_space<vmem>> -> memref<128xi32, #tpu.memory_space<vmem>>
        %dma_start3A_706 = arith.constant 0 : i32
        %dma_start3A_707 = arith.constant 0 : i32
        %dma_start3A_708 = tpu.memref_slice %arg3[%dma_start3A_706, %dma_start3A_707] : memref<1000000x16xf32, #tpu.memory_space<hbm>> -> memref<1000000x16xf32, #tpu.memory_space<hbm>>
        tpu.enqueue_indirect_dma source(%dma_start3A_708 : memref<1000000x16xf32, #tpu.memory_space<hbm>>) target(%dma_start3A_702 : memref<128x16xf32, #tpu.memory_space<vmem>>) offsets(%dma_start3A_705 : memref<128xi32, #tpu.memory_space<vmem>>) semaphore(%arg8 : memref<!tpu.dma_semaphore, #tpu.memory_space<semaphore_mem>>)
        %mul3A_709 = arith.constant 8 : i32
        %mul3A_710 = arith.muli %add3A_604, %mul3A_709 : i32
        %add3A_711 = arith.constant 6 : i32
        %add3A_712 = arith.addi %mul3A_710, %add3A_711 : i32
        %dma_start3A_713 = arith.constant 0 : i32
        %dma_start3A_714 = arith.constant 0 : i32
        %dma_start3A_715 = tpu.memref_slice %arg6[%sub3A_606, %dma_start3A_713, %dma_start3A_714] : memref<2x1024x16xf32, #tpu.memory_space<vmem>> -> memref<1x1024x16xf32, #tpu.memory_space<vmem>>
        %dma_start3A_716 = tpu.memref_squeeze %dma_start3A_715 : memref<1x1024x16xf32, #tpu.memory_space<vmem>> -> memref<1024x16xf32, #tpu.memory_space<vmem>>
        %dma_start3A_717 = arith.constant 768 : i32
        %dma_start3A_718 = arith.constant 0 : i32
        %dma_start3A_719 = tpu.memref_slice %dma_start3A_716[%dma_start3A_717, %dma_start3A_718] : memref<1024x16xf32, #tpu.memory_space<vmem>> -> memref<128x16xf32, #tpu.memory_space<vmem>>
        %dma_start3A_720 = arith.constant 0 : i32
        %dma_start3A_721 = tpu.memref_slice %arg5[%add3A_712, %dma_start3A_720] : memref<80x128xi32, #tpu.memory_space<vmem>> -> memref<1x128xi32, #tpu.memory_space<vmem>>
        %dma_start3A_722 = tpu.memref_squeeze %dma_start3A_721 : memref<1x128xi32, #tpu.memory_space<vmem>> -> memref<128xi32, #tpu.memory_space<vmem>>
        %dma_start3A_723 = arith.constant 0 : i32
        %dma_start3A_724 = arith.constant 0 : i32
        %dma_start3A_725 = tpu.memref_slice %arg3[%dma_start3A_723, %dma_start3A_724] : memref<1000000x16xf32, #tpu.memory_space<hbm>> -> memref<1000000x16xf32, #tpu.memory_space<hbm>>
        tpu.enqueue_indirect_dma source(%dma_start3A_725 : memref<1000000x16xf32, #tpu.memory_space<hbm>>) target(%dma_start3A_719 : memref<128x16xf32, #tpu.memory_space<vmem>>) offsets(%dma_start3A_722 : memref<128xi32, #tpu.memory_space<vmem>>) semaphore(%arg8 : memref<!tpu.dma_semaphore, #tpu.memory_space<semaphore_mem>>)
        %mul3A_726 = arith.constant 8 : i32
        %mul3A_727 = arith.muli %add3A_604, %mul3A_726 : i32
        %add3A_728 = arith.constant 7 : i32
        %add3A_729 = arith.addi %mul3A_727, %add3A_728 : i32
        %dma_start3A_730 = arith.constant 0 : i32
        %dma_start3A_731 = arith.constant 0 : i32
        %dma_start3A_732 = tpu.memref_slice %arg6[%sub3A_606, %dma_start3A_730, %dma_start3A_731] : memref<2x1024x16xf32, #tpu.memory_space<vmem>> -> memref<1x1024x16xf32, #tpu.memory_space<vmem>>
        %dma_start3A_733 = tpu.memref_squeeze %dma_start3A_732 : memref<1x1024x16xf32, #tpu.memory_space<vmem>> -> memref<1024x16xf32, #tpu.memory_space<vmem>>
        %dma_start3A_734 = arith.constant 896 : i32
        %dma_start3A_735 = arith.constant 0 : i32
        %dma_start3A_736 = tpu.memref_slice %dma_start3A_733[%dma_start3A_734, %dma_start3A_735] : memref<1024x16xf32, #tpu.memory_space<vmem>> -> memref<128x16xf32, #tpu.memory_space<vmem>>
        %dma_start3A_737 = arith.constant 0 : i32
        %dma_start3A_738 = tpu.memref_slice %arg5[%add3A_729, %dma_start3A_737] : memref<80x128xi32, #tpu.memory_space<vmem>> -> memref<1x128xi32, #tpu.memory_space<vmem>>
        %dma_start3A_739 = tpu.memref_squeeze %dma_start3A_738 : memref<1x128xi32, #tpu.memory_space<vmem>> -> memref<128xi32, #tpu.memory_space<vmem>>
        %dma_start3A_740 = arith.constant 0 : i32
        %dma_start3A_741 = arith.constant 0 : i32
        %dma_start3A_742 = tpu.memref_slice %arg3[%dma_start3A_740, %dma_start3A_741] : memref<1000000x16xf32, #tpu.memory_space<hbm>> -> memref<1000000x16xf32, #tpu.memory_space<hbm>>
        tpu.enqueue_indirect_dma source(%dma_start3A_742 : memref<1000000x16xf32, #tpu.memory_space<hbm>>) target(%dma_start3A_736 : memref<128x16xf32, #tpu.memory_space<vmem>>) offsets(%dma_start3A_739 : memref<128xi32, #tpu.memory_space<vmem>>) semaphore(%arg8 : memref<!tpu.dma_semaphore, #tpu.memory_space<semaphore_mem>>)
      } else {
      }
      %mul3A_134 = arith.constant 8 : i32
      %mul3A_135 = arith.muli %scan3A_128, %mul3A_134 : i32
      %add3A_136 = arith.constant 0 : i32
      %add3A_137 = arith.addi %mul3A_135, %add3A_136 : i32
      %dma_wait3A = arith.constant 0 : i32
      %dma_wait3A_138 = arith.constant 0 : i32
      %dma_wait3A_139 = tpu.memref_slice %arg6[%rem3A_129, %dma_wait3A, %dma_wait3A_138] : memref<2x1024x16xf32, #tpu.memory_space<vmem>> -> memref<1x1024x16xf32, #tpu.memory_space<vmem>>
      %dma_wait3A_140 = tpu.memref_squeeze %dma_wait3A_139 : memref<1x1024x16xf32, #tpu.memory_space<vmem>> -> memref<1024x16xf32, #tpu.memory_space<vmem>>
      %dma_wait3A_141 = arith.constant 0 : i32
      %dma_wait3A_142 = arith.constant 0 : i32
      %dma_wait3A_143 = tpu.memref_slice %dma_wait3A_140[%dma_wait3A_141, %dma_wait3A_142] : memref<1024x16xf32, #tpu.memory_space<vmem>> -> memref<128x16xf32, #tpu.memory_space<vmem>>
      %dma_wait3A_144 = arith.constant 0 : i32
      %dma_wait3A_145 = tpu.memref_slice %arg5[%add3A_137, %dma_wait3A_144] : memref<80x128xi32, #tpu.memory_space<vmem>> -> memref<1x128xi32, #tpu.memory_space<vmem>>
      %dma_wait3A_146 = tpu.memref_squeeze %dma_wait3A_145 : memref<1x128xi32, #tpu.memory_space<vmem>> -> memref<128xi32, #tpu.memory_space<vmem>>
      %dma_wait3A_147 = arith.constant 0 : i32
      %dma_wait3A_148 = arith.constant 0 : i32
      %dma_wait3A_149 = tpu.memref_slice %arg3[%dma_wait3A_147, %dma_wait3A_148] : memref<1000000x16xf32, #tpu.memory_space<hbm>> -> memref<1000000x16xf32, #tpu.memory_space<hbm>>
      tpu.wait_indirect_dma semaphore(%arg8 : memref<!tpu.dma_semaphore, #tpu.memory_space<semaphore_mem>>) src(%dma_wait3A_149 : memref<1000000x16xf32, #tpu.memory_space<hbm>>) dst(%dma_wait3A_143 : memref<128x16xf32, #tpu.memory_space<vmem>>)
      %mul3A_150 = arith.constant 8 : i32
      %mul3A_151 = arith.muli %scan3A_128, %mul3A_150 : i32
      %add3A_152 = arith.constant 1 : i32
      %add3A_153 = arith.addi %mul3A_151, %add3A_152 : i32
      %dma_wait3A_154 = arith.constant 0 : i32
      %dma_wait3A_155 = arith.constant 0 : i32
      %dma_wait3A_156 = tpu.memref_slice %arg6[%rem3A_129, %dma_wait3A_154, %dma_wait3A_155] : memref<2x1024x16xf32, #tpu.memory_space<vmem>> -> memref<1x1024x16xf32, #tpu.memory_space<vmem>>
      %dma_wait3A_157 = tpu.memref_squeeze %dma_wait3A_156 : memref<1x1024x16xf32, #tpu.memory_space<vmem>> -> memref<1024x16xf32, #tpu.memory_space<vmem>>
      %dma_wait3A_158 = arith.constant 128 : i32
      %dma_wait3A_159 = arith.constant 0 : i32
      %dma_wait3A_160 = tpu.memref_slice %dma_wait3A_157[%dma_wait3A_158, %dma_wait3A_159] : memref<1024x16xf32, #tpu.memory_space<vmem>> -> memref<128x16xf32, #tpu.memory_space<vmem>>
      %dma_wait3A_161 = arith.constant 0 : i32
      %dma_wait3A_162 = tpu.memref_slice %arg5[%add3A_153, %dma_wait3A_161] : memref<80x128xi32, #tpu.memory_space<vmem>> -> memref<1x128xi32, #tpu.memory_space<vmem>>
      %dma_wait3A_163 = tpu.memref_squeeze %dma_wait3A_162 : memref<1x128xi32, #tpu.memory_space<vmem>> -> memref<128xi32, #tpu.memory_space<vmem>>
      %dma_wait3A_164 = arith.constant 0 : i32
      %dma_wait3A_165 = arith.constant 0 : i32
      %dma_wait3A_166 = tpu.memref_slice %arg3[%dma_wait3A_164, %dma_wait3A_165] : memref<1000000x16xf32, #tpu.memory_space<hbm>> -> memref<1000000x16xf32, #tpu.memory_space<hbm>>
      tpu.wait_indirect_dma semaphore(%arg8 : memref<!tpu.dma_semaphore, #tpu.memory_space<semaphore_mem>>) src(%dma_wait3A_166 : memref<1000000x16xf32, #tpu.memory_space<hbm>>) dst(%dma_wait3A_160 : memref<128x16xf32, #tpu.memory_space<vmem>>)
      %mul3A_167 = arith.constant 8 : i32
      %mul3A_168 = arith.muli %scan3A_128, %mul3A_167 : i32
      %add3A_169 = arith.constant 2 : i32
      %add3A_170 = arith.addi %mul3A_168, %add3A_169 : i32
      %dma_wait3A_171 = arith.constant 0 : i32
      %dma_wait3A_172 = arith.constant 0 : i32
      %dma_wait3A_173 = tpu.memref_slice %arg6[%rem3A_129, %dma_wait3A_171, %dma_wait3A_172] : memref<2x1024x16xf32, #tpu.memory_space<vmem>> -> memref<1x1024x16xf32, #tpu.memory_space<vmem>>
      %dma_wait3A_174 = tpu.memref_squeeze %dma_wait3A_173 : memref<1x1024x16xf32, #tpu.memory_space<vmem>> -> memref<1024x16xf32, #tpu.memory_space<vmem>>
      %dma_wait3A_175 = arith.constant 256 : i32
      %dma_wait3A_176 = arith.constant 0 : i32
      %dma_wait3A_177 = tpu.memref_slice %dma_wait3A_174[%dma_wait3A_175, %dma_wait3A_176] : memref<1024x16xf32, #tpu.memory_space<vmem>> -> memref<128x16xf32, #tpu.memory_space<vmem>>
      %dma_wait3A_178 = arith.constant 0 : i32
      %dma_wait3A_179 = tpu.memref_slice %arg5[%add3A_170, %dma_wait3A_178] : memref<80x128xi32, #tpu.memory_space<vmem>> -> memref<1x128xi32, #tpu.memory_space<vmem>>
      %dma_wait3A_180 = tpu.memref_squeeze %dma_wait3A_179 : memref<1x128xi32, #tpu.memory_space<vmem>> -> memref<128xi32, #tpu.memory_space<vmem>>
      %dma_wait3A_181 = arith.constant 0 : i32
      %dma_wait3A_182 = arith.constant 0 : i32
      %dma_wait3A_183 = tpu.memref_slice %arg3[%dma_wait3A_181, %dma_wait3A_182] : memref<1000000x16xf32, #tpu.memory_space<hbm>> -> memref<1000000x16xf32, #tpu.memory_space<hbm>>
      tpu.wait_indirect_dma semaphore(%arg8 : memref<!tpu.dma_semaphore, #tpu.memory_space<semaphore_mem>>) src(%dma_wait3A_183 : memref<1000000x16xf32, #tpu.memory_space<hbm>>) dst(%dma_wait3A_177 : memref<128x16xf32, #tpu.memory_space<vmem>>)
      %mul3A_184 = arith.constant 8 : i32
      %mul3A_185 = arith.muli %scan3A_128, %mul3A_184 : i32
      %add3A_186 = arith.constant 3 : i32
      %add3A_187 = arith.addi %mul3A_185, %add3A_186 : i32
      %dma_wait3A_188 = arith.constant 0 : i32
      %dma_wait3A_189 = arith.constant 0 : i32
      %dma_wait3A_190 = tpu.memref_slice %arg6[%rem3A_129, %dma_wait3A_188, %dma_wait3A_189] : memref<2x1024x16xf32, #tpu.memory_space<vmem>> -> memref<1x1024x16xf32, #tpu.memory_space<vmem>>
      %dma_wait3A_191 = tpu.memref_squeeze %dma_wait3A_190 : memref<1x1024x16xf32, #tpu.memory_space<vmem>> -> memref<1024x16xf32, #tpu.memory_space<vmem>>
      %dma_wait3A_192 = arith.constant 384 : i32
      %dma_wait3A_193 = arith.constant 0 : i32
      %dma_wait3A_194 = tpu.memref_slice %dma_wait3A_191[%dma_wait3A_192, %dma_wait3A_193] : memref<1024x16xf32, #tpu.memory_space<vmem>> -> memref<128x16xf32, #tpu.memory_space<vmem>>
      %dma_wait3A_195 = arith.constant 0 : i32
      %dma_wait3A_196 = tpu.memref_slice %arg5[%add3A_187, %dma_wait3A_195] : memref<80x128xi32, #tpu.memory_space<vmem>> -> memref<1x128xi32, #tpu.memory_space<vmem>>
      %dma_wait3A_197 = tpu.memref_squeeze %dma_wait3A_196 : memref<1x128xi32, #tpu.memory_space<vmem>> -> memref<128xi32, #tpu.memory_space<vmem>>
      %dma_wait3A_198 = arith.constant 0 : i32
      %dma_wait3A_199 = arith.constant 0 : i32
      %dma_wait3A_200 = tpu.memref_slice %arg3[%dma_wait3A_198, %dma_wait3A_199] : memref<1000000x16xf32, #tpu.memory_space<hbm>> -> memref<1000000x16xf32, #tpu.memory_space<hbm>>
      tpu.wait_indirect_dma semaphore(%arg8 : memref<!tpu.dma_semaphore, #tpu.memory_space<semaphore_mem>>) src(%dma_wait3A_200 : memref<1000000x16xf32, #tpu.memory_space<hbm>>) dst(%dma_wait3A_194 : memref<128x16xf32, #tpu.memory_space<vmem>>)
      %mul3A_201 = arith.constant 8 : i32
      %mul3A_202 = arith.muli %scan3A_128, %mul3A_201 : i32
      %add3A_203 = arith.constant 4 : i32
      %add3A_204 = arith.addi %mul3A_202, %add3A_203 : i32
      %dma_wait3A_205 = arith.constant 0 : i32
      %dma_wait3A_206 = arith.constant 0 : i32
      %dma_wait3A_207 = tpu.memref_slice %arg6[%rem3A_129, %dma_wait3A_205, %dma_wait3A_206] : memref<2x1024x16xf32, #tpu.memory_space<vmem>> -> memref<1x1024x16xf32, #tpu.memory_space<vmem>>
      %dma_wait3A_208 = tpu.memref_squeeze %dma_wait3A_207 : memref<1x1024x16xf32, #tpu.memory_space<vmem>> -> memref<1024x16xf32, #tpu.memory_space<vmem>>
      %dma_wait3A_209 = arith.constant 512 : i32
      %dma_wait3A_210 = arith.constant 0 : i32
      %dma_wait3A_211 = tpu.memref_slice %dma_wait3A_208[%dma_wait3A_209, %dma_wait3A_210] : memref<1024x16xf32, #tpu.memory_space<vmem>> -> memref<128x16xf32, #tpu.memory_space<vmem>>
      %dma_wait3A_212 = arith.constant 0 : i32
      %dma_wait3A_213 = tpu.memref_slice %arg5[%add3A_204, %dma_wait3A_212] : memref<80x128xi32, #tpu.memory_space<vmem>> -> memref<1x128xi32, #tpu.memory_space<vmem>>
      %dma_wait3A_214 = tpu.memref_squeeze %dma_wait3A_213 : memref<1x128xi32, #tpu.memory_space<vmem>> -> memref<128xi32, #tpu.memory_space<vmem>>
      %dma_wait3A_215 = arith.constant 0 : i32
      %dma_wait3A_216 = arith.constant 0 : i32
      %dma_wait3A_217 = tpu.memref_slice %arg3[%dma_wait3A_215, %dma_wait3A_216] : memref<1000000x16xf32, #tpu.memory_space<hbm>> -> memref<1000000x16xf32, #tpu.memory_space<hbm>>
      tpu.wait_indirect_dma semaphore(%arg8 : memref<!tpu.dma_semaphore, #tpu.memory_space<semaphore_mem>>) src(%dma_wait3A_217 : memref<1000000x16xf32, #tpu.memory_space<hbm>>) dst(%dma_wait3A_211 : memref<128x16xf32, #tpu.memory_space<vmem>>)
      %mul3A_218 = arith.constant 8 : i32
      %mul3A_219 = arith.muli %scan3A_128, %mul3A_218 : i32
      %add3A_220 = arith.constant 5 : i32
      %add3A_221 = arith.addi %mul3A_219, %add3A_220 : i32
      %dma_wait3A_222 = arith.constant 0 : i32
      %dma_wait3A_223 = arith.constant 0 : i32
      %dma_wait3A_224 = tpu.memref_slice %arg6[%rem3A_129, %dma_wait3A_222, %dma_wait3A_223] : memref<2x1024x16xf32, #tpu.memory_space<vmem>> -> memref<1x1024x16xf32, #tpu.memory_space<vmem>>
      %dma_wait3A_225 = tpu.memref_squeeze %dma_wait3A_224 : memref<1x1024x16xf32, #tpu.memory_space<vmem>> -> memref<1024x16xf32, #tpu.memory_space<vmem>>
      %dma_wait3A_226 = arith.constant 640 : i32
      %dma_wait3A_227 = arith.constant 0 : i32
      %dma_wait3A_228 = tpu.memref_slice %dma_wait3A_225[%dma_wait3A_226, %dma_wait3A_227] : memref<1024x16xf32, #tpu.memory_space<vmem>> -> memref<128x16xf32, #tpu.memory_space<vmem>>
      %dma_wait3A_229 = arith.constant 0 : i32
      %dma_wait3A_230 = tpu.memref_slice %arg5[%add3A_221, %dma_wait3A_229] : memref<80x128xi32, #tpu.memory_space<vmem>> -> memref<1x128xi32, #tpu.memory_space<vmem>>
      %dma_wait3A_231 = tpu.memref_squeeze %dma_wait3A_230 : memref<1x128xi32, #tpu.memory_space<vmem>> -> memref<128xi32, #tpu.memory_space<vmem>>
      %dma_wait3A_232 = arith.constant 0 : i32
      %dma_wait3A_233 = arith.constant 0 : i32
      %dma_wait3A_234 = tpu.memref_slice %arg3[%dma_wait3A_232, %dma_wait3A_233] : memref<1000000x16xf32, #tpu.memory_space<hbm>> -> memref<1000000x16xf32, #tpu.memory_space<hbm>>
      tpu.wait_indirect_dma semaphore(%arg8 : memref<!tpu.dma_semaphore, #tpu.memory_space<semaphore_mem>>) src(%dma_wait3A_234 : memref<1000000x16xf32, #tpu.memory_space<hbm>>) dst(%dma_wait3A_228 : memref<128x16xf32, #tpu.memory_space<vmem>>)
      %mul3A_235 = arith.constant 8 : i32
      %mul3A_236 = arith.muli %scan3A_128, %mul3A_235 : i32
      %add3A_237 = arith.constant 6 : i32
      %add3A_238 = arith.addi %mul3A_236, %add3A_237 : i32
      %dma_wait3A_239 = arith.constant 0 : i32
      %dma_wait3A_240 = arith.constant 0 : i32
      %dma_wait3A_241 = tpu.memref_slice %arg6[%rem3A_129, %dma_wait3A_239, %dma_wait3A_240] : memref<2x1024x16xf32, #tpu.memory_space<vmem>> -> memref<1x1024x16xf32, #tpu.memory_space<vmem>>
      %dma_wait3A_242 = tpu.memref_squeeze %dma_wait3A_241 : memref<1x1024x16xf32, #tpu.memory_space<vmem>> -> memref<1024x16xf32, #tpu.memory_space<vmem>>
      %dma_wait3A_243 = arith.constant 768 : i32
      %dma_wait3A_244 = arith.constant 0 : i32
      %dma_wait3A_245 = tpu.memref_slice %dma_wait3A_242[%dma_wait3A_243, %dma_wait3A_244] : memref<1024x16xf32, #tpu.memory_space<vmem>> -> memref<128x16xf32, #tpu.memory_space<vmem>>
      %dma_wait3A_246 = arith.constant 0 : i32
      %dma_wait3A_247 = tpu.memref_slice %arg5[%add3A_238, %dma_wait3A_246] : memref<80x128xi32, #tpu.memory_space<vmem>> -> memref<1x128xi32, #tpu.memory_space<vmem>>
      %dma_wait3A_248 = tpu.memref_squeeze %dma_wait3A_247 : memref<1x128xi32, #tpu.memory_space<vmem>> -> memref<128xi32, #tpu.memory_space<vmem>>
      %dma_wait3A_249 = arith.constant 0 : i32
      %dma_wait3A_250 = arith.constant 0 : i32
      %dma_wait3A_251 = tpu.memref_slice %arg3[%dma_wait3A_249, %dma_wait3A_250] : memref<1000000x16xf32, #tpu.memory_space<hbm>> -> memref<1000000x16xf32, #tpu.memory_space<hbm>>
      tpu.wait_indirect_dma semaphore(%arg8 : memref<!tpu.dma_semaphore, #tpu.memory_space<semaphore_mem>>) src(%dma_wait3A_251 : memref<1000000x16xf32, #tpu.memory_space<hbm>>) dst(%dma_wait3A_245 : memref<128x16xf32, #tpu.memory_space<vmem>>)
      %mul3A_252 = arith.constant 8 : i32
      %mul3A_253 = arith.muli %scan3A_128, %mul3A_252 : i32
      %add3A_254 = arith.constant 7 : i32
      %add3A_255 = arith.addi %mul3A_253, %add3A_254 : i32
      %dma_wait3A_256 = arith.constant 0 : i32
      %dma_wait3A_257 = arith.constant 0 : i32
      %dma_wait3A_258 = tpu.memref_slice %arg6[%rem3A_129, %dma_wait3A_256, %dma_wait3A_257] : memref<2x1024x16xf32, #tpu.memory_space<vmem>> -> memref<1x1024x16xf32, #tpu.memory_space<vmem>>
      %dma_wait3A_259 = tpu.memref_squeeze %dma_wait3A_258 : memref<1x1024x16xf32, #tpu.memory_space<vmem>> -> memref<1024x16xf32, #tpu.memory_space<vmem>>
      %dma_wait3A_260 = arith.constant 896 : i32
      %dma_wait3A_261 = arith.constant 0 : i32
      %dma_wait3A_262 = tpu.memref_slice %dma_wait3A_259[%dma_wait3A_260, %dma_wait3A_261] : memref<1024x16xf32, #tpu.memory_space<vmem>> -> memref<128x16xf32, #tpu.memory_space<vmem>>
      %dma_wait3A_263 = arith.constant 0 : i32
      %dma_wait3A_264 = tpu.memref_slice %arg5[%add3A_255, %dma_wait3A_263] : memref<80x128xi32, #tpu.memory_space<vmem>> -> memref<1x128xi32, #tpu.memory_space<vmem>>
      %dma_wait3A_265 = tpu.memref_squeeze %dma_wait3A_264 : memref<1x128xi32, #tpu.memory_space<vmem>> -> memref<128xi32, #tpu.memory_space<vmem>>
      %dma_wait3A_266 = arith.constant 0 : i32
      %dma_wait3A_267 = arith.constant 0 : i32
      %dma_wait3A_268 = tpu.memref_slice %arg3[%dma_wait3A_266, %dma_wait3A_267] : memref<1000000x16xf32, #tpu.memory_space<hbm>> -> memref<1000000x16xf32, #tpu.memory_space<hbm>>
      tpu.wait_indirect_dma semaphore(%arg8 : memref<!tpu.dma_semaphore, #tpu.memory_space<semaphore_mem>>) src(%dma_wait3A_268 : memref<1000000x16xf32, #tpu.memory_space<hbm>>) dst(%dma_wait3A_262 : memref<128x16xf32, #tpu.memory_space<vmem>>)
      %scan3A_269 = arith.constant 0 : i32
      %scan3A_270 = arith.constant 0 : i32
      %scan3A_271 = arith.constant 64 : i32
      %scan3A_272 = arith.addi %scan3A_270, %scan3A_271 : i32
      %scan3A_273 = arith.constant 1 : i32
      scf.for %scan3A_603 = %scan3A_270 to %scan3A_272 step %scan3A_273  : i32 {
        %mul3A_604 = arith.constant 16 : i32
        %mul3A_605 = arith.muli %scan3A_603, %mul3A_604 : i32
        %add3A_606 = arith.constant 0 : i32
        %add3A_607 = arith.addi %mul3A_605, %add3A_606 : i32
        %add3A_608 = vector.broadcast %add3A_607 : i32 to vector<16xi32>
        %add3A_609 = arith.addi %mul3A_3, %add3A_608 : vector<16xi32>
        %add3A_610 = arith.constant 0 : i32
        %add3A_611 = arith.addi %mul3A_605, %add3A_610 : i32
        %get3A = arith.index_cast %rem3A_129 : i32 to index
        %get3A_612 = arith.index_cast %add3A_611 : i32 to index
        %get3A_613 = arith.constant 0 : index
        %get3A_614 = tpu.vector_load %arg6[%get3A, %get3A_612, %get3A_613] {strides = array<i32>} : memref<2x1024x16xf32, #tpu.memory_space<vmem>>, vector<16xf32>,
        tpu.vector_store_idx %arg7[%add3A_609], %get3A_614 : memref<16512xf32, #tpu.memory_space<vmem>>[vector<16xi32>], vector<16xf32>,
        %add3A_615 = arith.constant 1 : i32
        %add3A_616 = arith.addi %mul3A_605, %add3A_615 : i32
        %add3A_617 = vector.broadcast %add3A_616 : i32 to vector<16xi32>
        %add3A_618 = arith.addi %mul3A_3, %add3A_617 : vector<16xi32>
        %add3A_619 = arith.constant 1 : i32
        %add3A_620 = arith.addi %mul3A_605, %add3A_619 : i32
        %get3A_621 = arith.index_cast %rem3A_129 : i32 to index
        %get3A_622 = arith.index_cast %add3A_620 : i32 to index
        %get3A_623 = arith.constant 0 : index
        %get3A_624 = tpu.vector_load %arg6[%get3A_621, %get3A_622, %get3A_623] {strides = array<i32>} : memref<2x1024x16xf32, #tpu.memory_space<vmem>>, vector<16xf32>,
        tpu.vector_store_idx %arg7[%add3A_618], %get3A_624 : memref<16512xf32, #tpu.memory_space<vmem>>[vector<16xi32>], vector<16xf32>,
        %add3A_625 = arith.constant 2 : i32
        %add3A_626 = arith.addi %mul3A_605, %add3A_625 : i32
        %add3A_627 = vector.broadcast %add3A_626 : i32 to vector<16xi32>
        %add3A_628 = arith.addi %mul3A_3, %add3A_627 : vector<16xi32>
        %add3A_629 = arith.constant 2 : i32
        %add3A_630 = arith.addi %mul3A_605, %add3A_629 : i32
        %get3A_631 = arith.index_cast %rem3A_129 : i32 to index
        %get3A_632 = arith.index_cast %add3A_630 : i32 to index
        %get3A_633 = arith.constant 0 : index
        %get3A_634 = tpu.vector_load %arg6[%get3A_631, %get3A_632, %get3A_633] {strides = array<i32>} : memref<2x1024x16xf32, #tpu.memory_space<vmem>>, vector<16xf32>,
        tpu.vector_store_idx %arg7[%add3A_628], %get3A_634 : memref<16512xf32, #tpu.memory_space<vmem>>[vector<16xi32>], vector<16xf32>,
        %add3A_635 = arith.constant 3 : i32
        %add3A_636 = arith.addi %mul3A_605, %add3A_635 : i32
        %add3A_637 = vector.broadcast %add3A_636 : i32 to vector<16xi32>
        %add3A_638 = arith.addi %mul3A_3, %add3A_637 : vector<16xi32>
        %add3A_639 = arith.constant 3 : i32
        %add3A_640 = arith.addi %mul3A_605, %add3A_639 : i32
        %get3A_641 = arith.index_cast %rem3A_129 : i32 to index
        %get3A_642 = arith.index_cast %add3A_640 : i32 to index
        %get3A_643 = arith.constant 0 : index
        %get3A_644 = tpu.vector_load %arg6[%get3A_641, %get3A_642, %get3A_643] {strides = array<i32>} : memref<2x1024x16xf32, #tpu.memory_space<vmem>>, vector<16xf32>,
        tpu.vector_store_idx %arg7[%add3A_638], %get3A_644 : memref<16512xf32, #tpu.memory_space<vmem>>[vector<16xi32>], vector<16xf32>,
        %add3A_645 = arith.constant 4 : i32
        %add3A_646 = arith.addi %mul3A_605, %add3A_645 : i32
        %add3A_647 = vector.broadcast %add3A_646 : i32 to vector<16xi32>
        %add3A_648 = arith.addi %mul3A_3, %add3A_647 : vector<16xi32>
        %add3A_649 = arith.constant 4 : i32
        %add3A_650 = arith.addi %mul3A_605, %add3A_649 : i32
        %get3A_651 = arith.index_cast %rem3A_129 : i32 to index
        %get3A_652 = arith.index_cast %add3A_650 : i32 to index
        %get3A_653 = arith.constant 0 : index
        %get3A_654 = tpu.vector_load %arg6[%get3A_651, %get3A_652, %get3A_653] {strides = array<i32>} : memref<2x1024x16xf32, #tpu.memory_space<vmem>>, vector<16xf32>,
        tpu.vector_store_idx %arg7[%add3A_648], %get3A_654 : memref<16512xf32, #tpu.memory_space<vmem>>[vector<16xi32>], vector<16xf32>,
        %add3A_655 = arith.constant 5 : i32
        %add3A_656 = arith.addi %mul3A_605, %add3A_655 : i32
        %add3A_657 = vector.broadcast %add3A_656 : i32 to vector<16xi32>
        %add3A_658 = arith.addi %mul3A_3, %add3A_657 : vector<16xi32>
        %add3A_659 = arith.constant 5 : i32
        %add3A_660 = arith.addi %mul3A_605, %add3A_659 : i32
        %get3A_661 = arith.index_cast %rem3A_129 : i32 to index
        %get3A_662 = arith.index_cast %add3A_660 : i32 to index
        %get3A_663 = arith.constant 0 : index
        %get3A_664 = tpu.vector_load %arg6[%get3A_661, %get3A_662, %get3A_663] {strides = array<i32>} : memref<2x1024x16xf32, #tpu.memory_space<vmem>>, vector<16xf32>,
        tpu.vector_store_idx %arg7[%add3A_658], %get3A_664 : memref<16512xf32, #tpu.memory_space<vmem>>[vector<16xi32>], vector<16xf32>,
        %add3A_665 = arith.constant 6 : i32
        %add3A_666 = arith.addi %mul3A_605, %add3A_665 : i32
        %add3A_667 = vector.broadcast %add3A_666 : i32 to vector<16xi32>
        %add3A_668 = arith.addi %mul3A_3, %add3A_667 : vector<16xi32>
        %add3A_669 = arith.constant 6 : i32
        %add3A_670 = arith.addi %mul3A_605, %add3A_669 : i32
        %get3A_671 = arith.index_cast %rem3A_129 : i32 to index
        %get3A_672 = arith.index_cast %add3A_670 : i32 to index
        %get3A_673 = arith.constant 0 : index
        %get3A_674 = tpu.vector_load %arg6[%get3A_671, %get3A_672, %get3A_673] {strides = array<i32>} : memref<2x1024x16xf32, #tpu.memory_space<vmem>>, vector<16xf32>,
        tpu.vector_store_idx %arg7[%add3A_668], %get3A_674 : memref<16512xf32, #tpu.memory_space<vmem>>[vector<16xi32>], vector<16xf32>,
        %add3A_675 = arith.constant 7 : i32
        %add3A_676 = arith.addi %mul3A_605, %add3A_675 : i32
        %add3A_677 = vector.broadcast %add3A_676 : i32 to vector<16xi32>
        %add3A_678 = arith.addi %mul3A_3, %add3A_677 : vector<16xi32>
        %add3A_679 = arith.constant 7 : i32
        %add3A_680 = arith.addi %mul3A_605, %add3A_679 : i32
        %get3A_681 = arith.index_cast %rem3A_129 : i32 to index
        %get3A_682 = arith.index_cast %add3A_680 : i32 to index
        %get3A_683 = arith.constant 0 : index
        %get3A_684 = tpu.vector_load %arg6[%get3A_681, %get3A_682, %get3A_683] {strides = array<i32>} : memref<2x1024x16xf32, #tpu.memory_space<vmem>>, vector<16xf32>,
        tpu.vector_store_idx %arg7[%add3A_678], %get3A_684 : memref<16512xf32, #tpu.memory_space<vmem>>[vector<16xi32>], vector<16xf32>,
        %add3A_685 = arith.constant 8 : i32
        %add3A_686 = arith.addi %mul3A_605, %add3A_685 : i32
        %add3A_687 = vector.broadcast %add3A_686 : i32 to vector<16xi32>
        %add3A_688 = arith.addi %mul3A_3, %add3A_687 : vector<16xi32>
        %add3A_689 = arith.constant 8 : i32
        %add3A_690 = arith.addi %mul3A_605, %add3A_689 : i32
        %get3A_691 = arith.index_cast %rem3A_129 : i32 to index
        %get3A_692 = arith.index_cast %add3A_690 : i32 to index
        %get3A_693 = arith.constant 0 : index
        %get3A_694 = tpu.vector_load %arg6[%get3A_691, %get3A_692, %get3A_693] {strides = array<i32>} : memref<2x1024x16xf32, #tpu.memory_space<vmem>>, vector<16xf32>,
        tpu.vector_store_idx %arg7[%add3A_688], %get3A_694 : memref<16512xf32, #tpu.memory_space<vmem>>[vector<16xi32>], vector<16xf32>,
        %add3A_695 = arith.constant 9 : i32
        %add3A_696 = arith.addi %mul3A_605, %add3A_695 : i32
        %add3A_697 = vector.broadcast %add3A_696 : i32 to vector<16xi32>
        %add3A_698 = arith.addi %mul3A_3, %add3A_697 : vector<16xi32>
        %add3A_699 = arith.constant 9 : i32
        %add3A_700 = arith.addi %mul3A_605, %add3A_699 : i32
        %get3A_701 = arith.index_cast %rem3A_129 : i32 to index
        %get3A_702 = arith.index_cast %add3A_700 : i32 to index
        %get3A_703 = arith.constant 0 : index
        %get3A_704 = tpu.vector_load %arg6[%get3A_701, %get3A_702, %get3A_703] {strides = array<i32>} : memref<2x1024x16xf32, #tpu.memory_space<vmem>>, vector<16xf32>,
        tpu.vector_store_idx %arg7[%add3A_698], %get3A_704 : memref<16512xf32, #tpu.memory_space<vmem>>[vector<16xi32>], vector<16xf32>,
        %add3A_705 = arith.constant 10 : i32
        %add3A_706 = arith.addi %mul3A_605, %add3A_705 : i32
        %add3A_707 = vector.broadcast %add3A_706 : i32 to vector<16xi32>
        %add3A_708 = arith.addi %mul3A_3, %add3A_707 : vector<16xi32>
        %add3A_709 = arith.constant 10 : i32
        %add3A_710 = arith.addi %mul3A_605, %add3A_709 : i32
        %get3A_711 = arith.index_cast %rem3A_129 : i32 to index
        %get3A_712 = arith.index_cast %add3A_710 : i32 to index
        %get3A_713 = arith.constant 0 : index
        %get3A_714 = tpu.vector_load %arg6[%get3A_711, %get3A_712, %get3A_713] {strides = array<i32>} : memref<2x1024x16xf32, #tpu.memory_space<vmem>>, vector<16xf32>,
        tpu.vector_store_idx %arg7[%add3A_708], %get3A_714 : memref<16512xf32, #tpu.memory_space<vmem>>[vector<16xi32>], vector<16xf32>,
        %add3A_715 = arith.constant 11 : i32
        %add3A_716 = arith.addi %mul3A_605, %add3A_715 : i32
        %add3A_717 = vector.broadcast %add3A_716 : i32 to vector<16xi32>
        %add3A_718 = arith.addi %mul3A_3, %add3A_717 : vector<16xi32>
        %add3A_719 = arith.constant 11 : i32
        %add3A_720 = arith.addi %mul3A_605, %add3A_719 : i32
        %get3A_721 = arith.index_cast %rem3A_129 : i32 to index
        %get3A_722 = arith.index_cast %add3A_720 : i32 to index
        %get3A_723 = arith.constant 0 : index
        %get3A_724 = tpu.vector_load %arg6[%get3A_721, %get3A_722, %get3A_723] {strides = array<i32>} : memref<2x1024x16xf32, #tpu.memory_space<vmem>>, vector<16xf32>,
        tpu.vector_store_idx %arg7[%add3A_718], %get3A_724 : memref<16512xf32, #tpu.memory_space<vmem>>[vector<16xi32>], vector<16xf32>,
        %add3A_725 = arith.constant 12 : i32
        %add3A_726 = arith.addi %mul3A_605, %add3A_725 : i32
        %add3A_727 = vector.broadcast %add3A_726 : i32 to vector<16xi32>
        %add3A_728 = arith.addi %mul3A_3, %add3A_727 : vector<16xi32>
        %add3A_729 = arith.constant 12 : i32
        %add3A_730 = arith.addi %mul3A_605, %add3A_729 : i32
        %get3A_731 = arith.index_cast %rem3A_129 : i32 to index
        %get3A_732 = arith.index_cast %add3A_730 : i32 to index
        %get3A_733 = arith.constant 0 : index
        %get3A_734 = tpu.vector_load %arg6[%get3A_731, %get3A_732, %get3A_733] {strides = array<i32>} : memref<2x1024x16xf32, #tpu.memory_space<vmem>>, vector<16xf32>,
        tpu.vector_store_idx %arg7[%add3A_728], %get3A_734 : memref<16512xf32, #tpu.memory_space<vmem>>[vector<16xi32>], vector<16xf32>,
        %add3A_735 = arith.constant 13 : i32
        %add3A_736 = arith.addi %mul3A_605, %add3A_735 : i32
        %add3A_737 = vector.broadcast %add3A_736 : i32 to vector<16xi32>
        %add3A_738 = arith.addi %mul3A_3, %add3A_737 : vector<16xi32>
        %add3A_739 = arith.constant 13 : i32
        %add3A_740 = arith.addi %mul3A_605, %add3A_739 : i32
        %get3A_741 = arith.index_cast %rem3A_129 : i32 to index
        %get3A_742 = arith.index_cast %add3A_740 : i32 to index
        %get3A_743 = arith.constant 0 : index
        %get3A_744 = tpu.vector_load %arg6[%get3A_741, %get3A_742, %get3A_743] {strides = array<i32>} : memref<2x1024x16xf32, #tpu.memory_space<vmem>>, vector<16xf32>,
        tpu.vector_store_idx %arg7[%add3A_738], %get3A_744 : memref<16512xf32, #tpu.memory_space<vmem>>[vector<16xi32>], vector<16xf32>,
        %add3A_745 = arith.constant 14 : i32
        %add3A_746 = arith.addi %mul3A_605, %add3A_745 : i32
        %add3A_747 = vector.broadcast %add3A_746 : i32 to vector<16xi32>
        %add3A_748 = arith.addi %mul3A_3, %add3A_747 : vector<16xi32>
        %add3A_749 = arith.constant 14 : i32
        %add3A_750 = arith.addi %mul3A_605, %add3A_749 : i32
        %get3A_751 = arith.index_cast %rem3A_129 : i32 to index
        %get3A_752 = arith.index_cast %add3A_750 : i32 to index
        %get3A_753 = arith.constant 0 : index
        %get3A_754 = tpu.vector_load %arg6[%get3A_751, %get3A_752, %get3A_753] {strides = array<i32>} : memref<2x1024x16xf32, #tpu.memory_space<vmem>>, vector<16xf32>,
        tpu.vector_store_idx %arg7[%add3A_748], %get3A_754 : memref<16512xf32, #tpu.memory_space<vmem>>[vector<16xi32>], vector<16xf32>,
        %add3A_755 = arith.constant 15 : i32
        %add3A_756 = arith.addi %mul3A_605, %add3A_755 : i32
        %add3A_757 = vector.broadcast %add3A_756 : i32 to vector<16xi32>
        %add3A_758 = arith.addi %mul3A_3, %add3A_757 : vector<16xi32>
        %add3A_759 = arith.constant 15 : i32
        %add3A_760 = arith.addi %mul3A_605, %add3A_759 : i32
        %get3A_761 = arith.index_cast %rem3A_129 : i32 to index
        %get3A_762 = arith.index_cast %add3A_760 : i32 to index
        %get3A_763 = arith.constant 0 : index
        %get3A_764 = tpu.vector_load %arg6[%get3A_761, %get3A_762, %get3A_763] {strides = array<i32>} : memref<2x1024x16xf32, #tpu.memory_space<vmem>>, vector<16xf32>,
        tpu.vector_store_idx %arg7[%add3A_758], %get3A_764 : memref<16512xf32, #tpu.memory_space<vmem>>[vector<16xi32>], vector<16xf32>,
      }
      %scan3A_274 = arith.constant 64 : i32
      %mul3A_275 = arith.constant 10240 : i32
      %mul3A_276 = arith.muli %add3A, %mul3A_275 : i32
      %mul3A_277 = arith.constant 1024 : i32
      %mul3A_278 = arith.muli %scan3A_128, %mul3A_277 : i32
      %add3A_279 = arith.addi %mul3A_276, %mul3A_278 : i32
      %jit3A = arith.constant 16384 : i32
      %div3A = arith.divsi %add3A_279, %jit3A : i32
      %sign3A = arith.constant 0 : i32
      %sign3A_280 = arith.cmpi sgt, %add3A_279, %sign3A : i32
      %sign3A_281 = arith.extui %sign3A_280 : i1 to i32
      %sign3A_282 = arith.constant 0 : i32
      %sign3A_283 = arith.cmpi slt, %add3A_279, %sign3A_282 : i32
      %sign3A_284 = arith.extui %sign3A_283 : i1 to i32
      %sign3A_285 = arith.subi %sign3A_281, %sign3A_284 : i32
      %sign3A_286 = arith.constant 0 : i32
      %sign3A_287 = arith.cmpi sgt, %jit3A, %sign3A_286 : i32
      %sign3A_288 = arith.extui %sign3A_287 : i1 to i32
      %sign3A_289 = arith.constant 0 : i32
      %sign3A_290 = arith.cmpi slt, %jit3A, %sign3A_289 : i32
      %sign3A_291 = arith.extui %sign3A_290 : i1 to i32
      %sign3A_292 = arith.subi %sign3A_288, %sign3A_291 : i32
      %ne3A = arith.cmpi ne, %sign3A_285, %sign3A_292 : i32
      %rem3A_293 = arith.remsi %add3A_279, %jit3A : i32
      %ne3A_294 = arith.constant 0 : i32
      %ne3A_295 = arith.cmpi ne, %rem3A_293, %ne3A_294 : i32
      %and3A = arith.andi %ne3A, %ne3A_295 : i1
      %sub3A = arith.constant 1 : i32
      %sub3A_296 = arith.subi %div3A, %sub3A : i32
      %select_n3A = arith.select %and3A, %sub3A_296, %div3A : i32
      %rem3A_297 = arith.constant 16384 : i32
      %rem3A_298 = arith.remsi %add3A_279, %rem3A_297 : i32
      %mul3A_299 = arith.constant 16 : i32
      %mul3A_300 = arith.muli %select_n3A, %mul3A_299 : i32
      %add3A_301 = arith.constant 0 : i32
      %add3A_302 = arith.addi %mul3A_300, %add3A_301 : i32
      %mul3A_303 = arith.constant 16384 : i32
      %mul3A_304 = arith.muli %add3A_302, %mul3A_303 : i32
      %add3A_305 = arith.addi %mul3A_304, %rem3A_298 : i32
      %dma_start3A_306 = arith.constant 0 : i32
      %dma_start3A_307 = tpu.memref_slice %arg7[%dma_start3A_306] : memref<16512xf32, #tpu.memory_space<vmem>> -> memref<1024xf32, #tpu.memory_space<vmem>>
      %dma_start3A_308 = tpu.memref_slice %arg4[%add3A_305] : memref<5242880xf32, #tpu.memory_space<hbm>> -> memref<1024xf32, #tpu.memory_space<hbm>>
      %dma_start3A_309 = tpu.memref_slice %arg4[%add3A_305] : memref<5242880xf32, #tpu.memory_space<hbm>> -> memref<1024xf32, #tpu.memory_space<hbm>>
      %dma_start3A_310 = arith.constant 0 : i32
      %dma_start3A_311 = tpu.memref_slice %arg7[%dma_start3A_310] : memref<16512xf32, #tpu.memory_space<vmem>> -> memref<1024xf32, #tpu.memory_space<vmem>>
      tpu.enqueue_dma source(%dma_start3A_311 : memref<1024xf32, #tpu.memory_space<vmem>>) target(%dma_start3A_309 : memref<1024xf32, #tpu.memory_space<hbm>>) target_semaphore(%arg9 : memref<!tpu.dma_semaphore, #tpu.memory_space<semaphore_mem>>)
      %mul3A_312 = arith.constant 16 : i32
      %mul3A_313 = arith.muli %select_n3A, %mul3A_312 : i32
      %add3A_314 = arith.constant 1 : i32
      %add3A_315 = arith.addi %mul3A_313, %add3A_314 : i32
      %mul3A_316 = arith.constant 16384 : i32
      %mul3A_317 = arith.muli %add3A_315, %mul3A_316 : i32
      %add3A_318 = arith.addi %mul3A_317, %rem3A_298 : i32
      %dma_start3A_319 = arith.constant 1032 : i32
      %dma_start3A_320 = tpu.memref_slice %arg7[%dma_start3A_319] : memref<16512xf32, #tpu.memory_space<vmem>> -> memref<1024xf32, #tpu.memory_space<vmem>>
      %dma_start3A_321 = tpu.memref_slice %arg4[%add3A_318] : memref<5242880xf32, #tpu.memory_space<hbm>> -> memref<1024xf32, #tpu.memory_space<hbm>>
      %dma_start3A_322 = tpu.memref_slice %arg4[%add3A_318] : memref<5242880xf32, #tpu.memory_space<hbm>> -> memref<1024xf32, #tpu.memory_space<hbm>>
      %dma_start3A_323 = arith.constant 1032 : i32
      %dma_start3A_324 = tpu.memref_slice %arg7[%dma_start3A_323] : memref<16512xf32, #tpu.memory_space<vmem>> -> memref<1024xf32, #tpu.memory_space<vmem>>
      tpu.enqueue_dma source(%dma_start3A_324 : memref<1024xf32, #tpu.memory_space<vmem>>) target(%dma_start3A_322 : memref<1024xf32, #tpu.memory_space<hbm>>) target_semaphore(%arg9 : memref<!tpu.dma_semaphore, #tpu.memory_space<semaphore_mem>>)
      %mul3A_325 = arith.constant 16 : i32
      %mul3A_326 = arith.muli %select_n3A, %mul3A_325 : i32
      %add3A_327 = arith.constant 2 : i32
      %add3A_328 = arith.addi %mul3A_326, %add3A_327 : i32
      %mul3A_329 = arith.constant 16384 : i32
      %mul3A_330 = arith.muli %add3A_328, %mul3A_329 : i32
      %add3A_331 = arith.addi %mul3A_330, %rem3A_298 : i32
      %dma_start3A_332 = arith.constant 2064 : i32
      %dma_start3A_333 = tpu.memref_slice %arg7[%dma_start3A_332] : memref<16512xf32, #tpu.memory_space<vmem>> -> memref<1024xf32, #tpu.memory_space<vmem>>
      %dma_start3A_334 = tpu.memref_slice %arg4[%add3A_331] : memref<5242880xf32, #tpu.memory_space<hbm>> -> memref<1024xf32, #tpu.memory_space<hbm>>
      %dma_start3A_335 = tpu.memref_slice %arg4[%add3A_331] : memref<5242880xf32, #tpu.memory_space<hbm>> -> memref<1024xf32, #tpu.memory_space<hbm>>
      %dma_start3A_336 = arith.constant 2064 : i32
      %dma_start3A_337 = tpu.memref_slice %arg7[%dma_start3A_336] : memref<16512xf32, #tpu.memory_space<vmem>> -> memref<1024xf32, #tpu.memory_space<vmem>>
      tpu.enqueue_dma source(%dma_start3A_337 : memref<1024xf32, #tpu.memory_space<vmem>>) target(%dma_start3A_335 : memref<1024xf32, #tpu.memory_space<hbm>>) target_semaphore(%arg9 : memref<!tpu.dma_semaphore, #tpu.memory_space<semaphore_mem>>)
      %mul3A_338 = arith.constant 16 : i32
      %mul3A_339 = arith.muli %select_n3A, %mul3A_338 : i32
      %add3A_340 = arith.constant 3 : i32
      %add3A_341 = arith.addi %mul3A_339, %add3A_340 : i32
      %mul3A_342 = arith.constant 16384 : i32
      %mul3A_343 = arith.muli %add3A_341, %mul3A_342 : i32
      %add3A_344 = arith.addi %mul3A_343, %rem3A_298 : i32
      %dma_start3A_345 = arith.constant 3096 : i32
      %dma_start3A_346 = tpu.memref_slice %arg7[%dma_start3A_345] : memref<16512xf32, #tpu.memory_space<vmem>> -> memref<1024xf32, #tpu.memory_space<vmem>>
      %dma_start3A_347 = tpu.memref_slice %arg4[%add3A_344] : memref<5242880xf32, #tpu.memory_space<hbm>> -> memref<1024xf32, #tpu.memory_space<hbm>>
      %dma_start3A_348 = tpu.memref_slice %arg4[%add3A_344] : memref<5242880xf32, #tpu.memory_space<hbm>> -> memref<1024xf32, #tpu.memory_space<hbm>>
      %dma_start3A_349 = arith.constant 3096 : i32
      %dma_start3A_350 = tpu.memref_slice %arg7[%dma_start3A_349] : memref<16512xf32, #tpu.memory_space<vmem>> -> memref<1024xf32, #tpu.memory_space<vmem>>
      tpu.enqueue_dma source(%dma_start3A_350 : memref<1024xf32, #tpu.memory_space<vmem>>) target(%dma_start3A_348 : memref<1024xf32, #tpu.memory_space<hbm>>) target_semaphore(%arg9 : memref<!tpu.dma_semaphore, #tpu.memory_space<semaphore_mem>>)
      %mul3A_351 = arith.constant 16 : i32
      %mul3A_352 = arith.muli %select_n3A, %mul3A_351 : i32
      %add3A_353 = arith.constant 4 : i32
      %add3A_354 = arith.addi %mul3A_352, %add3A_353 : i32
      %mul3A_355 = arith.constant 16384 : i32
      %mul3A_356 = arith.muli %add3A_354, %mul3A_355 : i32
      %add3A_357 = arith.addi %mul3A_356, %rem3A_298 : i32
      %dma_start3A_358 = arith.constant 4128 : i32
      %dma_start3A_359 = tpu.memref_slice %arg7[%dma_start3A_358] : memref<16512xf32, #tpu.memory_space<vmem>> -> memref<1024xf32, #tpu.memory_space<vmem>>
      %dma_start3A_360 = tpu.memref_slice %arg4[%add3A_357] : memref<5242880xf32, #tpu.memory_space<hbm>> -> memref<1024xf32, #tpu.memory_space<hbm>>
      %dma_start3A_361 = tpu.memref_slice %arg4[%add3A_357] : memref<5242880xf32, #tpu.memory_space<hbm>> -> memref<1024xf32, #tpu.memory_space<hbm>>
      %dma_start3A_362 = arith.constant 4128 : i32
      %dma_start3A_363 = tpu.memref_slice %arg7[%dma_start3A_362] : memref<16512xf32, #tpu.memory_space<vmem>> -> memref<1024xf32, #tpu.memory_space<vmem>>
      tpu.enqueue_dma source(%dma_start3A_363 : memref<1024xf32, #tpu.memory_space<vmem>>) target(%dma_start3A_361 : memref<1024xf32, #tpu.memory_space<hbm>>) target_semaphore(%arg9 : memref<!tpu.dma_semaphore, #tpu.memory_space<semaphore_mem>>)
      %mul3A_364 = arith.constant 16 : i32
      %mul3A_365 = arith.muli %select_n3A, %mul3A_364 : i32
      %add3A_366 = arith.constant 5 : i32
      %add3A_367 = arith.addi %mul3A_365, %add3A_366 : i32
      %mul3A_368 = arith.constant 16384 : i32
      %mul3A_369 = arith.muli %add3A_367, %mul3A_368 : i32
      %add3A_370 = arith.addi %mul3A_369, %rem3A_298 : i32
      %dma_start3A_371 = arith.constant 5160 : i32
      %dma_start3A_372 = tpu.memref_slice %arg7[%dma_start3A_371] : memref<16512xf32, #tpu.memory_space<vmem>> -> memref<1024xf32, #tpu.memory_space<vmem>>
      %dma_start3A_373 = tpu.memref_slice %arg4[%add3A_370] : memref<5242880xf32, #tpu.memory_space<hbm>> -> memref<1024xf32, #tpu.memory_space<hbm>>
      %dma_start3A_374 = tpu.memref_slice %arg4[%add3A_370] : memref<5242880xf32, #tpu.memory_space<hbm>> -> memref<1024xf32, #tpu.memory_space<hbm>>
      %dma_start3A_375 = arith.constant 5160 : i32
      %dma_start3A_376 = tpu.memref_slice %arg7[%dma_start3A_375] : memref<16512xf32, #tpu.memory_space<vmem>> -> memref<1024xf32, #tpu.memory_space<vmem>>
      tpu.enqueue_dma source(%dma_start3A_376 : memref<1024xf32, #tpu.memory_space<vmem>>) target(%dma_start3A_374 : memref<1024xf32, #tpu.memory_space<hbm>>) target_semaphore(%arg9 : memref<!tpu.dma_semaphore, #tpu.memory_space<semaphore_mem>>)
      %mul3A_377 = arith.constant 16 : i32
      %mul3A_378 = arith.muli %select_n3A, %mul3A_377 : i32
      %add3A_379 = arith.constant 6 : i32
      %add3A_380 = arith.addi %mul3A_378, %add3A_379 : i32
      %mul3A_381 = arith.constant 16384 : i32
      %mul3A_382 = arith.muli %add3A_380, %mul3A_381 : i32
      %add3A_383 = arith.addi %mul3A_382, %rem3A_298 : i32
      %dma_start3A_384 = arith.constant 6192 : i32
      %dma_start3A_385 = tpu.memref_slice %arg7[%dma_start3A_384] : memref<16512xf32, #tpu.memory_space<vmem>> -> memref<1024xf32, #tpu.memory_space<vmem>>
      %dma_start3A_386 = tpu.memref_slice %arg4[%add3A_383] : memref<5242880xf32, #tpu.memory_space<hbm>> -> memref<1024xf32, #tpu.memory_space<hbm>>
      %dma_start3A_387 = tpu.memref_slice %arg4[%add3A_383] : memref<5242880xf32, #tpu.memory_space<hbm>> -> memref<1024xf32, #tpu.memory_space<hbm>>
      %dma_start3A_388 = arith.constant 6192 : i32
      %dma_start3A_389 = tpu.memref_slice %arg7[%dma_start3A_388] : memref<16512xf32, #tpu.memory_space<vmem>> -> memref<1024xf32, #tpu.memory_space<vmem>>
      tpu.enqueue_dma source(%dma_start3A_389 : memref<1024xf32, #tpu.memory_space<vmem>>) target(%dma_start3A_387 : memref<1024xf32, #tpu.memory_space<hbm>>) target_semaphore(%arg9 : memref<!tpu.dma_semaphore, #tpu.memory_space<semaphore_mem>>)
      %mul3A_390 = arith.constant 16 : i32
      %mul3A_391 = arith.muli %select_n3A, %mul3A_390 : i32
      %add3A_392 = arith.constant 7 : i32
      %add3A_393 = arith.addi %mul3A_391, %add3A_392 : i32
      %mul3A_394 = arith.constant 16384 : i32
      %mul3A_395 = arith.muli %add3A_393, %mul3A_394 : i32
      %add3A_396 = arith.addi %mul3A_395, %rem3A_298 : i32
      %dma_start3A_397 = arith.constant 7224 : i32
      %dma_start3A_398 = tpu.memref_slice %arg7[%dma_start3A_397] : memref<16512xf32, #tpu.memory_space<vmem>> -> memref<1024xf32, #tpu.memory_space<vmem>>
      %dma_start3A_399 = tpu.memref_slice %arg4[%add3A_396] : memref<5242880xf32, #tpu.memory_space<hbm>> -> memref<1024xf32, #tpu.memory_space<hbm>>
      %dma_start3A_400 = tpu.memref_slice %arg4[%add3A_396] : memref<5242880xf32, #tpu.memory_space<hbm>> -> memref<1024xf32, #tpu.memory_space<hbm>>
      %dma_start3A_401 = arith.constant 7224 : i32
      %dma_start3A_402 = tpu.memref_slice %arg7[%dma_start3A_401] : memref<16512xf32, #tpu.memory_space<vmem>> -> memref<1024xf32, #tpu.memory_space<vmem>>
      tpu.enqueue_dma source(%dma_start3A_402 : memref<1024xf32, #tpu.memory_space<vmem>>) target(%dma_start3A_400 : memref<1024xf32, #tpu.memory_space<hbm>>) target_semaphore(%arg9 : memref<!tpu.dma_semaphore, #tpu.memory_space<semaphore_mem>>)
      %mul3A_403 = arith.constant 16 : i32
      %mul3A_404 = arith.muli %select_n3A, %mul3A_403 : i32
      %add3A_405 = arith.constant 8 : i32
      %add3A_406 = arith.addi %mul3A_404, %add3A_405 : i32
      %mul3A_407 = arith.constant 16384 : i32
      %mul3A_408 = arith.muli %add3A_406, %mul3A_407 : i32
      %add3A_409 = arith.addi %mul3A_408, %rem3A_298 : i32
      %dma_start3A_410 = arith.constant 8256 : i32
      %dma_start3A_411 = tpu.memref_slice %arg7[%dma_start3A_410] : memref<16512xf32, #tpu.memory_space<vmem>> -> memref<1024xf32, #tpu.memory_space<vmem>>
      %dma_start3A_412 = tpu.memref_slice %arg4[%add3A_409] : memref<5242880xf32, #tpu.memory_space<hbm>> -> memref<1024xf32, #tpu.memory_space<hbm>>
      %dma_start3A_413 = tpu.memref_slice %arg4[%add3A_409] : memref<5242880xf32, #tpu.memory_space<hbm>> -> memref<1024xf32, #tpu.memory_space<hbm>>
      %dma_start3A_414 = arith.constant 8256 : i32
      %dma_start3A_415 = tpu.memref_slice %arg7[%dma_start3A_414] : memref<16512xf32, #tpu.memory_space<vmem>> -> memref<1024xf32, #tpu.memory_space<vmem>>
      tpu.enqueue_dma source(%dma_start3A_415 : memref<1024xf32, #tpu.memory_space<vmem>>) target(%dma_start3A_413 : memref<1024xf32, #tpu.memory_space<hbm>>) target_semaphore(%arg9 : memref<!tpu.dma_semaphore, #tpu.memory_space<semaphore_mem>>)
      %mul3A_416 = arith.constant 16 : i32
      %mul3A_417 = arith.muli %select_n3A, %mul3A_416 : i32
      %add3A_418 = arith.constant 9 : i32
      %add3A_419 = arith.addi %mul3A_417, %add3A_418 : i32
      %mul3A_420 = arith.constant 16384 : i32
      %mul3A_421 = arith.muli %add3A_419, %mul3A_420 : i32
      %add3A_422 = arith.addi %mul3A_421, %rem3A_298 : i32
      %dma_start3A_423 = arith.constant 9288 : i32
      %dma_start3A_424 = tpu.memref_slice %arg7[%dma_start3A_423] : memref<16512xf32, #tpu.memory_space<vmem>> -> memref<1024xf32, #tpu.memory_space<vmem>>
      %dma_start3A_425 = tpu.memref_slice %arg4[%add3A_422] : memref<5242880xf32, #tpu.memory_space<hbm>> -> memref<1024xf32, #tpu.memory_space<hbm>>
      %dma_start3A_426 = tpu.memref_slice %arg4[%add3A_422] : memref<5242880xf32, #tpu.memory_space<hbm>> -> memref<1024xf32, #tpu.memory_space<hbm>>
      %dma_start3A_427 = arith.constant 9288 : i32
      %dma_start3A_428 = tpu.memref_slice %arg7[%dma_start3A_427] : memref<16512xf32, #tpu.memory_space<vmem>> -> memref<1024xf32, #tpu.memory_space<vmem>>
      tpu.enqueue_dma source(%dma_start3A_428 : memref<1024xf32, #tpu.memory_space<vmem>>) target(%dma_start3A_426 : memref<1024xf32, #tpu.memory_space<hbm>>) target_semaphore(%arg9 : memref<!tpu.dma_semaphore, #tpu.memory_space<semaphore_mem>>)
      %mul3A_429 = arith.constant 16 : i32
      %mul3A_430 = arith.muli %select_n3A, %mul3A_429 : i32
      %add3A_431 = arith.constant 10 : i32
      %add3A_432 = arith.addi %mul3A_430, %add3A_431 : i32
      %mul3A_433 = arith.constant 16384 : i32
      %mul3A_434 = arith.muli %add3A_432, %mul3A_433 : i32
      %add3A_435 = arith.addi %mul3A_434, %rem3A_298 : i32
      %dma_start3A_436 = arith.constant 10320 : i32
      %dma_start3A_437 = tpu.memref_slice %arg7[%dma_start3A_436] : memref<16512xf32, #tpu.memory_space<vmem>> -> memref<1024xf32, #tpu.memory_space<vmem>>
      %dma_start3A_438 = tpu.memref_slice %arg4[%add3A_435] : memref<5242880xf32, #tpu.memory_space<hbm>> -> memref<1024xf32, #tpu.memory_space<hbm>>
      %dma_start3A_439 = tpu.memref_slice %arg4[%add3A_435] : memref<5242880xf32, #tpu.memory_space<hbm>> -> memref<1024xf32, #tpu.memory_space<hbm>>
      %dma_start3A_440 = arith.constant 10320 : i32
      %dma_start3A_441 = tpu.memref_slice %arg7[%dma_start3A_440] : memref<16512xf32, #tpu.memory_space<vmem>> -> memref<1024xf32, #tpu.memory_space<vmem>>
      tpu.enqueue_dma source(%dma_start3A_441 : memref<1024xf32, #tpu.memory_space<vmem>>) target(%dma_start3A_439 : memref<1024xf32, #tpu.memory_space<hbm>>) target_semaphore(%arg9 : memref<!tpu.dma_semaphore, #tpu.memory_space<semaphore_mem>>)
      %mul3A_442 = arith.constant 16 : i32
      %mul3A_443 = arith.muli %select_n3A, %mul3A_442 : i32
      %add3A_444 = arith.constant 11 : i32
      %add3A_445 = arith.addi %mul3A_443, %add3A_444 : i32
      %mul3A_446 = arith.constant 16384 : i32
      %mul3A_447 = arith.muli %add3A_445, %mul3A_446 : i32
      %add3A_448 = arith.addi %mul3A_447, %rem3A_298 : i32
      %dma_start3A_449 = arith.constant 11352 : i32
      %dma_start3A_450 = tpu.memref_slice %arg7[%dma_start3A_449] : memref<16512xf32, #tpu.memory_space<vmem>> -> memref<1024xf32, #tpu.memory_space<vmem>>
      %dma_start3A_451 = tpu.memref_slice %arg4[%add3A_448] : memref<5242880xf32, #tpu.memory_space<hbm>> -> memref<1024xf32, #tpu.memory_space<hbm>>
      %dma_start3A_452 = tpu.memref_slice %arg4[%add3A_448] : memref<5242880xf32, #tpu.memory_space<hbm>> -> memref<1024xf32, #tpu.memory_space<hbm>>
      %dma_start3A_453 = arith.constant 11352 : i32
      %dma_start3A_454 = tpu.memref_slice %arg7[%dma_start3A_453] : memref<16512xf32, #tpu.memory_space<vmem>> -> memref<1024xf32, #tpu.memory_space<vmem>>
      tpu.enqueue_dma source(%dma_start3A_454 : memref<1024xf32, #tpu.memory_space<vmem>>) target(%dma_start3A_452 : memref<1024xf32, #tpu.memory_space<hbm>>) target_semaphore(%arg9 : memref<!tpu.dma_semaphore, #tpu.memory_space<semaphore_mem>>)
      %mul3A_455 = arith.constant 16 : i32
      %mul3A_456 = arith.muli %select_n3A, %mul3A_455 : i32
      %add3A_457 = arith.constant 12 : i32
      %add3A_458 = arith.addi %mul3A_456, %add3A_457 : i32
      %mul3A_459 = arith.constant 16384 : i32
      %mul3A_460 = arith.muli %add3A_458, %mul3A_459 : i32
      %add3A_461 = arith.addi %mul3A_460, %rem3A_298 : i32
      %dma_start3A_462 = arith.constant 12384 : i32
      %dma_start3A_463 = tpu.memref_slice %arg7[%dma_start3A_462] : memref<16512xf32, #tpu.memory_space<vmem>> -> memref<1024xf32, #tpu.memory_space<vmem>>
      %dma_start3A_464 = tpu.memref_slice %arg4[%add3A_461] : memref<5242880xf32, #tpu.memory_space<hbm>> -> memref<1024xf32, #tpu.memory_space<hbm>>
      %dma_start3A_465 = tpu.memref_slice %arg4[%add3A_461] : memref<5242880xf32, #tpu.memory_space<hbm>> -> memref<1024xf32, #tpu.memory_space<hbm>>
      %dma_start3A_466 = arith.constant 12384 : i32
      %dma_start3A_467 = tpu.memref_slice %arg7[%dma_start3A_466] : memref<16512xf32, #tpu.memory_space<vmem>> -> memref<1024xf32, #tpu.memory_space<vmem>>
      tpu.enqueue_dma source(%dma_start3A_467 : memref<1024xf32, #tpu.memory_space<vmem>>) target(%dma_start3A_465 : memref<1024xf32, #tpu.memory_space<hbm>>) target_semaphore(%arg9 : memref<!tpu.dma_semaphore, #tpu.memory_space<semaphore_mem>>)
      %mul3A_468 = arith.constant 16 : i32
      %mul3A_469 = arith.muli %select_n3A, %mul3A_468 : i32
      %add3A_470 = arith.constant 13 : i32
      %add3A_471 = arith.addi %mul3A_469, %add3A_470 : i32
      %mul3A_472 = arith.constant 16384 : i32
      %mul3A_473 = arith.muli %add3A_471, %mul3A_472 : i32
      %add3A_474 = arith.addi %mul3A_473, %rem3A_298 : i32
      %dma_start3A_475 = arith.constant 13416 : i32
      %dma_start3A_476 = tpu.memref_slice %arg7[%dma_start3A_475] : memref<16512xf32, #tpu.memory_space<vmem>> -> memref<1024xf32, #tpu.memory_space<vmem>>
      %dma_start3A_477 = tpu.memref_slice %arg4[%add3A_474] : memref<5242880xf32, #tpu.memory_space<hbm>> -> memref<1024xf32, #tpu.memory_space<hbm>>
      %dma_start3A_478 = tpu.memref_slice %arg4[%add3A_474] : memref<5242880xf32, #tpu.memory_space<hbm>> -> memref<1024xf32, #tpu.memory_space<hbm>>
      %dma_start3A_479 = arith.constant 13416 : i32
      %dma_start3A_480 = tpu.memref_slice %arg7[%dma_start3A_479] : memref<16512xf32, #tpu.memory_space<vmem>> -> memref<1024xf32, #tpu.memory_space<vmem>>
      tpu.enqueue_dma source(%dma_start3A_480 : memref<1024xf32, #tpu.memory_space<vmem>>) target(%dma_start3A_478 : memref<1024xf32, #tpu.memory_space<hbm>>) target_semaphore(%arg9 : memref<!tpu.dma_semaphore, #tpu.memory_space<semaphore_mem>>)
      %mul3A_481 = arith.constant 16 : i32
      %mul3A_482 = arith.muli %select_n3A, %mul3A_481 : i32
      %add3A_483 = arith.constant 14 : i32
      %add3A_484 = arith.addi %mul3A_482, %add3A_483 : i32
      %mul3A_485 = arith.constant 16384 : i32
      %mul3A_486 = arith.muli %add3A_484, %mul3A_485 : i32
      %add3A_487 = arith.addi %mul3A_486, %rem3A_298 : i32
      %dma_start3A_488 = arith.constant 14448 : i32
      %dma_start3A_489 = tpu.memref_slice %arg7[%dma_start3A_488] : memref<16512xf32, #tpu.memory_space<vmem>> -> memref<1024xf32, #tpu.memory_space<vmem>>
      %dma_start3A_490 = tpu.memref_slice %arg4[%add3A_487] : memref<5242880xf32, #tpu.memory_space<hbm>> -> memref<1024xf32, #tpu.memory_space<hbm>>
      %dma_start3A_491 = tpu.memref_slice %arg4[%add3A_487] : memref<5242880xf32, #tpu.memory_space<hbm>> -> memref<1024xf32, #tpu.memory_space<hbm>>
      %dma_start3A_492 = arith.constant 14448 : i32
      %dma_start3A_493 = tpu.memref_slice %arg7[%dma_start3A_492] : memref<16512xf32, #tpu.memory_space<vmem>> -> memref<1024xf32, #tpu.memory_space<vmem>>
      tpu.enqueue_dma source(%dma_start3A_493 : memref<1024xf32, #tpu.memory_space<vmem>>) target(%dma_start3A_491 : memref<1024xf32, #tpu.memory_space<hbm>>) target_semaphore(%arg9 : memref<!tpu.dma_semaphore, #tpu.memory_space<semaphore_mem>>)
      %mul3A_494 = arith.constant 16 : i32
      %mul3A_495 = arith.muli %select_n3A, %mul3A_494 : i32
      %add3A_496 = arith.constant 15 : i32
      %add3A_497 = arith.addi %mul3A_495, %add3A_496 : i32
      %mul3A_498 = arith.constant 16384 : i32
      %mul3A_499 = arith.muli %add3A_497, %mul3A_498 : i32
      %add3A_500 = arith.addi %mul3A_499, %rem3A_298 : i32
      %dma_start3A_501 = arith.constant 15480 : i32
      %dma_start3A_502 = tpu.memref_slice %arg7[%dma_start3A_501] : memref<16512xf32, #tpu.memory_space<vmem>> -> memref<1024xf32, #tpu.memory_space<vmem>>
      %dma_start3A_503 = tpu.memref_slice %arg4[%add3A_500] : memref<5242880xf32, #tpu.memory_space<hbm>> -> memref<1024xf32, #tpu.memory_space<hbm>>
      %dma_start3A_504 = tpu.memref_slice %arg4[%add3A_500] : memref<5242880xf32, #tpu.memory_space<hbm>> -> memref<1024xf32, #tpu.memory_space<hbm>>
      %dma_start3A_505 = arith.constant 15480 : i32
      %dma_start3A_506 = tpu.memref_slice %arg7[%dma_start3A_505] : memref<16512xf32, #tpu.memory_space<vmem>> -> memref<1024xf32, #tpu.memory_space<vmem>>
      tpu.enqueue_dma source(%dma_start3A_506 : memref<1024xf32, #tpu.memory_space<vmem>>) target(%dma_start3A_504 : memref<1024xf32, #tpu.memory_space<hbm>>) target_semaphore(%arg9 : memref<!tpu.dma_semaphore, #tpu.memory_space<semaphore_mem>>)
      %dma_wait3A_507 = arith.constant 0 : i32
      %dma_wait3A_508 = tpu.memref_slice %arg7[%dma_wait3A_507] : memref<16512xf32, #tpu.memory_space<vmem>> -> memref<1024xf32, #tpu.memory_space<vmem>>
      %dma_wait3A_509 = tpu.memref_slice %arg4[%add3A_305] : memref<5242880xf32, #tpu.memory_space<hbm>> -> memref<1024xf32, #tpu.memory_space<hbm>>
      %dma_wait3A_510 = tpu.memref_slice %arg4[%add3A_305] : memref<5242880xf32, #tpu.memory_space<hbm>> -> memref<1024xf32, #tpu.memory_space<hbm>>
      %dma_wait3A_511 = arith.constant 0 : i32
      %dma_wait3A_512 = tpu.memref_slice %arg7[%dma_wait3A_511] : memref<16512xf32, #tpu.memory_space<vmem>> -> memref<1024xf32, #tpu.memory_space<vmem>>
      tpu.wait_dma2 semaphore(%arg9 : memref<!tpu.dma_semaphore, #tpu.memory_space<semaphore_mem>>) src(%dma_wait3A_512 : memref<1024xf32, #tpu.memory_space<vmem>>) dst(%dma_wait3A_510 : memref<1024xf32, #tpu.memory_space<hbm>>)
      %dma_wait3A_513 = arith.constant 1032 : i32
      %dma_wait3A_514 = tpu.memref_slice %arg7[%dma_wait3A_513] : memref<16512xf32, #tpu.memory_space<vmem>> -> memref<1024xf32, #tpu.memory_space<vmem>>
      %dma_wait3A_515 = tpu.memref_slice %arg4[%add3A_318] : memref<5242880xf32, #tpu.memory_space<hbm>> -> memref<1024xf32, #tpu.memory_space<hbm>>
      %dma_wait3A_516 = tpu.memref_slice %arg4[%add3A_318] : memref<5242880xf32, #tpu.memory_space<hbm>> -> memref<1024xf32, #tpu.memory_space<hbm>>
      %dma_wait3A_517 = arith.constant 1032 : i32
      %dma_wait3A_518 = tpu.memref_slice %arg7[%dma_wait3A_517] : memref<16512xf32, #tpu.memory_space<vmem>> -> memref<1024xf32, #tpu.memory_space<vmem>>
      tpu.wait_dma2 semaphore(%arg9 : memref<!tpu.dma_semaphore, #tpu.memory_space<semaphore_mem>>) src(%dma_wait3A_518 : memref<1024xf32, #tpu.memory_space<vmem>>) dst(%dma_wait3A_516 : memref<1024xf32, #tpu.memory_space<hbm>>)
      %dma_wait3A_519 = arith.constant 2064 : i32
      %dma_wait3A_520 = tpu.memref_slice %arg7[%dma_wait3A_519] : memref<16512xf32, #tpu.memory_space<vmem>> -> memref<1024xf32, #tpu.memory_space<vmem>>
      %dma_wait3A_521 = tpu.memref_slice %arg4[%add3A_331] : memref<5242880xf32, #tpu.memory_space<hbm>> -> memref<1024xf32, #tpu.memory_space<hbm>>
      %dma_wait3A_522 = tpu.memref_slice %arg4[%add3A_331] : memref<5242880xf32, #tpu.memory_space<hbm>> -> memref<1024xf32, #tpu.memory_space<hbm>>
      %dma_wait3A_523 = arith.constant 2064 : i32
      %dma_wait3A_524 = tpu.memref_slice %arg7[%dma_wait3A_523] : memref<16512xf32, #tpu.memory_space<vmem>> -> memref<1024xf32, #tpu.memory_space<vmem>>
      tpu.wait_dma2 semaphore(%arg9 : memref<!tpu.dma_semaphore, #tpu.memory_space<semaphore_mem>>) src(%dma_wait3A_524 : memref<1024xf32, #tpu.memory_space<vmem>>) dst(%dma_wait3A_522 : memref<1024xf32, #tpu.memory_space<hbm>>)
      %dma_wait3A_525 = arith.constant 3096 : i32
      %dma_wait3A_526 = tpu.memref_slice %arg7[%dma_wait3A_525] : memref<16512xf32, #tpu.memory_space<vmem>> -> memref<1024xf32, #tpu.memory_space<vmem>>
      %dma_wait3A_527 = tpu.memref_slice %arg4[%add3A_344] : memref<5242880xf32, #tpu.memory_space<hbm>> -> memref<1024xf32, #tpu.memory_space<hbm>>
      %dma_wait3A_528 = tpu.memref_slice %arg4[%add3A_344] : memref<5242880xf32, #tpu.memory_space<hbm>> -> memref<1024xf32, #tpu.memory_space<hbm>>
      %dma_wait3A_529 = arith.constant 3096 : i32
      %dma_wait3A_530 = tpu.memref_slice %arg7[%dma_wait3A_529] : memref<16512xf32, #tpu.memory_space<vmem>> -> memref<1024xf32, #tpu.memory_space<vmem>>
      tpu.wait_dma2 semaphore(%arg9 : memref<!tpu.dma_semaphore, #tpu.memory_space<semaphore_mem>>) src(%dma_wait3A_530 : memref<1024xf32, #tpu.memory_space<vmem>>) dst(%dma_wait3A_528 : memref<1024xf32, #tpu.memory_space<hbm>>)
      %dma_wait3A_531 = arith.constant 4128 : i32
      %dma_wait3A_532 = tpu.memref_slice %arg7[%dma_wait3A_531] : memref<16512xf32, #tpu.memory_space<vmem>> -> memref<1024xf32, #tpu.memory_space<vmem>>
      %dma_wait3A_533 = tpu.memref_slice %arg4[%add3A_357] : memref<5242880xf32, #tpu.memory_space<hbm>> -> memref<1024xf32, #tpu.memory_space<hbm>>
      %dma_wait3A_534 = tpu.memref_slice %arg4[%add3A_357] : memref<5242880xf32, #tpu.memory_space<hbm>> -> memref<1024xf32, #tpu.memory_space<hbm>>
      %dma_wait3A_535 = arith.constant 4128 : i32
      %dma_wait3A_536 = tpu.memref_slice %arg7[%dma_wait3A_535] : memref<16512xf32, #tpu.memory_space<vmem>> -> memref<1024xf32, #tpu.memory_space<vmem>>
      tpu.wait_dma2 semaphore(%arg9 : memref<!tpu.dma_semaphore, #tpu.memory_space<semaphore_mem>>) src(%dma_wait3A_536 : memref<1024xf32, #tpu.memory_space<vmem>>) dst(%dma_wait3A_534 : memref<1024xf32, #tpu.memory_space<hbm>>)
      %dma_wait3A_537 = arith.constant 5160 : i32
      %dma_wait3A_538 = tpu.memref_slice %arg7[%dma_wait3A_537] : memref<16512xf32, #tpu.memory_space<vmem>> -> memref<1024xf32, #tpu.memory_space<vmem>>
      %dma_wait3A_539 = tpu.memref_slice %arg4[%add3A_370] : memref<5242880xf32, #tpu.memory_space<hbm>> -> memref<1024xf32, #tpu.memory_space<hbm>>
      %dma_wait3A_540 = tpu.memref_slice %arg4[%add3A_370] : memref<5242880xf32, #tpu.memory_space<hbm>> -> memref<1024xf32, #tpu.memory_space<hbm>>
      %dma_wait3A_541 = arith.constant 5160 : i32
      %dma_wait3A_542 = tpu.memref_slice %arg7[%dma_wait3A_541] : memref<16512xf32, #tpu.memory_space<vmem>> -> memref<1024xf32, #tpu.memory_space<vmem>>
      tpu.wait_dma2 semaphore(%arg9 : memref<!tpu.dma_semaphore, #tpu.memory_space<semaphore_mem>>) src(%dma_wait3A_542 : memref<1024xf32, #tpu.memory_space<vmem>>) dst(%dma_wait3A_540 : memref<1024xf32, #tpu.memory_space<hbm>>)
      %dma_wait3A_543 = arith.constant 6192 : i32
      %dma_wait3A_544 = tpu.memref_slice %arg7[%dma_wait3A_543] : memref<16512xf32, #tpu.memory_space<vmem>> -> memref<1024xf32, #tpu.memory_space<vmem>>
      %dma_wait3A_545 = tpu.memref_slice %arg4[%add3A_383] : memref<5242880xf32, #tpu.memory_space<hbm>> -> memref<1024xf32, #tpu.memory_space<hbm>>
      %dma_wait3A_546 = tpu.memref_slice %arg4[%add3A_383] : memref<5242880xf32, #tpu.memory_space<hbm>> -> memref<1024xf32, #tpu.memory_space<hbm>>
      %dma_wait3A_547 = arith.constant 6192 : i32
      %dma_wait3A_548 = tpu.memref_slice %arg7[%dma_wait3A_547] : memref<16512xf32, #tpu.memory_space<vmem>> -> memref<1024xf32, #tpu.memory_space<vmem>>
      tpu.wait_dma2 semaphore(%arg9 : memref<!tpu.dma_semaphore, #tpu.memory_space<semaphore_mem>>) src(%dma_wait3A_548 : memref<1024xf32, #tpu.memory_space<vmem>>) dst(%dma_wait3A_546 : memref<1024xf32, #tpu.memory_space<hbm>>)
      %dma_wait3A_549 = arith.constant 7224 : i32
      %dma_wait3A_550 = tpu.memref_slice %arg7[%dma_wait3A_549] : memref<16512xf32, #tpu.memory_space<vmem>> -> memref<1024xf32, #tpu.memory_space<vmem>>
      %dma_wait3A_551 = tpu.memref_slice %arg4[%add3A_396] : memref<5242880xf32, #tpu.memory_space<hbm>> -> memref<1024xf32, #tpu.memory_space<hbm>>
      %dma_wait3A_552 = tpu.memref_slice %arg4[%add3A_396] : memref<5242880xf32, #tpu.memory_space<hbm>> -> memref<1024xf32, #tpu.memory_space<hbm>>
      %dma_wait3A_553 = arith.constant 7224 : i32
      %dma_wait3A_554 = tpu.memref_slice %arg7[%dma_wait3A_553] : memref<16512xf32, #tpu.memory_space<vmem>> -> memref<1024xf32, #tpu.memory_space<vmem>>
      tpu.wait_dma2 semaphore(%arg9 : memref<!tpu.dma_semaphore, #tpu.memory_space<semaphore_mem>>) src(%dma_wait3A_554 : memref<1024xf32, #tpu.memory_space<vmem>>) dst(%dma_wait3A_552 : memref<1024xf32, #tpu.memory_space<hbm>>)
      %dma_wait3A_555 = arith.constant 8256 : i32
      %dma_wait3A_556 = tpu.memref_slice %arg7[%dma_wait3A_555] : memref<16512xf32, #tpu.memory_space<vmem>> -> memref<1024xf32, #tpu.memory_space<vmem>>
      %dma_wait3A_557 = tpu.memref_slice %arg4[%add3A_409] : memref<5242880xf32, #tpu.memory_space<hbm>> -> memref<1024xf32, #tpu.memory_space<hbm>>
      %dma_wait3A_558 = tpu.memref_slice %arg4[%add3A_409] : memref<5242880xf32, #tpu.memory_space<hbm>> -> memref<1024xf32, #tpu.memory_space<hbm>>
      %dma_wait3A_559 = arith.constant 8256 : i32
      %dma_wait3A_560 = tpu.memref_slice %arg7[%dma_wait3A_559] : memref<16512xf32, #tpu.memory_space<vmem>> -> memref<1024xf32, #tpu.memory_space<vmem>>
      tpu.wait_dma2 semaphore(%arg9 : memref<!tpu.dma_semaphore, #tpu.memory_space<semaphore_mem>>) src(%dma_wait3A_560 : memref<1024xf32, #tpu.memory_space<vmem>>) dst(%dma_wait3A_558 : memref<1024xf32, #tpu.memory_space<hbm>>)
      %dma_wait3A_561 = arith.constant 9288 : i32
      %dma_wait3A_562 = tpu.memref_slice %arg7[%dma_wait3A_561] : memref<16512xf32, #tpu.memory_space<vmem>> -> memref<1024xf32, #tpu.memory_space<vmem>>
      %dma_wait3A_563 = tpu.memref_slice %arg4[%add3A_422] : memref<5242880xf32, #tpu.memory_space<hbm>> -> memref<1024xf32, #tpu.memory_space<hbm>>
      %dma_wait3A_564 = tpu.memref_slice %arg4[%add3A_422] : memref<5242880xf32, #tpu.memory_space<hbm>> -> memref<1024xf32, #tpu.memory_space<hbm>>
      %dma_wait3A_565 = arith.constant 9288 : i32
      %dma_wait3A_566 = tpu.memref_slice %arg7[%dma_wait3A_565] : memref<16512xf32, #tpu.memory_space<vmem>> -> memref<1024xf32, #tpu.memory_space<vmem>>
      tpu.wait_dma2 semaphore(%arg9 : memref<!tpu.dma_semaphore, #tpu.memory_space<semaphore_mem>>) src(%dma_wait3A_566 : memref<1024xf32, #tpu.memory_space<vmem>>) dst(%dma_wait3A_564 : memref<1024xf32, #tpu.memory_space<hbm>>)
      %dma_wait3A_567 = arith.constant 10320 : i32
      %dma_wait3A_568 = tpu.memref_slice %arg7[%dma_wait3A_567] : memref<16512xf32, #tpu.memory_space<vmem>> -> memref<1024xf32, #tpu.memory_space<vmem>>
      %dma_wait3A_569 = tpu.memref_slice %arg4[%add3A_435] : memref<5242880xf32, #tpu.memory_space<hbm>> -> memref<1024xf32, #tpu.memory_space<hbm>>
      %dma_wait3A_570 = tpu.memref_slice %arg4[%add3A_435] : memref<5242880xf32, #tpu.memory_space<hbm>> -> memref<1024xf32, #tpu.memory_space<hbm>>
      %dma_wait3A_571 = arith.constant 10320 : i32
      %dma_wait3A_572 = tpu.memref_slice %arg7[%dma_wait3A_571] : memref<16512xf32, #tpu.memory_space<vmem>> -> memref<1024xf32, #tpu.memory_space<vmem>>
      tpu.wait_dma2 semaphore(%arg9 : memref<!tpu.dma_semaphore, #tpu.memory_space<semaphore_mem>>) src(%dma_wait3A_572 : memref<1024xf32, #tpu.memory_space<vmem>>) dst(%dma_wait3A_570 : memref<1024xf32, #tpu.memory_space<hbm>>)
      %dma_wait3A_573 = arith.constant 11352 : i32
      %dma_wait3A_574 = tpu.memref_slice %arg7[%dma_wait3A_573] : memref<16512xf32, #tpu.memory_space<vmem>> -> memref<1024xf32, #tpu.memory_space<vmem>>
      %dma_wait3A_575 = tpu.memref_slice %arg4[%add3A_448] : memref<5242880xf32, #tpu.memory_space<hbm>> -> memref<1024xf32, #tpu.memory_space<hbm>>
      %dma_wait3A_576 = tpu.memref_slice %arg4[%add3A_448] : memref<5242880xf32, #tpu.memory_space<hbm>> -> memref<1024xf32, #tpu.memory_space<hbm>>
      %dma_wait3A_577 = arith.constant 11352 : i32
      %dma_wait3A_578 = tpu.memref_slice %arg7[%dma_wait3A_577] : memref<16512xf32, #tpu.memory_space<vmem>> -> memref<1024xf32, #tpu.memory_space<vmem>>
      tpu.wait_dma2 semaphore(%arg9 : memref<!tpu.dma_semaphore, #tpu.memory_space<semaphore_mem>>) src(%dma_wait3A_578 : memref<1024xf32, #tpu.memory_space<vmem>>) dst(%dma_wait3A_576 : memref<1024xf32, #tpu.memory_space<hbm>>)
      %dma_wait3A_579 = arith.constant 12384 : i32
      %dma_wait3A_580 = tpu.memref_slice %arg7[%dma_wait3A_579] : memref<16512xf32, #tpu.memory_space<vmem>> -> memref<1024xf32, #tpu.memory_space<vmem>>
      %dma_wait3A_581 = tpu.memref_slice %arg4[%add3A_461] : memref<5242880xf32, #tpu.memory_space<hbm>> -> memref<1024xf32, #tpu.memory_space<hbm>>
      %dma_wait3A_582 = tpu.memref_slice %arg4[%add3A_461] : memref<5242880xf32, #tpu.memory_space<hbm>> -> memref<1024xf32, #tpu.memory_space<hbm>>
      %dma_wait3A_583 = arith.constant 12384 : i32
      %dma_wait3A_584 = tpu.memref_slice %arg7[%dma_wait3A_583] : memref<16512xf32, #tpu.memory_space<vmem>> -> memref<1024xf32, #tpu.memory_space<vmem>>
      tpu.wait_dma2 semaphore(%arg9 : memref<!tpu.dma_semaphore, #tpu.memory_space<semaphore_mem>>) src(%dma_wait3A_584 : memref<1024xf32, #tpu.memory_space<vmem>>) dst(%dma_wait3A_582 : memref<1024xf32, #tpu.memory_space<hbm>>)
      %dma_wait3A_585 = arith.constant 13416 : i32
      %dma_wait3A_586 = tpu.memref_slice %arg7[%dma_wait3A_585] : memref<16512xf32, #tpu.memory_space<vmem>> -> memref<1024xf32, #tpu.memory_space<vmem>>
      %dma_wait3A_587 = tpu.memref_slice %arg4[%add3A_474] : memref<5242880xf32, #tpu.memory_space<hbm>> -> memref<1024xf32, #tpu.memory_space<hbm>>
      %dma_wait3A_588 = tpu.memref_slice %arg4[%add3A_474] : memref<5242880xf32, #tpu.memory_space<hbm>> -> memref<1024xf32, #tpu.memory_space<hbm>>
      %dma_wait3A_589 = arith.constant 13416 : i32
      %dma_wait3A_590 = tpu.memref_slice %arg7[%dma_wait3A_589] : memref<16512xf32, #tpu.memory_space<vmem>> -> memref<1024xf32, #tpu.memory_space<vmem>>
      tpu.wait_dma2 semaphore(%arg9 : memref<!tpu.dma_semaphore, #tpu.memory_space<semaphore_mem>>) src(%dma_wait3A_590 : memref<1024xf32, #tpu.memory_space<vmem>>) dst(%dma_wait3A_588 : memref<1024xf32, #tpu.memory_space<hbm>>)
      %dma_wait3A_591 = arith.constant 14448 : i32
      %dma_wait3A_592 = tpu.memref_slice %arg7[%dma_wait3A_591] : memref<16512xf32, #tpu.memory_space<vmem>> -> memref<1024xf32, #tpu.memory_space<vmem>>
      %dma_wait3A_593 = tpu.memref_slice %arg4[%add3A_487] : memref<5242880xf32, #tpu.memory_space<hbm>> -> memref<1024xf32, #tpu.memory_space<hbm>>
      %dma_wait3A_594 = tpu.memref_slice %arg4[%add3A_487] : memref<5242880xf32, #tpu.memory_space<hbm>> -> memref<1024xf32, #tpu.memory_space<hbm>>
      %dma_wait3A_595 = arith.constant 14448 : i32
      %dma_wait3A_596 = tpu.memref_slice %arg7[%dma_wait3A_595] : memref<16512xf32, #tpu.memory_space<vmem>> -> memref<1024xf32, #tpu.memory_space<vmem>>
      tpu.wait_dma2 semaphore(%arg9 : memref<!tpu.dma_semaphore, #tpu.memory_space<semaphore_mem>>) src(%dma_wait3A_596 : memref<1024xf32, #tpu.memory_space<vmem>>) dst(%dma_wait3A_594 : memref<1024xf32, #tpu.memory_space<hbm>>)
      %dma_wait3A_597 = arith.constant 15480 : i32
      %dma_wait3A_598 = tpu.memref_slice %arg7[%dma_wait3A_597] : memref<16512xf32, #tpu.memory_space<vmem>> -> memref<1024xf32, #tpu.memory_space<vmem>>
      %dma_wait3A_599 = tpu.memref_slice %arg4[%add3A_500] : memref<5242880xf32, #tpu.memory_space<hbm>> -> memref<1024xf32, #tpu.memory_space<hbm>>
      %dma_wait3A_600 = tpu.memref_slice %arg4[%add3A_500] : memref<5242880xf32, #tpu.memory_space<hbm>> -> memref<1024xf32, #tpu.memory_space<hbm>>
      %dma_wait3A_601 = arith.constant 15480 : i32
      %dma_wait3A_602 = tpu.memref_slice %arg7[%dma_wait3A_601] : memref<16512xf32, #tpu.memory_space<vmem>> -> memref<1024xf32, #tpu.memory_space<vmem>>
      tpu.wait_dma2 semaphore(%arg9 : memref<!tpu.dma_semaphore, #tpu.memory_space<semaphore_mem>>) src(%dma_wait3A_602 : memref<1024xf32, #tpu.memory_space<vmem>>) dst(%dma_wait3A_600 : memref<1024xf32, #tpu.memory_space<hbm>>)
    }
    %scan3A_127 = arith.constant 10 : i32
    return
  }
}

</mosaic_0001>

<sc_bundles>
// kernel: kernel.4.cloned.1.call-start
scs
__scs_entry_jumppad:
0x0: {  	(pc) =	sbr.rel $0x88, $3  }
0x1: {  	(tag) =	ssettag $0x0;
	lr =	simm.s32 $0x1  }
0x2: {  	[smem:$0x3F9E] =	sst lr;
	_ =	strace $0xD0000000  }
0x3: {  	_ = 	snop  }
0x4: {  	_ = 	snop  }
0x5: {  	_ = 	snop  }
0x6: {  	_ = 	snop  }
0x7: {  	_ = 	snop  }
__scs_overlays_trampoline_lowered:
0x8: {  	[smem:$0x3FAD] =	sst s0  }
0x9: {  	[smem:$0x3FAE] =	sst s1  }
0xa: {  	[smem:$0x3FAF] =	sst s2  }
0xb: {  	[smem:$0x3FB0] =	sst s3  }
0xc: {  	[smem:$0x3FB1] =	sst s4  }
0xd: {  	[smem:$0x3FB2] =	sst s5  }
0xe: {  	[smem:$0x3FB3] =	sst s6  }
0xf: {  	[smem:$0x3FB4] =	sst s7  }
0x10: {  	[smem:$0x3FB5] =	sst s8  }
0x11: {  	[smem:$0x3FB6] =	sst s9;
	s0 =	simm.s32 @!p0 $0x0  }
0x12: {  	s1 =	sld [smem:$0x3F9C];
	s0 =	simm.s32 @p0 $0x1  }
0x13: {  	[smem:$0x3FB7] =	sst s0;
	s0 =	simm.s32 @!p1 $0x0  }
0x14: {  	s2 =	sld [smem:$0x3F9B];
	s0 =	simm.s32 @p1 $0x1  }
0x15: {  	[smem:$0x3FB8] =	sst s0;
	s0 =	simm.s32 @!p2 $0x0  }
0x16: {  	s3 =	sld [smem:$0x3FDB];
	s0 =	simm.s32 @p2 $0x1  }
0x17: {  	s4 =	simm.s32 $0x1BF5;
	[smem:$0x3FBA] =	sst s0  }
0x18: {  	s0 =	sld [smem:$0x3F9D];
	_ =	swait.ge [sflag:s4], $0x0  }
0x19: {  	s7 =	sld [smem:$0x3F9E]  }
0x1a: {  	s8 =	sadd.s32 $0xFFFFE003, lr  }
0x1b: {  	s9 =	sadd.s32 $0xFFFFFEF7, lr;
	s5 =	simm.s32 $0xFFFFFFFF;
	p2 =	slt.u32 s8, $0xFFFFF086  }
0x1c: {  	p1 =	slt.u32 s9, $0xF7A;
	s5 =	simm.s32 @!p2 $0x0  }
0x1d: {  	s5 =	simm.s32 @p1 $0x1;
	p0 =	seq.s32 s7, s2  }
0x1e: {  	s7 =	smul.u32 @!p0 $0xF7A, s2;
	p2 =	seq.s32 @!p0 s5, $0x0  }
0x1f: {  	s9 =	smul.u32 $0xF7A, s1;
	s8 =	simm.s32 @!p0 $0x1BF5;
	p2 =	por !p2, p0  }
0x20: {  	[sflag:s8] =	ssyncset.s32 @!p0 $0xFFFFF086;
	s6 =	sadd.s32 @!p0 s3, s7;
	s7 =	simm.s32 @!p0 $0x108  }
0x21: {  	s3 =	sadd.s32 s3, s9;
	s6 =	sadd.s32 @!p0 $0x88, s6;
	s7 =	simm.s32 @p2 $0x1082  }
0x22: {  	[simem:s7], [sflag:s8] =	dma.local @!p0 [hbm:s6], $0xF7A  }
0x23: {  	s9 =	sor.u32 $0xD0000000, s2;
	s6 =	simm.s32 $0x108;
	_ =	swait.ge @!p0 [sflag:s8], $0x0  }
0x24: {  	s3 =	sadd.s32 $0x88, s3;
	s6 =	simm.s32 @!p1 $0x1082;
	[sflag:s4] =	ssyncset.s32 $0xFFFFF086  }
0x25: {  	[simem:s6], [sflag:s4] =	dma.local [hbm:s3], $0xF7A  }
0x26: {  	[smem:$0x3F9E] =	sst s1;
	(tag) =	ssettag s2;
	_ =	strace s9  }
0x27: {  	s1 =	sld [smem:$0x3FAE]  }
0x28: {  	s2 =	sld [smem:$0x3FAF]  }
0x29: {  	s4 =	sld [smem:$0x3FB1]  }
0x2a: {  	p0 =	seq.s32 s5, $0x0;
	s5 =	sld [smem:$0x3FB2]  }
0x2b: {  	s6 =	sld [smem:$0x3FB3]  }
0x2c: {  	s7 =	sld [smem:$0x3FB4]  }
0x2d: {  	s3 =	simm.s32 $0x108;
	s8 =	sld [smem:$0x3FB5]  }
0x2e: {  	s3 =	simm.s32 @!p0 $0x1082;
	s9 =	sld [smem:$0x3FB6]  }
0x2f: {  	lr =	sadd.s32 s0, s3;
	s0 =	sld [smem:$0x3FAD]  }
0x30: {  	s3 =	sld [smem:$0x3FB0]  }
0x31: {  	[smem:$0x3FB9] =	sst s10  }
0x32: {  	s10 =	sld [smem:$0x3FB7];
	_ =	sdelay $0x3  }
0x33: {  	p0 =	seq.s32 s10, $0x1;
	s10 =	sld [smem:$0x3FB9];
	_ =	sdelay $0x3  }
0x34: {  	[smem:$0x3FB9] =	sst s10  }
0x35: {  	s10 =	sld [smem:$0x3FB8];
	_ =	sdelay $0x3  }
0x36: {  	p1 =	seq.s32 s10, $0x1;
	s10 =	sld [smem:$0x3FB9];
	_ =	sdelay $0x3  }
0x37: {  	[smem:$0x3FB9] =	sst s10  }
0x38: {  	s10 =	sld [smem:$0x3FBA]  }
0x39: {  	_ = 	snop;
	(pc) =	sbr.ind lr, $3  }
0x3a: {  	_ = 	snop  }
0x3b: {  	_ = 	snop  }
0x3c: {  	p2 =	seq.s32 s10, $0x1;
	s10 =	sld [smem:$0x3FB9]  }
0x3d: {  	_ =	shalt  }
0x3e: {  	_ =	shalt  }
0x3f: {  	_ =	shalt  }
0x40: {  	_ =	shalt  }
0x41: {  	_ =	shalt  }
0x42: {  	_ =	shalt  }
0x43: {  	_ =	shalt  }
0x44: {  	_ =	shalt  }
0x45: {  	_ =	shalt  }
0x46: {  	_ =	shalt  }
0x47: {  	_ =	shalt  }
0x48: {  	_ =	shalt  }
0x49: {  	_ =	shalt  }
0x4a: {  	_ =	shalt  }
0x4b: {  	_ =	shalt  }
0x4c: {  	_ =	shalt  }
0x4d: {  	_ =	shalt  }
0x4e: {  	_ =	shalt  }
0x4f: {  	_ =	shalt  }
0x50: {  	_ =	shalt  }
0x51: {  	_ =	shalt  }
0x52: {  	_ =	shalt  }
0x53: {  	_ =	shalt  }
0x54: {  	_ =	shalt  }
0x55: {  	_ =	shalt  }
0x56: {  	_ =	shalt  }
0x57: {  	_ =	shalt  }
0x58: {  	_ =	shalt  }
0x59: {  	_ =	shalt  }
0x5a: {  	_ =	shalt  }
0x5b: {  	_ =	shalt  }
0x5c: {  	_ =	shalt  }
0x5d: {  	_ =	shalt  }
0x5e: {  	_ =	shalt  }
0x5f: {  	_ =	shalt  }
0x60: {  	_ =	shalt  }
0x61: {  	_ =	shalt  }
0x62: {  	_ =	shalt  }
0x63: {  	_ =	shalt  }
0x64: {  	_ =	shalt  }
0x65: {  	_ =	shalt  }
0x66: {  	_ =	shalt  }
0x67: {  	_ =	shalt  }
0x68: {  	_ =	shalt  }
0x69: {  	_ =	shalt  }
0x6a: {  	_ =	shalt  }
0x6b: {  	_ =	shalt  }
0x6c: {  	_ =	shalt  }
0x6d: {  	_ =	shalt  }
0x6e: {  	_ =	shalt  }
0x6f: {  	_ =	shalt  }
0x70: {  	_ =	shalt  }
0x71: {  	_ =	shalt  }
0x72: {  	_ =	shalt  }
0x73: {  	_ =	shalt  }
0x74: {  	_ =	shalt  }
0x75: {  	_ =	shalt  }
0x76: {  	_ =	shalt  }
0x77: {  	_ =	shalt  }
0x78: {  	_ =	shalt  }
0x79: {  	_ =	shalt  }
0x7a: {  	_ =	shalt  }
0x7b: {  	_ =	shalt  }
0x7c: {  	_ =	shalt  }
0x7d: {  	_ =	shalt  }
0x7e: {  	_ =	shalt  }
0x7f: {  	_ =	shalt  }
0x80: {  	_ =	shalt  }
0x81: {  	_ =	shalt  }
0x82: {  	_ =	shalt  }
0x83: {  	_ =	shalt  }
0x84: {  	_ =	shalt  }
0x85: {  	_ =	shalt  }
0x86: {  	_ =	shalt  }
0x87: {  	_ =	shalt  }
.Lfunc_end0:
.L_simem_size_0:
called_computation_lowered:
.L_overlay_start_0:
0x88: {  	s2 =	sld [smem:$0x3FD9]  }
0x89: {  	s3 =	sld [smem:$0x3FFE];
	_ =	sdelay $0x1  }
0x8a: {  	s1 =	srdreg.scid  }
0x8b: {  	s0 =	sand.u32 $0x1, s1  }
0x8c: {  	s16 =	sshll.u32 s0, $0xA;
	s2 =	sadd.s32 s3, s2  }
0x8d: {  	s2 =	sadd.s32 s2, s16  }
0x8e: {  	[smem:$0x3FC5] =	sst s2  }
0x8f: {  	_ = 	snop  }
0x90: {  	(tm) =	ssettm $0x1  }
0x91: {  	s17 =	sld [smem:$0x3FFB];
	_ =	sdelay $0x3  }
0x92: {  	_ =	strace s17  }
0x93: {  	s2 =	sld [smem:$0x3FFC];
	_ =	sdelay $0x3  }
0x94: {  	_ =	strace s2  }
0x95: {  	s2 =	sld [smem:$0x3FFD];
	_ =	sdelay $0x3  }
0x96: {  	_ =	strace s2  }
0x97: {  	_ =	strace $0x8FFFFFFF  }
0x98: {  	s18 =	sld [smem:$0x3FDB];
	_ =	sdelay $0x1  }
0x99: {  	s19 =	simm.s32 $_scs_section_size  }
0x9a: {  	s4 =	simm.s32 $_size__tile_overlayer_lowered;
	s5 =	simm.s32 $_tile_overlayer_lowered  }
0x9b: {  	s22 =	simm.s32 $0x1BFF;
	s21 =	sshll.u32 s5, $0x1;
	s2 =	sadd.s32 s19, s18  }
0x9c: {  	s6 =	simm.s32 $0x0;
	s20 =	sshll.u32 s4, $0x1;
	s4 =	sadd.s32 s21, s2  }
0x9d: {  	[timem:s6], [sflag:s22] =	dma.local [hbm:s4], s20  }
0x9e: {  	_ =	swait.ge [sflag:s22], s20  }
0x9f: {  	s3 =	ssub.s32 $0x0, s20;
	[sflag:s22] =	ssyncset.done $0x0  }
0xa0: {  	[sflag:s22] =	ssyncadd.s32 s3;
	_ =	sdelay $0x1  }
0xa1: {  	s23 =	simm.s32 $0x1B8B  }
0xa2: {  	_ =	swait.ge [sflag:s23], $0x1  }
0xa3: {  	[sflag:s23] =	ssyncset.done $0x0  }
0xa4: {  	s25 =	simm.s32 $0x1B8E;
	s24 =	sld [smem:$0x3FFE];
	[sflag:s23] =	ssyncadd.s32 $0xFFFFFFFF  }
0xa5: {  	s26 =	simm.s32 $execute0_lowered;
	[smem:$0x3FD2] =	sst s25  }
0xa6: {  	s4 =	sshll.u32 s26, $0x1;
	_ =	strace $0x80000046;
	[dreg:$0x1] =	wrdreg $0xFFFFFFFF  }
0xa7: {  	s28 =	simm.s32 $_size_execute0_lowered;
	s2 =	sadd.s32 s2, s4;
	[dreg:$0x0] =	wrdreg $0x0  }
0xa8: {  	s4 =	sshll.u32 s28, $0x1;
	[dreg:$0x2] =	wrdreg s2  }
0xa9: {  	[dreg:$0x3] =	wrdreg s4  }
0xaa: {  	[dreg:$0x4] =	wrdreg $0xC0  }
0xab: {  	_ =	task [dreg:s6], $0x5FFFF  }
0xac: {  	[dreg:$0x1] =	wrdreg $0xFFFFFFFF  }
0xad: {  	[dreg:$0x0] =	wrdreg $0x60  }
0xae: {  	[dreg:$0x2] =	wrdreg s24  }
0xaf: {  	[dreg:$0x3] =	wrdreg $0x9  }
0xb0: {  	_ =	task.clear_ibuf [dreg:s6], $0x4FFFF;
	_ =	strace $0x90000046  }
0xb1: {  	s29 =	simm.s32 $0x9;
	_ =	strace $0x80000048  }
0xb2: {  	_ =	swait.ge [sflag:s29], $0x1  }
0xb3: {  	[sflag:s29] =	ssyncadd.s32 $0xFFFFFFFF  }
0xb4: {  	_ =	strace $0x90000048  }
0xb5: {  	_ =	sfence  }
0xb6: {  	s30 =	sld [smem:$0x0];
	_ =	sdelay $0x2  }
0xb7: {  	s31 =	sshll.u32 s1, $0xD;
	s1 =	sshrl.u32 s1, $0x2  }
0xb8: {  	s3 =	sand.u32 $0x4000, s31;
	s1 =	sadd.s32 s1, s30  }
0xb9: {  	s0 =	sor.u32 s3, s0;
	s1 =	sshll.u32 s1, $0x11  }
0xba: {  	s0 =	sor.u32 s1, s0  }
0xbb: {  	s0 =	sadd.s32 $0x8F2B, s0  }
0xbc: {  	[sflag:s0] =	ssyncadd.remote.s32 $0x1  }
0xbd: {  	_ =	sfence.sel $0xFFFF  }
0xbe: {  	[dreg:$0x0] =	wrdreg $0xFFFFFFFF;
	(pc) =	sbr.abs _section_cstart, $3  }
0xbf: {  	[dreg:$0x1] =	wrdreg $0xFFFFFFFF  }
0xc0: {  	_ =	task.clear_ibuf [dreg:s6], $0x2FFFF;
	_ =	strace $0x9FFFFFFF  }
0xc1: {  	(tm) =	ssettm $0x7FFFFFFF  }
tec
execute0_lowered:
.L_overlay_start_1:
0x0: {  	(tag) =	ssettag $0x1  }
0x1: {  	s0 =	srdreg.scid  }
0x2: {  	s1 =	stileid.u32;
	s6 =	rddreg [dreg:$0x0]  }
0x3: {  	s2 =	simm.s32 $0x0;
	s29 =	simm.s32 $0xE070;
	s30 =	simm.s32 $0xE478  }
0x4: {  	s31 =	simm.s32 $0x2;
	s22 =	simm.s32 $0x0;
	s0 =	sand.u32 $0x1, s0  }
0x5: {  	s1 =	sshll.u32 s1, $0x1;
	[smem:$0x7FF] =	sst s2;
	s4 =	sadd.s32 $0xF4CC00, s6  }
0x6: {  	s5 =	sadd.s32 $0xA800, s6;
	s8 =	sadd.s32 $0xB800, s6;
	s9 =	sadd.s32 $0xC000, s6  }
0x7: {  	s10 =	sadd.s32 $0xC800, s6;
	s11 =	sadd.s32 $0xD000, s6;
	s12 =	sadd.s32 $0xD800, s6  }
0x8: {  	s13 =	sadd.s32 $0xE000, s6;
	s14 =	sadd.s32 $0xE800, s6;
	s15 =	sadd.s32 $0xF000, s6  }
0x9: {  	s16 =	sadd.s32 $0xF800, s6;
	s17 =	sadd.s32 $0x10000, s6;
	s1 =	sor.u32 s0, s1  }
0xa: {  	s18 =	sadd.s32 $0x10800, s6;
	s0 =	ssub.s32 $0x2, s0;
	s3 =	smul.u32 $0x2800, s1  }
0xb: {  	s19 =	sadd.s32 $0x11000, s6;
	s20 =	sadd.s32 $0x11800, s6;
	s7 =	sshrl.u32 s0, $0x1  }
0xc: {  	s21 =	sadd.s32 $0x12000, s6;
	s0 =	ssub.s32 s0, s7;
	s1 =	sshrl.u32 s3, $0x3  }
0xd: {  	v0 =	vlaneseq.u32;
	_ =	strace $0x80000047;
	s0 =	smax.u32 s0, $0x1;
	s1 =	sadd.s32 s1, s6  }
0xe: {  	v0 =	vmul.u32 $0x408, v0;
	s7 =	sadd.s32 $0xB000, s6;
	[dreg:$0x3] =	wrdreg s0;
	s1 =	sadd.s32 $0x800, s1  }
0xf: {  	s0 =	simm.s32 $0xA800;
	[dreg:$0x2] =	wrdreg s1;
	s1 =	simm.s32 $0x1  }
.LBB2_1:
0x10: {  	[dreg:$0x4] =	wrdreg s22  }
0x11: {  	s6 =	rddreg [dreg:$0x2];
	s22 =	simm.s32 $0x3  }
0x12: {  	[tilespmem:s2], [sflag:$0x3] =	stream.linear.gather [hbm4b:s6+s2], $0x2800, $0x38;
	[tilespmem:$0xE880] =	vst v63  }
0x13: {  	_ =	swait.ge [sflag:s22], $0x2800  }
0x14: {  	[sflag:s22] =	ssyncset.done $0x0  }
0x15: {  	s23 =	simm.s32 $0x2800;
	s6 =	simm.s32 $0x80;
	[sflag:s22] =	ssyncadd.s32 $0xFFFFD800  }
0x16: {  	[tilespmem:s23], [sflag:$0x1] =	stream.indirect.gather [hbm4b:s4+s6], $0x10, s2, s6, $0xb8;
	[tilespmem:$0xE880] =	vst v63  }
0x17: {  	s24 =	simm.s32 $0x3000  }
0x18: {  	[tilespmem:s24], [sflag:$0x1] =	stream.indirect.gather [hbm4b:s4+s6], $0x10, s6, s6, $0xb8;
	[tilespmem:$0xE880] =	vst v63  }
0x19: {  	s25 =	simm.s32 $0x100;
	s23 =	simm.s32 $0x3800  }
0x1a: {  	[tilespmem:s23], [sflag:$0x1] =	stream.indirect.gather [hbm4b:s4+s6], $0x10, s25, s6, $0xb8;
	[tilespmem:$0xE880] =	vst v63  }
0x1b: {  	s26 =	simm.s32 $0x180;
	s28 =	simm.s32 $0x4000  }
0x1c: {  	[tilespmem:s28], [sflag:$0x1] =	stream.indirect.gather [hbm4b:s4+s6], $0x10, s26, s6, $0xb8;
	[tilespmem:$0xE880] =	vst v63  }
0x1d: {  	s24 =	simm.s32 $0x200;
	s25 =	simm.s32 $0x4800  }
0x1e: {  	[tilespmem:s25], [sflag:$0x1] =	stream.indirect.gather [hbm4b:s4+s6], $0x10, s24, s6, $0xb8;
	[tilespmem:$0xE880] =	vst v63  }
0x1f: {  	s26 =	simm.s32 $0x280;
	s28 =	simm.s32 $0x5000  }
0x20: {  	[tilespmem:s28], [sflag:$0x1] =	stream.indirect.gather [hbm4b:s4+s6], $0x10, s26, s6, $0xb8;
	[tilespmem:$0xE880] =	vst v63  }
0x21: {  	s24 =	simm.s32 $0x300;
	s25 =	simm.s32 $0x5800  }
0x22: {  	[tilespmem:s25], [sflag:$0x1] =	stream.indirect.gather [hbm4b:s4+s6], $0x10, s24, s6, $0xb8;
	[tilespmem:$0xE880] =	vst v63  }
0x23: {  	s26 =	simm.s32 $0x380;
	s28 =	simm.s32 $0x6000  }
0x24: {  	[tilespmem:s28], [sflag:$0x1] =	stream.indirect.gather [hbm4b:s4+s6], $0x10, s26, s6, $0xb8;
	[tilespmem:$0xE880] =	vst v63  }
0x25: {  	p0 =	por $0x0, $0x0;
	s6 =	simm.s32 $0x0  }
.LBB2_2:
0x26: {  	s23 =	sand.u32 $0x1, s6;
	s22 =	sadd.s32 $0x1, s6;
	p1 =	seq.s32 s6, $0x9  }
0x27: {  	s23 =	sshll.u32 @!p1 s23, $0xE;
	s24 =	sshll.u32 @!p1 s22, $0xA  }
0x28: {  	s26 =	simm.s32 @!p1 $0x80;
	s25 =	sxor.u32 @!p1 $0x6800, s23;
	s24 =	sand.u32 @!p1 $0x3FFFFC00, s24  }
0x29: {  	[tilespmem:s25], [sflag:$0x1] =	stream.indirect.gather @!p1 [hbm4b:s4+s26], $0x10, s24, s26, $0xb8;
	[tilespmem:$0xE880] =	vst v63  }
0x2a: {  	s25 =	sxor.u32 @!p1 $0x7000, s23;
	s28 =	sor.u32 @!p1 $0x80, s24  }
0x2b: {  	[tilespmem:s25], [sflag:$0x1] =	stream.indirect.gather @!p1 [hbm4b:s4+s26], $0x10, s28, s26, $0xb8;
	[tilespmem:$0xE880] =	vst v63  }
0x2c: {  	s25 =	sxor.u32 @!p1 $0x7800, s23;
	s28 =	sor.u32 @!p1 $0x100, s24  }
0x2d: {  	[tilespmem:s25], [sflag:$0x1] =	stream.indirect.gather @!p1 [hbm4b:s4+s26], $0x10, s28, s26, $0xb8;
	[tilespmem:$0xE880] =	vst v63  }
0x2e: {  	s25 =	ssub.s32 @!p1 $0x8000, s23;
	s28 =	sor.u32 @!p1 $0x180, s24  }
0x2f: {  	[tilespmem:s25], [sflag:$0x1] =	stream.indirect.gather @!p1 [hbm4b:s4+s26], $0x10, s28, s26, $0xb8;
	[tilespmem:$0xE880] =	vst v63  }
0x30: {  	s25 =	ssub.s32 @!p1 $0x8800, s23;
	s28 =	sor.u32 @!p1 $0x200, s24  }
0x31: {  	[tilespmem:s25], [sflag:$0x1] =	stream.indirect.gather @!p1 [hbm4b:s4+s26], $0x10, s28, s26, $0xb8;
	[tilespmem:$0xE880] =	vst v63  }
0x32: {  	s25 =	ssub.s32 @!p1 $0x9000, s23;
	s28 =	sor.u32 @!p1 $0x280, s24  }
0x33: {  	[tilespmem:s25], [sflag:$0x1] =	stream.indirect.gather @!p1 [hbm4b:s4+s26], $0x10, s28, s26, $0xb8;
	[tilespmem:$0xE880] =	vst v63  }
0x34: {  	s25 =	ssub.s32 @!p1 $0x9800, s23;
	s28 =	sor.u32 @!p1 $0x300, s24  }
0x35: {  	[tilespmem:s25], [sflag:$0x1] =	stream.indirect.gather @!p1 [hbm4b:s4+s26], $0x10, s28, s26, $0xb8;
	[tilespmem:$0xE880] =	vst v63  }
0x36: {  	s23 =	ssub.s32 @!p1 $0xA000, s23;
	s24 =	sor.u32 @!p1 $0x380, s24  }
0x37: {  	[tilespmem:s23], [sflag:$0x1] =	stream.indirect.gather @!p1 [hbm4b:s4+s26], $0x10, s24, s26, $0xb8;
	[tilespmem:$0xE880] =	vst v63  }
0x38: {  	_ =	swait.ge [sflag:s1], $0x800  }
0x39: {  	[sflag:s1] =	ssyncset.done $0x0  }
0x3a: {  	[sflag:s1] =	ssyncadd.s32 $0xFFFFF800  }
0x3b: {  	_ =	swait.ge [sflag:s1], $0x800  }
0x3c: {  	[sflag:s1] =	ssyncset.done $0x0  }
0x3d: {  	[sflag:s1] =	ssyncadd.s32 $0xFFFFF800  }
0x3e: {  	_ =	swait.ge [sflag:s1], $0x800  }
0x3f: {  	[sflag:s1] =	ssyncset.done $0x0  }
0x40: {  	[sflag:s1] =	ssyncadd.s32 $0xFFFFF800  }
0x41: {  	_ =	swait.ge [sflag:s1], $0x800  }
0x42: {  	[sflag:s1] =	ssyncset.done $0x0  }
0x43: {  	[sflag:s1] =	ssyncadd.s32 $0xFFFFF800  }
0x44: {  	_ =	swait.ge [sflag:s1], $0x800  }
0x45: {  	[sflag:s1] =	ssyncset.done $0x0  }
0x46: {  	[sflag:s1] =	ssyncadd.s32 $0xFFFFF800  }
0x47: {  	_ =	swait.ge [sflag:s1], $0x800  }
0x48: {  	[sflag:s1] =	ssyncset.done $0x0  }
0x49: {  	[sflag:s1] =	ssyncadd.s32 $0xFFFFF800  }
0x4a: {  	_ =	swait.ge [sflag:s1], $0x800  }
0x4b: {  	[sflag:s1] =	ssyncset.done $0x0  }
0x4c: {  	s23 =	simm.s32 $0x1;
	[sflag:s1] =	ssyncadd.s32 $0xFFFFF800  }
0x4d: {  	s25 =	simm.s32 $0x1F;
	s23 =	simm.s32 @!p0 $0x0;
	_ =	swait.ge [sflag:s1], $0x800  }
0x4e: {  	s24 =	simm.s32 $0xF;
	s23 =	sshll.u32 s23, $0xE;
	[sflag:s1] =	ssyncset.done $0x0  }
0x4f: {  	s26 =	simm.s32 $0x0;
	s23 =	sor.u32 $0x2880, s23;
	[sflag:s1] =	ssyncadd.s32 $0xFFFFF800  }
.LBB2_3:
0x50: {  	p1 =	sne.s32 s25, $0x3FF;
	v1 =	vadd.s32 s26, v0;
	v2 =	vld [tilespmem:s23+$0xFFFFFF80];
	_ =	sdelay $0x4  }
0x51: {  	s26 =	sadd.s32 $0xFFFFFFF2, s24;
	[tilespmem:v1+s0+$0x0] =	vst.idx.msk $0xffff, v2  }
0x52: {  	v1 =	vadd.s32 s26, v0;
	v2 =	vld [tilespmem:s23+$0xFFFFFF90];
	_ =	sdelay $0x4  }
0x53: {  	s26 =	sadd.s32 $0xFFFFFFF3, s24;
	[tilespmem:v1+s0+$0x0] =	vst.idx.msk $0xffff, v2  }
0x54: {  	v1 =	vadd.s32 s26, v0;
	v2 =	vld [tilespmem:s23+$0xFFFFFFA0];
	_ =	sdelay $0x4  }
0x55: {  	s26 =	sadd.s32 $0xFFFFFFF4, s24;
	[tilespmem:v1+s0+$0x0] =	vst.idx.msk $0xffff, v2  }
0x56: {  	v1 =	vadd.s32 s26, v0;
	v2 =	vld [tilespmem:s23+$0xFFFFFFB0];
	_ =	sdelay $0x4  }
0x57: {  	s26 =	sadd.s32 $0xFFFFFFF5, s24;
	[tilespmem:v1+s0+$0x0] =	vst.idx.msk $0xffff, v2  }
0x58: {  	v1 =	vadd.s32 s26, v0;
	v2 =	vld [tilespmem:s23+$0xFFFFFFC0];
	_ =	sdelay $0x4  }
0x59: {  	s26 =	sadd.s32 $0xFFFFFFF6, s24;
	[tilespmem:v1+s0+$0x0] =	vst.idx.msk $0xffff, v2  }
0x5a: {  	v1 =	vadd.s32 s26, v0;
	v2 =	vld [tilespmem:s23+$0xFFFFFFD0];
	_ =	sdelay $0x4  }
0x5b: {  	s26 =	sadd.s32 $0xFFFFFFF7, s24;
	[tilespmem:v1+s0+$0x0] =	vst.idx.msk $0xffff, v2  }
0x5c: {  	v1 =	vadd.s32 s26, v0;
	v2 =	vld [tilespmem:s23+$0xFFFFFFE0];
	_ =	sdelay $0x4  }
0x5d: {  	s26 =	sadd.s32 $0xFFFFFFF8, s24;
	[tilespmem:v1+s0+$0x0] =	vst.idx.msk $0xffff, v2  }
0x5e: {  	v1 =	vadd.s32 s26, v0;
	v2 =	vld [tilespmem:s23+$0xFFFFFFF0];
	_ =	sdelay $0x4  }
0x5f: {  	s26 =	sadd.s32 $0xFFFFFFF9, s24;
	[tilespmem:v1+s0+$0x0] =	vst.idx.msk $0xffff, v2  }
0x60: {  	v1 =	vadd.s32 s26, v0;
	v2 =	vld [tilespmem:s23+$0x0];
	_ =	sdelay $0x4  }
0x61: {  	s26 =	sadd.s32 $0xFFFFFFFA, s24;
	[tilespmem:v1+s0+$0x0] =	vst.idx.msk $0xffff, v2  }
0x62: {  	v1 =	vadd.s32 s26, v0;
	v2 =	vld [tilespmem:s23+$0x10];
	_ =	sdelay $0x4  }
0x63: {  	s26 =	sadd.s32 $0xFFFFFFFB, s24;
	[tilespmem:v1+s0+$0x0] =	vst.idx.msk $0xffff, v2  }
0x64: {  	v1 =	vadd.s32 s26, v0;
	v2 =	vld [tilespmem:s23+$0x20];
	_ =	sdelay $0x4  }
0x65: {  	s26 =	sadd.s32 $0xFFFFFFFC, s24;
	[tilespmem:v1+s0+$0x0] =	vst.idx.msk $0xffff, v2  }
0x66: {  	v1 =	vadd.s32 s26, v0;
	v2 =	vld [tilespmem:s23+$0x30];
	_ =	sdelay $0x4  }
0x67: {  	s26 =	sadd.s32 $0xFFFFFFFD, s24;
	[tilespmem:v1+s0+$0x0] =	vst.idx.msk $0xffff, v2  }
0x68: {  	v1 =	vadd.s32 s26, v0;
	v2 =	vld [tilespmem:s23+$0x40];
	_ =	sdelay $0x4  }
0x69: {  	s26 =	sadd.s32 $0xFFFFFFFE, s24;
	[tilespmem:v1+s0+$0x0] =	vst.idx.msk $0xffff, v2  }
0x6a: {  	v1 =	vadd.s32 s26, v0;
	v2 =	vld [tilespmem:s23+$0x50];
	_ =	sdelay $0x4  }
0x6b: {  	s26 =	sadd.s32 $0xFFFFFFFF, s24;
	[tilespmem:v1+s0+$0x0] =	vst.idx.msk $0xffff, v2  }
0x6c: {  	v1 =	vadd.s32 s26, v0;
	v2 =	vld [tilespmem:s23+$0x60];
	_ =	sdelay $0x4  }
0x6d: {  	[tilespmem:v1+s0+$0x0] =	vst.idx.msk $0xffff, v2  }
0x6e: {  	v1 =	vadd.s32 s24, v0;
	s24 =	smov.u32 s25;
	v2 =	vld [tilespmem:s23+$0x70]  }
.Ltmp0:
0x6f: {  	(pc) =	sbr.rel @p1 .LBB2_3-.Ltmp0, $2  }
0x70: {  	_ =	sdelay $0x2  }
0x71: {  	s25 =	sadd.s32 $0x10, s25;
	s26 =	sadd.s32 $0xFFFFFFF1, s24;
	s23 =	sadd.s32 $0x100, s23;
	[tilespmem:v1+s0+$0x0] =	vst.idx.msk $0xffff, v2  }
0x72: {  	v1 =	vadd.s32 s26, v0;
	v2 =	vld [tilespmem:s23+$0xFFFFFF80];
	_ =	sdelay $0x4  }
0x73: {  	s25 =	sadd.s32 $0xFFFFFFF2, s24;
	[tilespmem:v1+s0+$0x0] =	vst.idx.msk $0xffff, v2  }
0x74: {  	v1 =	vadd.s32 s25, v0;
	v2 =	vld [tilespmem:s23+$0xFFFFFF90];
	_ =	sdelay $0x4  }
0x75: {  	s28 =	sadd.s32 $0xFFFFFFF3, s24;
	[tilespmem:v1+s0+$0x0] =	vst.idx.msk $0xffff, v2  }
0x76: {  	v1 =	vadd.s32 s28, v0;
	v2 =	vld [tilespmem:s23+$0xFFFFFFA0];
	_ =	sdelay $0x4  }
0x77: {  	s26 =	sadd.s32 $0xFFFFFFF4, s24;
	[tilespmem:v1+s0+$0x0] =	vst.idx.msk $0xffff, v2  }
0x78: {  	v1 =	vadd.s32 s26, v0;
	v2 =	vld [tilespmem:s23+$0xFFFFFFB0];
	_ =	sdelay $0x4  }
0x79: {  	s28 =	sadd.s32 $0xFFFFFFF5, s24;
	[tilespmem:v1+s0+$0x0] =	vst.idx.msk $0xffff, v2  }
0x7a: {  	v1 =	vadd.s32 s28, v0;
	v2 =	vld [tilespmem:s23+$0xFFFFFFC0];
	_ =	sdelay $0x4  }
0x7b: {  	s26 =	sadd.s32 $0xFFFFFFF6, s24;
	[tilespmem:v1+s0+$0x0] =	vst.idx.msk $0xffff, v2  }
0x7c: {  	v1 =	vadd.s32 s26, v0;
	v2 =	vld [tilespmem:s23+$0xFFFFFFD0];
	_ =	sdelay $0x4  }
0x7d: {  	s28 =	sadd.s32 $0xFFFFFFF7, s24;
	[tilespmem:v1+s0+$0x0] =	vst.idx.msk $0xffff, v2  }
0x7e: {  	v1 =	vadd.s32 s28, v0;
	v2 =	vld [tilespmem:s23+$0xFFFFFFE0];
	_ =	sdelay $0x4  }
0x7f: {  	s26 =	sadd.s32 $0xFFFFFFF8, s24;
	[tilespmem:v1+s0+$0x0] =	vst.idx.msk $0xffff, v2  }
0x80: {  	v1 =	vadd.s32 s26, v0;
	v2 =	vld [tilespmem:s23+$0xFFFFFFF0];
	_ =	sdelay $0x4  }
0x81: {  	s28 =	sadd.s32 $0xFFFFFFF9, s24;
	[tilespmem:v1+s0+$0x0] =	vst.idx.msk $0xffff, v2  }
0x82: {  	v1 =	vadd.s32 s28, v0;
	v2 =	vld [tilespmem:s23+$0x0];
	_ =	sdelay $0x4  }
0x83: {  	s26 =	sadd.s32 $0xFFFFFFFA, s24;
	[tilespmem:v1+s0+$0x0] =	vst.idx.msk $0xffff, v2  }
0x84: {  	v1 =	vadd.s32 s26, v0;
	v2 =	vld [tilespmem:s23+$0x10];
	_ =	sdelay $0x4  }
0x85: {  	s28 =	sadd.s32 $0xFFFFFFFB, s24;
	[tilespmem:v1+s0+$0x0] =	vst.idx.msk $0xffff, v2  }
0x86: {  	v1 =	vadd.s32 s28, v0;
	v2 =	vld [tilespmem:s23+$0x20];
	_ =	sdelay $0x4  }
0x87: {  	s26 =	sadd.s32 $0xFFFFFFFC, s24;
	[tilespmem:v1+s0+$0x0] =	vst.idx.msk $0xffff, v2  }
0x88: {  	v1 =	vadd.s32 s26, v0;
	v2 =	vld [tilespmem:s23+$0x30];
	_ =	sdelay $0x4  }
0x89: {  	s28 =	sadd.s32 $0xFFFFFFFD, s24;
	[tilespmem:v1+s0+$0x0] =	vst.idx.msk $0xffff, v2  }
0x8a: {  	v1 =	vadd.s32 s28, v0;
	v2 =	vld [tilespmem:s23+$0x40];
	_ =	sdelay $0x4  }
0x8b: {  	s26 =	sadd.s32 $0xFFFFFFFE, s24;
	[tilespmem:v1+s0+$0x0] =	vst.idx.msk $0xffff, v2  }
0x8c: {  	v1 =	vadd.s32 s26, v0;
	v2 =	vld [tilespmem:s23+$0x50];
	_ =	sdelay $0x4  }
0x8d: {  	s28 =	sadd.s32 $0xFFFFFFFF, s24;
	[tilespmem:v1+s0+$0x0] =	vst.idx.msk $0xffff, v2  }
0x8e: {  	v1 =	vadd.s32 s28, v0;
	v2 =	vld [tilespmem:s23+$0x60];
	_ =	sdelay $0x4  }
0x8f: {  	s6 =	sshll.u32 s6, $0xA;
	[tilespmem:v1+s0+$0x0] =	vst.idx.msk $0xffff, v2  }
0x90: {  	s6 =	sadd.s32 s3, s6;
	v1 =	vadd.s32 s24, v0;
	v2 =	vld [tilespmem:s23+$0x70]  }
0x91: {  	s26 =	sshll.u32 s6, $0x4  }
0x92: {  	s6 =	sand.u32 $0x3C00, s6;
	s23 =	sand.u32 $0x7FFC0000, s26  }
0x93: {  	s6 =	sor.u32 s6, s23  }
0x94: {  	s6 =	sshrl.u32 s6, $0x3  }
0x95: {  	s28 =	sadd.s32 s5, s6;
	[tilespmem:v1+s0+$0x0] =	vst.idx.msk $0xffff, v2  }
0x96: {  	[hbm4b:s28+s2] =	stream.linear.scatter [tilespmem:s0], [sflag:$0x2], $0x400, $0x38;
	[tilespmem:$0xE880] =	vst v63  }
0x97: {  	s25 =	simm.s32 $0xAC08;
	s24 =	sadd.s32 s6, s7  }
0x98: {  	[hbm4b:s24+s2] =	stream.linear.scatter [tilespmem:s25], [sflag:$0x2], $0x400, $0x38;
	[tilespmem:$0xE880] =	vst v63  }
0x99: {  	s26 =	sadd.s32 s6, s8;
	s28 =	simm.s32 $0xB010  }
0x9a: {  	[hbm4b:s26+s2] =	stream.linear.scatter [tilespmem:s28], [sflag:$0x2], $0x400, $0x38;
	[tilespmem:$0xE880] =	vst v63  }
0x9b: {  	s24 =	sadd.s32 s6, s9;
	s25 =	simm.s32 $0xB418  }
0x9c: {  	[hbm4b:s24+s2] =	stream.linear.scatter [tilespmem:s25], [sflag:$0x2], $0x400, $0x38;
	[tilespmem:$0xE880] =	vst v63  }
0x9d: {  	s26 =	sadd.s32 s6, s10;
	s28 =	simm.s32 $0xB820  }
0x9e: {  	[hbm4b:s26+s2] =	stream.linear.scatter [tilespmem:s28], [sflag:$0x2], $0x400, $0x38;
	[tilespmem:$0xE880] =	vst v63  }
0x9f: {  	s24 =	sadd.s32 s6, s11;
	s25 =	simm.s32 $0xBC28  }
0xa0: {  	[hbm4b:s24+s2] =	stream.linear.scatter [tilespmem:s25], [sflag:$0x2], $0x400, $0x38;
	[tilespmem:$0xE880] =	vst v63  }
0xa1: {  	s26 =	sadd.s32 s6, s12;
	s28 =	simm.s32 $0xC030  }
0xa2: {  	[hbm4b:s26+s2] =	stream.linear.scatter [tilespmem:s28], [sflag:$0x2], $0x400, $0x38;
	[tilespmem:$0xE880] =	vst v63  }
0xa3: {  	s24 =	sadd.s32 s6, s13;
	s25 =	simm.s32 $0xC438  }
0xa4: {  	[hbm4b:s24+s2] =	stream.linear.scatter [tilespmem:s25], [sflag:$0x2], $0x400, $0x38;
	[tilespmem:$0xE880] =	vst v63  }
0xa5: {  	s26 =	sadd.s32 s6, s14;
	s28 =	simm.s32 $0xC840  }
0xa6: {  	[hbm4b:s26+s2] =	stream.linear.scatter [tilespmem:s28], [sflag:$0x2], $0x400, $0x38;
	[tilespmem:$0xE880] =	vst v63  }
0xa7: {  	s24 =	sadd.s32 s6, s15;
	s25 =	simm.s32 $0xCC48  }
0xa8: {  	[hbm4b:s24+s2] =	stream.linear.scatter [tilespmem:s25], [sflag:$0x2], $0x400, $0x38;
	[tilespmem:$0xE880] =	vst v63  }
0xa9: {  	s26 =	sadd.s32 s6, s16;
	s28 =	simm.s32 $0xD050  }
0xaa: {  	[hbm4b:s26+s2] =	stream.linear.scatter [tilespmem:s28], [sflag:$0x2], $0x400, $0x38;
	[tilespmem:$0xE880] =	vst v63  }
0xab: {  	s24 =	sadd.s32 s6, s17;
	s25 =	simm.s32 $0xD458  }
0xac: {  	[hbm4b:s24+s2] =	stream.linear.scatter [tilespmem:s25], [sflag:$0x2], $0x400, $0x38;
	[tilespmem:$0xE880] =	vst v63  }
0xad: {  	s26 =	sadd.s32 s6, s18;
	s28 =	simm.s32 $0xD860  }
0xae: {  	[hbm4b:s26+s2] =	stream.linear.scatter [tilespmem:s28], [sflag:$0x2], $0x400, $0x38;
	[tilespmem:$0xE880] =	vst v63  }
0xaf: {  	s25 =	sadd.s32 s6, s19;
	s26 =	simm.s32 $0xDC68  }
0xb0: {  	[hbm4b:s25+s2] =	stream.linear.scatter [tilespmem:s26], [sflag:$0x2], $0x400, $0x38;
	[tilespmem:$0xE880] =	vst v63  }
0xb1: {  	s28 =	sadd.s32 s6, s20  }
0xb2: {  	[hbm4b:s28+s2] =	stream.linear.scatter [tilespmem:s29], [sflag:$0x2], $0x400, $0x38;
	[tilespmem:$0xE880] =	vst v63  }
0xb3: {  	s6 =	sadd.s32 s6, s21  }
0xb4: {  	[hbm4b:s6+s2] =	stream.linear.scatter [tilespmem:s30], [sflag:$0x2], $0x400, $0x38;
	[tilespmem:$0xE880] =	vst v63  }
0xb5: {  	_ =	swait.ge [sflag:s31], $0x400  }
0xb6: {  	[sflag:s31] =	ssyncset.done $0x0  }
0xb7: {  	[sflag:s31] =	ssyncadd.s32 $0xFFFFFC00  }
0xb8: {  	_ =	swait.ge [sflag:s31], $0x400  }
0xb9: {  	[sflag:s31] =	ssyncset.done $0x0  }
0xba: {  	[sflag:s31] =	ssyncadd.s32 $0xFFFFFC00  }
0xbb: {  	_ =	swait.ge [sflag:s31], $0x400  }
0xbc: {  	[sflag:s31] =	ssyncset.done $0x0  }
0xbd: {  	[sflag:s31] =	ssyncadd.s32 $0xFFFFFC00  }
0xbe: {  	_ =	swait.ge [sflag:s31], $0x400  }
0xbf: {  	[sflag:s31] =	ssyncset.done $0x0  }
0xc0: {  	[sflag:s31] =	ssyncadd.s32 $0xFFFFFC00  }
0xc1: {  	_ =	swait.ge [sflag:s31], $0x400  }
0xc2: {  	[sflag:s31] =	ssyncset.done $0x0  }
0xc3: {  	[sflag:s31] =	ssyncadd.s32 $0xFFFFFC00  }
0xc4: {  	_ =	swait.ge [sflag:s31], $0x400  }
0xc5: {  	[sflag:s31] =	ssyncset.done $0x0  }
0xc6: {  	[sflag:s31] =	ssyncadd.s32 $0xFFFFFC00  }
0xc7: {  	_ =	swait.ge [sflag:s31], $0x400  }
0xc8: {  	[sflag:s31] =	ssyncset.done $0x0  }
0xc9: {  	[sflag:s31] =	ssyncadd.s32 $0xFFFFFC00  }
0xca: {  	_ =	swait.ge [sflag:s31], $0x400  }
0xcb: {  	[sflag:s31] =	ssyncset.done $0x0  }
0xcc: {  	[sflag:s31] =	ssyncadd.s32 $0xFFFFFC00  }
0xcd: {  	_ =	swait.ge [sflag:s31], $0x400  }
0xce: {  	[sflag:s31] =	ssyncset.done $0x0  }
0xcf: {  	[sflag:s31] =	ssyncadd.s32 $0xFFFFFC00  }
0xd0: {  	_ =	swait.ge [sflag:s31], $0x400  }
0xd1: {  	[sflag:s31] =	ssyncset.done $0x0  }
0xd2: {  	[sflag:s31] =	ssyncadd.s32 $0xFFFFFC00  }
0xd3: {  	_ =	swait.ge [sflag:s31], $0x400  }
0xd4: {  	[sflag:s31] =	ssyncset.done $0x0  }
0xd5: {  	[sflag:s31] =	ssyncadd.s32 $0xFFFFFC00  }
0xd6: {  	_ =	swait.ge [sflag:s31], $0x400  }
0xd7: {  	[sflag:s31] =	ssyncset.done $0x0  }
0xd8: {  	[sflag:s31] =	ssyncadd.s32 $0xFFFFFC00  }
0xd9: {  	_ =	swait.ge [sflag:s31], $0x400  }
0xda: {  	[sflag:s31] =	ssyncset.done $0x0  }
0xdb: {  	[sflag:s31] =	ssyncadd.s32 $0xFFFFFC00  }
0xdc: {  	_ =	swait.ge [sflag:s31], $0x400  }
0xdd: {  	[sflag:s31] =	ssyncset.done $0x0  }
0xde: {  	[sflag:s31] =	ssyncadd.s32 $0xFFFFFC00  }
0xdf: {  	p1 =	sne.s32 s22, $0xA;
	_ =	swait.ge [sflag:s31], $0x400  }
.Ltmp1:
0xe0: {  	[sflag:s31] =	ssyncset.done $0x0;
	(pc) =	sbr.rel @p1 .LBB2_2-.Ltmp1, $4  }
0xe1: {  	[sflag:s31] =	ssyncadd.s32 $0xFFFFFC00  }
0xe2: {  	_ =	swait.ge [sflag:s31], $0x400  }
0xe3: {  	[sflag:s31] =	ssyncset.done $0x0  }
0xe4: {  	p0 =	por !p0, !p0;
	s6 =	smov.u32 s22;
	[sflag:s31] =	ssyncadd.s32 $0xFFFFFC00  }
0xe5: {  	s22 =	rddreg [dreg:$0x4]  }
0xe6: {  	s6 =	rddreg [dreg:$0x3];
	s22 =	sadd.s32 $0x1, s22  }
0xe7: {  	p0 =	sne.s32 s22, s6  }
.Ltmp2:
0xe8: {  	_ = 	snop;
	(pc) =	sbr.rel @p0 .LBB2_1-.Ltmp2, $1  }
0xe9: {  	_ =	sdelay $0x3  }
0xea: {  	_ =	sfence.sel $0x180000  }
0xeb: {  	[bflag:$0x0] =	sbarrier.arrive $0xFFFF  }
0xec: {  	_ =	strace $0x90000047  }
0xed: {  	s0 =	stileid.u32;
	[bflag:$0x2] =	sbarrier.arrive $0xFFFF  }
0xee: {  	p0 =	sne.s32 s0, $0x0;
	s0 =	rddreg [dreg:$0x1]  }
0xef: {  	s0 =	sadd.s32 @!p0 $0x100000, s0  }
0xf0: {  	[sflag:s0] =	ssyncadd.tile.s32 @!p0 $0x1;
	_ =	shalt  }
.Lfunc_end2:
_tile_overlayer_lowered:
.L_overlay_start_2:
0xf1: {  	(tag) =	ssettag $0x2  }
0xf2: {  	s0 =	rddreg [dreg:$0x0];
	s2 =	stileid.u32  }
0xf3: {  	s1 =	rddreg [dreg:$0x1];
	p0 =	sne.s32 s2, $0x0  }
0xf4: {  	s3 =	rddreg [dreg:$0x2];
	[bflag:$0x3] =	sbarrier.arrive $0xFFFF;
	s2 =	simm.s32 @!p0 $0x1C03  }
0xf5: {  	[timem:s3], [sflag:s2] =	dma.local @!p0 [hbm:s0], s1  }
0xf6: {  	s0 =	simm.s32 @!p0 $0x3  }
0xf7: {  	_ =	swait.ge @!p0 [sflag:s0], s1  }
0xf8: {  	s1 =	ssub.s32 @!p0 $0x0, s1;
	[sflag:s0] =	ssyncset.done @!p0 $0x0  }
0xf9: {  	[sflag:s0] =	ssyncadd.s32 @!p0 s1  }
0xfa: {  	[bflag:$0x3] =	sbarrier.arrive $0xFFFF  }
0xfb: {  	_ =	shalt  }

// kernel: kernel.7.cloned.1.call-start
scs
__scs_entry_jumppad:
0x0: {  	(pc) =	sbr.rel $0x88, $3  }
0x1: {  	(tag) =	ssettag $0x0;
	lr =	simm.s32 $0x1  }
0x2: {  	[smem:$0x3F9E] =	sst lr;
	_ =	strace $0xD0000000  }
0x3: {  	_ = 	snop  }
0x4: {  	_ = 	snop  }
0x5: {  	_ = 	snop  }
0x6: {  	_ = 	snop  }
0x7: {  	_ = 	snop  }
__scs_overlays_trampoline_lowered:
0x8: {  	[smem:$0x3FAD] =	sst s0  }
0x9: {  	[smem:$0x3FAE] =	sst s1  }
0xa: {  	[smem:$0x3FAF] =	sst s2  }
0xb: {  	[smem:$0x3FB0] =	sst s3  }
0xc: {  	[smem:$0x3FB1] =	sst s4  }
0xd: {  	[smem:$0x3FB2] =	sst s5  }
0xe: {  	[smem:$0x3FB3] =	sst s6  }
0xf: {  	[smem:$0x3FB4] =	sst s7  }
0x10: {  	[smem:$0x3FB5] =	sst s8  }
0x11: {  	[smem:$0x3FB6] =	sst s9;
	s0 =	simm.s32 @!p0 $0x0  }
0x12: {  	s1 =	sld [smem:$0x3F9C];
	s0 =	simm.s32 @p0 $0x1  }
0x13: {  	[smem:$0x3FB7] =	sst s0;
	s0 =	simm.s32 @!p1 $0x0  }
0x14: {  	s2 =	sld [smem:$0x3F9B];
	s0 =	simm.s32 @p1 $0x1  }
0x15: {  	[smem:$0x3FB8] =	sst s0;
	s0 =	simm.s32 @!p2 $0x0  }
0x16: {  	s3 =	sld [smem:$0x3FDB];
	s0 =	simm.s32 @p2 $0x1  }
0x17: {  	s4 =	simm.s32 $0x1BF5;
	[smem:$0x3FBA] =	sst s0  }
0x18: {  	s0 =	sld [smem:$0x3F9D];
	_ =	swait.ge [sflag:s4], $0x0  }
0x19: {  	s7 =	sld [smem:$0x3F9E]  }
0x1a: {  	s8 =	sadd.s32 $0xFFFFE003, lr  }
0x1b: {  	s9 =	sadd.s32 $0xFFFFFEF7, lr;
	s5 =	simm.s32 $0xFFFFFFFF;
	p2 =	slt.u32 s8, $0xFFFFF086  }
0x1c: {  	p1 =	slt.u32 s9, $0xF7A;
	s5 =	simm.s32 @!p2 $0x0  }
0x1d: {  	s5 =	simm.s32 @p1 $0x1;
	p0 =	seq.s32 s7, s2  }
0x1e: {  	s7 =	smul.u32 @!p0 $0xF7A, s2;
	p2 =	seq.s32 @!p0 s5, $0x0  }
0x1f: {  	s9 =	smul.u32 $0xF7A, s1;
	s8 =	simm.s32 @!p0 $0x1BF5;
	p2 =	por !p2, p0  }
0x20: {  	[sflag:s8] =	ssyncset.s32 @!p0 $0xFFFFF086;
	s6 =	sadd.s32 @!p0 s3, s7;
	s7 =	simm.s32 @!p0 $0x108  }
0x21: {  	s3 =	sadd.s32 s3, s9;
	s6 =	sadd.s32 @!p0 $0x88, s6;
	s7 =	simm.s32 @p2 $0x1082  }
0x22: {  	[simem:s7], [sflag:s8] =	dma.local @!p0 [hbm:s6], $0xF7A  }
0x23: {  	s9 =	sor.u32 $0xD0000000, s2;
	s6 =	simm.s32 $0x108;
	_ =	swait.ge @!p0 [sflag:s8], $0x0  }
0x24: {  	s3 =	sadd.s32 $0x88, s3;
	s6 =	simm.s32 @!p1 $0x1082;
	[sflag:s4] =	ssyncset.s32 $0xFFFFF086  }
0x25: {  	[simem:s6], [sflag:s4] =	dma.local [hbm:s3], $0xF7A  }
0x26: {  	[smem:$0x3F9E] =	sst s1;
	(tag) =	ssettag s2;
	_ =	strace s9  }
0x27: {  	s1 =	sld [smem:$0x3FAE]  }
0x28: {  	s2 =	sld [smem:$0x3FAF]  }
0x29: {  	s4 =	sld [smem:$0x3FB1]  }
0x2a: {  	p0 =	seq.s32 s5, $0x0;
	s5 =	sld [smem:$0x3FB2]  }
0x2b: {  	s6 =	sld [smem:$0x3FB3]  }
0x2c: {  	s7 =	sld [smem:$0x3FB4]  }
0x2d: {  	s3 =	simm.s32 $0x108;
	s8 =	sld [smem:$0x3FB5]  }
0x2e: {  	s3 =	simm.s32 @!p0 $0x1082;
	s9 =	sld [smem:$0x3FB6]  }
0x2f: {  	lr =	sadd.s32 s0, s3;
	s0 =	sld [smem:$0x3FAD]  }
0x30: {  	s3 =	sld [smem:$0x3FB0]  }
0x31: {  	[smem:$0x3FB9] =	sst s10  }
0x32: {  	s10 =	sld [smem:$0x3FB7];
	_ =	sdelay $0x3  }
0x33: {  	p0 =	seq.s32 s10, $0x1;
	s10 =	sld [smem:$0x3FB9];
	_ =	sdelay $0x3  }
0x34: {  	[smem:$0x3FB9] =	sst s10  }
0x35: {  	s10 =	sld [smem:$0x3FB8];
	_ =	sdelay $0x3  }
0x36: {  	p1 =	seq.s32 s10, $0x1;
	s10 =	sld [smem:$0x3FB9];
	_ =	sdelay $0x3  }
0x37: {  	[smem:$0x3FB9] =	sst s10  }
0x38: {  	s10 =	sld [smem:$0x3FBA]  }
0x39: {  	_ = 	snop;
	(pc) =	sbr.ind lr, $3  }
0x3a: {  	_ = 	snop  }
0x3b: {  	_ = 	snop  }
0x3c: {  	p2 =	seq.s32 s10, $0x1;
	s10 =	sld [smem:$0x3FB9]  }
0x3d: {  	_ =	shalt  }
0x3e: {  	_ =	shalt  }
0x3f: {  	_ =	shalt  }
0x40: {  	_ =	shalt  }
0x41: {  	_ =	shalt  }
0x42: {  	_ =	shalt  }
0x43: {  	_ =	shalt  }
0x44: {  	_ =	shalt  }
0x45: {  	_ =	shalt  }
0x46: {  	_ =	shalt  }
0x47: {  	_ =	shalt  }
0x48: {  	_ =	shalt  }
0x49: {  	_ =	shalt  }
0x4a: {  	_ =	shalt  }
0x4b: {  	_ =	shalt  }
0x4c: {  	_ =	shalt  }
0x4d: {  	_ =	shalt  }
0x4e: {  	_ =	shalt  }
0x4f: {  	_ =	shalt  }
0x50: {  	_ =	shalt  }
0x51: {  	_ =	shalt  }
0x52: {  	_ =	shalt  }
0x53: {  	_ =	shalt  }
0x54: {  	_ =	shalt  }
0x55: {  	_ =	shalt  }
0x56: {  	_ =	shalt  }
0x57: {  	_ =	shalt  }
0x58: {  	_ =	shalt  }
0x59: {  	_ =	shalt  }
0x5a: {  	_ =	shalt  }
0x5b: {  	_ =	shalt  }
0x5c: {  	_ =	shalt  }
0x5d: {  	_ =	shalt  }
0x5e: {  	_ =	shalt  }
0x5f: {  	_ =	shalt  }
0x60: {  	_ =	shalt  }
0x61: {  	_ =	shalt  }
0x62: {  	_ =	shalt  }
0x63: {  	_ =	shalt  }
0x64: {  	_ =	shalt  }
0x65: {  	_ =	shalt  }
0x66: {  	_ =	shalt  }
0x67: {  	_ =	shalt  }
0x68: {  	_ =	shalt  }
0x69: {  	_ =	shalt  }
0x6a: {  	_ =	shalt  }
0x6b: {  	_ =	shalt  }
0x6c: {  	_ =	shalt  }
0x6d: {  	_ =	shalt  }
0x6e: {  	_ =	shalt  }
0x6f: {  	_ =	shalt  }
0x70: {  	_ =	shalt  }
0x71: {  	_ =	shalt  }
0x72: {  	_ =	shalt  }
0x73: {  	_ =	shalt  }
0x74: {  	_ =	shalt  }
0x75: {  	_ =	shalt  }
0x76: {  	_ =	shalt  }
0x77: {  	_ =	shalt  }
0x78: {  	_ =	shalt  }
0x79: {  	_ =	shalt  }
0x7a: {  	_ =	shalt  }
0x7b: {  	_ =	shalt  }
0x7c: {  	_ =	shalt  }
0x7d: {  	_ =	shalt  }
0x7e: {  	_ =	shalt  }
0x7f: {  	_ =	shalt  }
0x80: {  	_ =	shalt  }
0x81: {  	_ =	shalt  }
0x82: {  	_ =	shalt  }
0x83: {  	_ =	shalt  }
0x84: {  	_ =	shalt  }
0x85: {  	_ =	shalt  }
0x86: {  	_ =	shalt  }
0x87: {  	_ =	shalt  }
.Lfunc_end0:
.L_simem_size_0:
called_computation.1_lowered:
.L_overlay_start_0:
0x88: {  	s2 =	sld [smem:$0x3FD9]  }
0x89: {  	s3 =	sld [smem:$0x3FFE];
	_ =	sdelay $0x1  }
0x8a: {  	s1 =	srdreg.scid  }
0x8b: {  	s0 =	sand.u32 $0x1, s1  }
0x8c: {  	s17 =	sshll.u32 s0, $0xA;
	s2 =	sadd.s32 s3, s2  }
0x8d: {  	s2 =	sadd.s32 s2, s17  }
0x8e: {  	[smem:$0x3FC5] =	sst s2  }
0x8f: {  	_ = 	snop  }
0x90: {  	s18 =	sld [smem:$0x3FD0];
	(tm) =	ssettm $0x1  }
0x91: {  	s19 =	sld [smem:$0x3FFB];
	_ =	sdelay $0x3  }
0x92: {  	_ =	strace s19  }
0x93: {  	s2 =	sld [smem:$0x3FFC];
	_ =	sdelay $0x3  }
0x94: {  	_ =	strace s2  }
0x95: {  	s2 =	sld [smem:$0x3FFD];
	_ =	sdelay $0x3  }
0x96: {  	_ =	strace s2  }
0x97: {  	_ =	strace $0x8FFFFFFF  }
0x98: {  	s20 =	sld [smem:$0x3FDB];
	_ =	sdelay $0x1  }
0x99: {  	s4 =	simm.s32 $_scs_section_size  }
0x9a: {  	s5 =	simm.s32 $_size__tile_overlayer_lowered;
	s6 =	simm.s32 $_tile_overlayer_lowered  }
0x9b: {  	s7 =	simm.s32 $0x1BFF;
	s21 =	sshll.u32 s6, $0x1;
	s4 =	sadd.s32 s4, s20  }
0x9c: {  	s22 =	simm.s32 $0x0;
	s5 =	sshll.u32 s5, $0x1;
	s6 =	sadd.s32 s21, s4  }
0x9d: {  	[timem:s22], [sflag:s7] =	dma.local [hbm:s6], s5  }
0x9e: {  	_ =	swait.ge [sflag:s7], s5  }
0x9f: {  	s5 =	ssub.s32 $0x0, s5;
	[sflag:s7] =	ssyncset.done $0x0  }
0xa0: {  	[sflag:s7] =	ssyncadd.s32 s5;
	_ =	sdelay $0x1  }
0xa1: {  	s23 =	simm.s32 $0x1B8B  }
0xa2: {  	_ =	swait.ge [sflag:s23], $0x1  }
0xa3: {  	[sflag:s23] =	ssyncset.done $0x0  }
0xa4: {  	[sflag:s23] =	ssyncadd.s32 $0xFFFFFFFF  }
0xa5: {  	s5 =	sld [smem:$0x0]  }
0xa6: {  	s6 =	sand.u32 $0xFFFFFFFE, s1  }
0xa7: {  	p0 =	sne.s32 s1, s6  }
0xa8: {  	s6 =	sshll.u32 @p0 s6, $0xE  }
0xa9: {  	s6 =	sadd.s32 @p0 $0x11B8D, s6;
	s7 =	sshll.u32 @p0 s5, $0x11  }
0xaa: {  	s6 =	sor.u32 @p0 s7, s6  }
0xab: {  	[sflag:s6] =	ssyncadd.remote.s32 @p0 $0x1;
	_ =	sdelay $0x1  }
0xac: {  	s6 =	simm.s32 @p0 $0x1B8D  }
0xad: {  	_ =	swait.eq @p0 [sflag:s6], $0x1  }
0xae: {  	[sflag:s6] =	ssyncadd.s32 @p0 $0xFFFFFFFF  }
0xaf: {  	s7 =	sshll.u32 @!p0 s1, $0xE  }
0xb0: {  	s7 =	sor.u32 @!p0 $0x4000, s7;
	s6 =	simm.s32 @!p0 $0x1B8D  }
0xb1: {  	s5 =	sshll.u32 @!p0 s5, $0x11;
	s7 =	sadd.s32 @!p0 $0x11B8D, s7;
	_ =	swait.eq @!p0 [sflag:s6], $0x1  }
0xb2: {  	s5 =	sor.u32 @!p0 s5, s7;
	[sflag:s6] =	ssyncadd.s32 @!p0 $0xFFFFFFFF  }
0xb3: {  	s25 =	simm.s32 $0x1B8E;
	s24 =	sld [smem:$0x3FFE];
	[sflag:s5] =	ssyncadd.remote.s32 @!p0 $0x1  }
0xb4: {  	s26 =	simm.s32 $execute0_lowered;
	[smem:$0x3FD2] =	sst s25  }
0xb5: {  	s6 =	sshll.u32 s26, $0x1;
	_ =	strace $0x80000049;
	[dreg:$0x1] =	wrdreg $0xFFFFFFFF  }
0xb6: {  	s28 =	simm.s32 $_size_execute0_lowered;
	s4 =	sadd.s32 s4, s6;
	[dreg:$0x0] =	wrdreg $0x0  }
0xb7: {  	s6 =	sshll.u32 s28, $0x1;
	[dreg:$0x2] =	wrdreg s4  }
0xb8: {  	[dreg:$0x3] =	wrdreg s6  }
0xb9: {  	[dreg:$0x4] =	wrdreg $0xC0  }
0xba: {  	_ =	task [dreg:s22], $0x5FFFF  }
0xbb: {  	[dreg:$0x1] =	wrdreg $0xFFFFFFFF  }
0xbc: {  	[dreg:$0x0] =	wrdreg $0x60  }
0xbd: {  	[dreg:$0x2] =	wrdreg s24  }
0xbe: {  	[dreg:$0x3] =	wrdreg s18  }
0xbf: {  	[dreg:$0x4] =	wrdreg $0xA  }
0xc0: {  	_ =	task.clear_ibuf [dreg:s22], $0x5FFFF;
	_ =	strace $0x90000049  }
0xc1: {  	s29 =	simm.s32 $0xA;
	_ =	strace $0x8000004B  }
0xc2: {  	_ =	swait.ge [sflag:s29], $0x1  }
0xc3: {  	[sflag:s29] =	ssyncadd.s32 $0xFFFFFFFF  }
0xc4: {  	_ =	strace $0x9000004B  }
0xc5: {  	_ =	sfence  }
0xc6: {  	s30 =	sld [smem:$0x0];
	_ =	sdelay $0x2  }
0xc7: {  	s31 =	sshll.u32 s1, $0xD;
	s1 =	sshrl.u32 s1, $0x2  }
0xc8: {  	s4 =	sand.u32 $0x4000, s31;
	s1 =	sadd.s32 s1, s30  }
0xc9: {  	s0 =	sor.u32 s4, s0;
	s1 =	sshll.u32 s1, $0x11  }
0xca: {  	s0 =	sor.u32 s1, s0  }
0xcb: {  	s0 =	sadd.s32 $0x8F2B, s0  }
0xcc: {  	[sflag:s0] =	ssyncadd.remote.s32 $0x1  }
0xcd: {  	_ =	sfence.sel $0xFFFF  }
0xce: {  	[dreg:$0x0] =	wrdreg $0xFFFFFFFF;
	(pc) =	sbr.abs _section_cstart, $3  }
0xcf: {  	[dreg:$0x1] =	wrdreg $0xFFFFFFFF  }
0xd0: {  	_ =	task.clear_ibuf [dreg:s22], $0x2FFFF;
	_ =	strace $0x9FFFFFFF  }
0xd1: {  	(tm) =	ssettm $0x7FFFFFFF  }
tec
execute0_lowered:
.L_overlay_start_1:
0x0: {  	(tag) =	ssettag $0x1  }
0x1: {  	s0 =	srdreg.scid;
	s2 =	rddreg [dreg:$0x0]  }
0x2: {  	s1 =	stileid.u32;
	s21 =	rddreg [dreg:$0x1]  }
0x3: {  	s4 =	simm.s32 $0x0;
	s26 =	simm.s32 $0xDC68;
	s28 =	simm.s32 $0xE070  }
0x4: {  	s29 =	simm.s32 $0xE478;
	s30 =	simm.s32 $0x2;
	s0 =	sand.u32 $0x1, s0  }
0x5: {  	s1 =	sshll.u32 s1, $0x1;
	[smem:$0x7FF] =	sst s4;
	s5 =	sadd.s32 $0xAA800, s2  }
0x6: {  	s7 =	sadd.s32 $0x800, s21;
	s8 =	sadd.s32 $0x1000, s21;
	s9 =	sadd.s32 $0x1800, s21  }
0x7: {  	s10 =	sadd.s32 $0x2000, s21;
	s11 =	sadd.s32 $0x2800, s21;
	s12 =	sadd.s32 $0x3000, s21  }
0x8: {  	s13 =	sadd.s32 $0x3800, s21;
	s14 =	sadd.s32 $0x4000, s21;
	s15 =	sadd.s32 $0x4800, s21  }
0x9: {  	s16 =	sadd.s32 $0x5000, s21;
	s17 =	sadd.s32 $0x5800, s21;
	s1 =	sor.u32 s0, s1  }
0xa: {  	s18 =	sadd.s32 $0x6000, s21;
	s0 =	ssub.s32 $0x2, s0;
	s3 =	smul.u32 $0x2800, s1  }
0xb: {  	s19 =	sadd.s32 $0x6800, s21;
	s20 =	sadd.s32 $0x7000, s21;
	s6 =	sshrl.u32 s0, $0x1  }
0xc: {  	s21 =	sadd.s32 $0x7800, s21;
	s0 =	ssub.s32 s0, s6;
	s1 =	sshrl.u32 s3, $0x3  }
0xd: {  	v0 =	vlaneseq.u32;
	_ =	strace $0x8000004A;
	s0 =	smax.u32 s0, $0x1;
	s1 =	sadd.s32 s1, s2  }
0xe: {  	v0 =	vmul.u32 $0x408, v0;
	s6 =	simm.s32 $0x0;
	[dreg:$0x4] =	wrdreg s0;
	s1 =	sadd.s32 $0x800, s1  }
0xf: {  	s0 =	simm.s32 $0xA800;
	[dreg:$0x3] =	wrdreg s1;
	s1 =	simm.s32 $0x1  }
.LBB2_1:
0x10: {  	[dreg:$0x5] =	wrdreg s6  }
0x11: {  	s2 =	rddreg [dreg:$0x3];
	s24 =	simm.s32 $0x3  }
0x12: {  	[tilespmem:s4], [sflag:$0x3] =	stream.linear.gather [hbm4b:s2+s4], $0x2800, $0x38;
	[tilespmem:$0xE880] =	vst v63  }
0x13: {  	_ =	swait.ge [sflag:s24], $0x2800  }
0x14: {  	[sflag:s24] =	ssyncset.done $0x0  }
0x15: {  	s25 =	simm.s32 $0x2800;
	s2 =	simm.s32 $0x80;
	[sflag:s24] =	ssyncadd.s32 $0xFFFFD800  }
0x16: {  	[tilespmem:s25], [sflag:$0x1] =	stream.indirect.gather [hbm4b:s5+s2], $0x10, s4, s2, $0xb8;
	[tilespmem:$0xE880] =	vst v63  }
0x17: {  	s22 =	simm.s32 $0x3000  }
0x18: {  	[tilespmem:s22], [sflag:$0x1] =	stream.indirect.gather [hbm4b:s5+s2], $0x10, s2, s2, $0xb8;
	[tilespmem:$0xE880] =	vst v63  }
0x19: {  	s23 =	simm.s32 $0x100;
	s22 =	simm.s32 $0x3800  }
0x1a: {  	[tilespmem:s22], [sflag:$0x1] =	stream.indirect.gather [hbm4b:s5+s2], $0x10, s23, s2, $0xb8;
	[tilespmem:$0xE880] =	vst v63  }
0x1b: {  	s24 =	simm.s32 $0x180;
	s25 =	simm.s32 $0x4000  }
0x1c: {  	[tilespmem:s25], [sflag:$0x1] =	stream.indirect.gather [hbm4b:s5+s2], $0x10, s24, s2, $0xb8;
	[tilespmem:$0xE880] =	vst v63  }
0x1d: {  	s22 =	simm.s32 $0x200;
	s23 =	simm.s32 $0x4800  }
0x1e: {  	[tilespmem:s23], [sflag:$0x1] =	stream.indirect.gather [hbm4b:s5+s2], $0x10, s22, s2, $0xb8;
	[tilespmem:$0xE880] =	vst v63  }
0x1f: {  	s24 =	simm.s32 $0x280;
	s25 =	simm.s32 $0x5000  }
0x20: {  	[tilespmem:s25], [sflag:$0x1] =	stream.indirect.gather [hbm4b:s5+s2], $0x10, s24, s2, $0xb8;
	[tilespmem:$0xE880] =	vst v63  }
0x21: {  	p0 =	por $0x0, $0x0;
	s22 =	simm.s32 $0x300;
	s23 =	simm.s32 $0x5800  }
0x22: {  	[tilespmem:s23], [sflag:$0x1] =	stream.indirect.gather [hbm4b:s5+s2], $0x10, s22, s2, $0xb8;
	[tilespmem:$0xE880] =	vst v63  }
0x23: {  	s31 =	simm.s32 $0x0;
	s24 =	simm.s32 $0x380;
	s25 =	simm.s32 $0x6000  }
0x24: {  	[tilespmem:s25], [sflag:$0x1] =	stream.indirect.gather [hbm4b:s5+s2], $0x10, s24, s2, $0xb8;
	[tilespmem:$0xE880] =	vst v63  }
.LBB2_2:
0x25: {  	s2 =	sand.u32 $0x1, s31;
	s6 =	sadd.s32 $0x1, s31;
	p1 =	seq.s32 s31, $0x9  }
0x26: {  	s2 =	sshll.u32 @!p1 s2, $0xE;
	s22 =	sshll.u32 @!p1 s6, $0xA  }
0x27: {  	s24 =	simm.s32 @!p1 $0x80;
	s23 =	sxor.u32 @!p1 $0x6800, s2;
	s22 =	sand.u32 @!p1 $0x3FFFFC00, s22  }
0x28: {  	[tilespmem:s23], [sflag:$0x1] =	stream.indirect.gather @!p1 [hbm4b:s5+s24], $0x10, s22, s24, $0xb8;
	[tilespmem:$0xE880] =	vst v63  }
0x29: {  	s23 =	sxor.u32 @!p1 $0x7000, s2;
	s25 =	sor.u32 @!p1 $0x80, s22  }
0x2a: {  	[tilespmem:s23], [sflag:$0x1] =	stream.indirect.gather @!p1 [hbm4b:s5+s24], $0x10, s25, s24, $0xb8;
	[tilespmem:$0xE880] =	vst v63  }
0x2b: {  	s23 =	sxor.u32 @!p1 $0x7800, s2;
	s25 =	sor.u32 @!p1 $0x100, s22  }
0x2c: {  	[tilespmem:s23], [sflag:$0x1] =	stream.indirect.gather @!p1 [hbm4b:s5+s24], $0x10, s25, s24, $0xb8;
	[tilespmem:$0xE880] =	vst v63  }
0x2d: {  	s23 =	ssub.s32 @!p1 $0x8000, s2;
	s25 =	sor.u32 @!p1 $0x180, s22  }
0x2e: {  	[tilespmem:s23], [sflag:$0x1] =	stream.indirect.gather @!p1 [hbm4b:s5+s24], $0x10, s25, s24, $0xb8;
	[tilespmem:$0xE880] =	vst v63  }
0x2f: {  	s23 =	ssub.s32 @!p1 $0x8800, s2;
	s25 =	sor.u32 @!p1 $0x200, s22  }
0x30: {  	[tilespmem:s23], [sflag:$0x1] =	stream.indirect.gather @!p1 [hbm4b:s5+s24], $0x10, s25, s24, $0xb8;
	[tilespmem:$0xE880] =	vst v63  }
0x31: {  	s23 =	ssub.s32 @!p1 $0x9000, s2;
	s25 =	sor.u32 @!p1 $0x280, s22  }
0x32: {  	[tilespmem:s23], [sflag:$0x1] =	stream.indirect.gather @!p1 [hbm4b:s5+s24], $0x10, s25, s24, $0xb8;
	[tilespmem:$0xE880] =	vst v63  }
0x33: {  	s23 =	ssub.s32 @!p1 $0x9800, s2;
	s25 =	sor.u32 @!p1 $0x300, s22  }
0x34: {  	[tilespmem:s23], [sflag:$0x1] =	stream.indirect.gather @!p1 [hbm4b:s5+s24], $0x10, s25, s24, $0xb8;
	[tilespmem:$0xE880] =	vst v63  }
0x35: {  	s2 =	ssub.s32 @!p1 $0xA000, s2;
	s22 =	sor.u32 @!p1 $0x380, s22  }
0x36: {  	[tilespmem:s2], [sflag:$0x1] =	stream.indirect.gather @!p1 [hbm4b:s5+s24], $0x10, s22, s24, $0xb8;
	[tilespmem:$0xE880] =	vst v63  }
0x37: {  	_ =	swait.ge [sflag:s1], $0x800  }
0x38: {  	[sflag:s1] =	ssyncset.done $0x0  }
0x39: {  	[sflag:s1] =	ssyncadd.s32 $0xFFFFF800  }
0x3a: {  	_ =	swait.ge [sflag:s1], $0x800  }
0x3b: {  	[sflag:s1] =	ssyncset.done $0x0  }
0x3c: {  	[sflag:s1] =	ssyncadd.s32 $0xFFFFF800  }
0x3d: {  	_ =	swait.ge [sflag:s1], $0x800  }
0x3e: {  	[sflag:s1] =	ssyncset.done $0x0  }
0x3f: {  	[sflag:s1] =	ssyncadd.s32 $0xFFFFF800  }
0x40: {  	_ =	swait.ge [sflag:s1], $0x800  }
0x41: {  	[sflag:s1] =	ssyncset.done $0x0  }
0x42: {  	[sflag:s1] =	ssyncadd.s32 $0xFFFFF800  }
0x43: {  	_ =	swait.ge [sflag:s1], $0x800  }
0x44: {  	[sflag:s1] =	ssyncset.done $0x0  }
0x45: {  	[sflag:s1] =	ssyncadd.s32 $0xFFFFF800  }
0x46: {  	_ =	swait.ge [sflag:s1], $0x800  }
0x47: {  	[sflag:s1] =	ssyncset.done $0x0  }
0x48: {  	[sflag:s1] =	ssyncadd.s32 $0xFFFFF800  }
0x49: {  	_ =	swait.ge [sflag:s1], $0x800  }
0x4a: {  	[sflag:s1] =	ssyncset.done $0x0  }
0x4b: {  	s2 =	simm.s32 $0x1;
	[sflag:s1] =	ssyncadd.s32 $0xFFFFF800  }
0x4c: {  	s23 =	simm.s32 $0xF;
	s2 =	simm.s32 @!p0 $0x0;
	_ =	swait.ge [sflag:s1], $0x800  }
0x4d: {  	s24 =	simm.s32 $0x1F;
	s2 =	sshll.u32 s2, $0xE;
	[sflag:s1] =	ssyncset.done $0x0  }
0x4e: {  	s22 =	sor.u32 $0x2880, s2;
	s2 =	simm.s32 $0x0;
	[sflag:s1] =	ssyncadd.s32 $0xFFFFF800  }
.LBB2_3:
0x4f: {  	p1 =	sne.s32 s24, $0x3FF;
	v1 =	vadd.s32 s2, v0;
	v2 =	vld [tilespmem:s22+$0xFFFFFF80];
	_ =	sdelay $0x4  }
0x50: {  	s2 =	sadd.s32 $0xFFFFFFF2, s23;
	[tilespmem:v1+s0+$0x0] =	vst.idx.msk $0xffff, v2  }
0x51: {  	v1 =	vadd.s32 s2, v0;
	v2 =	vld [tilespmem:s22+$0xFFFFFF90];
	_ =	sdelay $0x4  }
0x52: {  	s2 =	sadd.s32 $0xFFFFFFF3, s23;
	[tilespmem:v1+s0+$0x0] =	vst.idx.msk $0xffff, v2  }
0x53: {  	v1 =	vadd.s32 s2, v0;
	v2 =	vld [tilespmem:s22+$0xFFFFFFA0];
	_ =	sdelay $0x4  }
0x54: {  	s2 =	sadd.s32 $0xFFFFFFF4, s23;
	[tilespmem:v1+s0+$0x0] =	vst.idx.msk $0xffff, v2  }
0x55: {  	v1 =	vadd.s32 s2, v0;
	v2 =	vld [tilespmem:s22+$0xFFFFFFB0];
	_ =	sdelay $0x4  }
0x56: {  	s2 =	sadd.s32 $0xFFFFFFF5, s23;
	[tilespmem:v1+s0+$0x0] =	vst.idx.msk $0xffff, v2  }
0x57: {  	v1 =	vadd.s32 s2, v0;
	v2 =	vld [tilespmem:s22+$0xFFFFFFC0];
	_ =	sdelay $0x4  }
0x58: {  	s2 =	sadd.s32 $0xFFFFFFF6, s23;
	[tilespmem:v1+s0+$0x0] =	vst.idx.msk $0xffff, v2  }
0x59: {  	v1 =	vadd.s32 s2, v0;
	v2 =	vld [tilespmem:s22+$0xFFFFFFD0];
	_ =	sdelay $0x4  }
0x5a: {  	s2 =	sadd.s32 $0xFFFFFFF7, s23;
	[tilespmem:v1+s0+$0x0] =	vst.idx.msk $0xffff, v2  }
0x5b: {  	v1 =	vadd.s32 s2, v0;
	v2 =	vld [tilespmem:s22+$0xFFFFFFE0];
	_ =	sdelay $0x4  }
0x5c: {  	s2 =	sadd.s32 $0xFFFFFFF8, s23;
	[tilespmem:v1+s0+$0x0] =	vst.idx.msk $0xffff, v2  }
0x5d: {  	v1 =	vadd.s32 s2, v0;
	v2 =	vld [tilespmem:s22+$0xFFFFFFF0];
	_ =	sdelay $0x4  }
0x5e: {  	s2 =	sadd.s32 $0xFFFFFFF9, s23;
	[tilespmem:v1+s0+$0x0] =	vst.idx.msk $0xffff, v2  }
0x5f: {  	v1 =	vadd.s32 s2, v0;
	v2 =	vld [tilespmem:s22+$0x0];
	_ =	sdelay $0x4  }
0x60: {  	s2 =	sadd.s32 $0xFFFFFFFA, s23;
	[tilespmem:v1+s0+$0x0] =	vst.idx.msk $0xffff, v2  }
0x61: {  	v1 =	vadd.s32 s2, v0;
	v2 =	vld [tilespmem:s22+$0x10];
	_ =	sdelay $0x4  }
0x62: {  	s2 =	sadd.s32 $0xFFFFFFFB, s23;
	[tilespmem:v1+s0+$0x0] =	vst.idx.msk $0xffff, v2  }
0x63: {  	v1 =	vadd.s32 s2, v0;
	v2 =	vld [tilespmem:s22+$0x20];
	_ =	sdelay $0x4  }
0x64: {  	s2 =	sadd.s32 $0xFFFFFFFC, s23;
	[tilespmem:v1+s0+$0x0] =	vst.idx.msk $0xffff, v2  }
0x65: {  	v1 =	vadd.s32 s2, v0;
	v2 =	vld [tilespmem:s22+$0x30];
	_ =	sdelay $0x4  }
0x66: {  	s2 =	sadd.s32 $0xFFFFFFFD, s23;
	[tilespmem:v1+s0+$0x0] =	vst.idx.msk $0xffff, v2  }
0x67: {  	v1 =	vadd.s32 s2, v0;
	v2 =	vld [tilespmem:s22+$0x40];
	_ =	sdelay $0x4  }
0x68: {  	s2 =	sadd.s32 $0xFFFFFFFE, s23;
	[tilespmem:v1+s0+$0x0] =	vst.idx.msk $0xffff, v2  }
0x69: {  	v1 =	vadd.s32 s2, v0;
	v2 =	vld [tilespmem:s22+$0x50];
	_ =	sdelay $0x4  }
0x6a: {  	s2 =	sadd.s32 $0xFFFFFFFF, s23;
	[tilespmem:v1+s0+$0x0] =	vst.idx.msk $0xffff, v2  }
0x6b: {  	v1 =	vadd.s32 s2, v0;
	v2 =	vld [tilespmem:s22+$0x60];
	_ =	sdelay $0x4  }
0x6c: {  	[tilespmem:v1+s0+$0x0] =	vst.idx.msk $0xffff, v2  }
0x6d: {  	v1 =	vadd.s32 s23, v0;
	s23 =	smov.u32 s24;
	v2 =	vld [tilespmem:s22+$0x70]  }
.Ltmp0:
0x6e: {  	(pc) =	sbr.rel @p1 .LBB2_3-.Ltmp0, $2  }
0x6f: {  	_ =	sdelay $0x2  }
0x70: {  	s24 =	sadd.s32 $0x10, s24;
	s2 =	sadd.s32 $0xFFFFFFF1, s23;
	s22 =	sadd.s32 $0x100, s22;
	[tilespmem:v1+s0+$0x0] =	vst.idx.msk $0xffff, v2  }
0x71: {  	v1 =	vadd.s32 s2, v0;
	v2 =	vld [tilespmem:s22+$0xFFFFFF80];
	_ =	sdelay $0x4  }
0x72: {  	s24 =	sadd.s32 $0xFFFFFFF2, s23;
	[tilespmem:v1+s0+$0x0] =	vst.idx.msk $0xffff, v2  }
0x73: {  	v1 =	vadd.s32 s24, v0;
	v2 =	vld [tilespmem:s22+$0xFFFFFF90];
	_ =	sdelay $0x4  }
0x74: {  	s25 =	sadd.s32 $0xFFFFFFF3, s23;
	[tilespmem:v1+s0+$0x0] =	vst.idx.msk $0xffff, v2  }
0x75: {  	v1 =	vadd.s32 s25, v0;
	v2 =	vld [tilespmem:s22+$0xFFFFFFA0];
	_ =	sdelay $0x4  }
0x76: {  	s24 =	sadd.s32 $0xFFFFFFF4, s23;
	[tilespmem:v1+s0+$0x0] =	vst.idx.msk $0xffff, v2  }
0x77: {  	v1 =	vadd.s32 s24, v0;
	v2 =	vld [tilespmem:s22+$0xFFFFFFB0];
	_ =	sdelay $0x4  }
0x78: {  	s25 =	sadd.s32 $0xFFFFFFF5, s23;
	[tilespmem:v1+s0+$0x0] =	vst.idx.msk $0xffff, v2  }
0x79: {  	v1 =	vadd.s32 s25, v0;
	v2 =	vld [tilespmem:s22+$0xFFFFFFC0];
	_ =	sdelay $0x4  }
0x7a: {  	s24 =	sadd.s32 $0xFFFFFFF6, s23;
	[tilespmem:v1+s0+$0x0] =	vst.idx.msk $0xffff, v2  }
0x7b: {  	v1 =	vadd.s32 s24, v0;
	v2 =	vld [tilespmem:s22+$0xFFFFFFD0];
	_ =	sdelay $0x4  }
0x7c: {  	s25 =	sadd.s32 $0xFFFFFFF7, s23;
	[tilespmem:v1+s0+$0x0] =	vst.idx.msk $0xffff, v2  }
0x7d: {  	v1 =	vadd.s32 s25, v0;
	v2 =	vld [tilespmem:s22+$0xFFFFFFE0];
	_ =	sdelay $0x4  }
0x7e: {  	s24 =	sadd.s32 $0xFFFFFFF8, s23;
	[tilespmem:v1+s0+$0x0] =	vst.idx.msk $0xffff, v2  }
0x7f: {  	v1 =	vadd.s32 s24, v0;
	v2 =	vld [tilespmem:s22+$0xFFFFFFF0];
	_ =	sdelay $0x4  }
0x80: {  	s25 =	sadd.s32 $0xFFFFFFF9, s23;
	[tilespmem:v1+s0+$0x0] =	vst.idx.msk $0xffff, v2  }
0x81: {  	v1 =	vadd.s32 s25, v0;
	v2 =	vld [tilespmem:s22+$0x0];
	_ =	sdelay $0x4  }
0x82: {  	s24 =	sadd.s32 $0xFFFFFFFA, s23;
	[tilespmem:v1+s0+$0x0] =	vst.idx.msk $0xffff, v2  }
0x83: {  	v1 =	vadd.s32 s24, v0;
	v2 =	vld [tilespmem:s22+$0x10];
	_ =	sdelay $0x4  }
0x84: {  	s25 =	sadd.s32 $0xFFFFFFFB, s23;
	[tilespmem:v1+s0+$0x0] =	vst.idx.msk $0xffff, v2  }
0x85: {  	v1 =	vadd.s32 s25, v0;
	v2 =	vld [tilespmem:s22+$0x20];
	_ =	sdelay $0x4  }
0x86: {  	s24 =	sadd.s32 $0xFFFFFFFC, s23;
	[tilespmem:v1+s0+$0x0] =	vst.idx.msk $0xffff, v2  }
0x87: {  	v1 =	vadd.s32 s24, v0;
	v2 =	vld [tilespmem:s22+$0x30];
	_ =	sdelay $0x4  }
0x88: {  	s25 =	sadd.s32 $0xFFFFFFFD, s23;
	[tilespmem:v1+s0+$0x0] =	vst.idx.msk $0xffff, v2  }
0x89: {  	v1 =	vadd.s32 s25, v0;
	v2 =	vld [tilespmem:s22+$0x40];
	_ =	sdelay $0x4  }
0x8a: {  	s24 =	sadd.s32 $0xFFFFFFFE, s23;
	[tilespmem:v1+s0+$0x0] =	vst.idx.msk $0xffff, v2  }
0x8b: {  	v1 =	vadd.s32 s24, v0;
	v2 =	vld [tilespmem:s22+$0x50];
	_ =	sdelay $0x4  }
0x8c: {  	s25 =	sadd.s32 $0xFFFFFFFF, s23;
	[tilespmem:v1+s0+$0x0] =	vst.idx.msk $0xffff, v2  }
0x8d: {  	v1 =	vadd.s32 s25, v0;
	v2 =	vld [tilespmem:s22+$0x60];
	_ =	sdelay $0x4  }
0x8e: {  	s24 =	sshll.u32 s31, $0xA;
	[tilespmem:v1+s0+$0x0] =	vst.idx.msk $0xffff, v2  }
0x8f: {  	s2 =	sadd.s32 s3, s24;
	v1 =	vadd.s32 s23, v0;
	v2 =	vld [tilespmem:s22+$0x70]  }
0x90: {  	s25 =	sshll.u32 s2, $0x4  }
0x91: {  	s2 =	sand.u32 $0x3C00, s2;
	s22 =	sand.u32 $0x7FFC0000, s25  }
0x92: {  	s2 =	sor.u32 s2, s22  }
0x93: {  	s23 =	rddreg [dreg:$0x1];
	s2 =	sshrl.u32 s2, $0x3  }
0x94: {  	s22 =	sadd.s32 s23, s2;
	[tilespmem:v1+s0+$0x0] =	vst.idx.msk $0xffff, v2  }
0x95: {  	[hbm4b:s22+s4] =	stream.linear.scatter [tilespmem:s0], [sflag:$0x2], $0x400, $0x38;
	[tilespmem:$0xE880] =	vst v63  }
0x96: {  	s25 =	simm.s32 $0xAC08;
	s24 =	sadd.s32 s2, s7  }
0x97: {  	[hbm4b:s24+s4] =	stream.linear.scatter [tilespmem:s25], [sflag:$0x2], $0x400, $0x38;
	[tilespmem:$0xE880] =	vst v63  }
0x98: {  	s24 =	sadd.s32 s2, s8;
	s25 =	simm.s32 $0xB010  }
0x99: {  	[hbm4b:s24+s4] =	stream.linear.scatter [tilespmem:s25], [sflag:$0x2], $0x400, $0x38;
	[tilespmem:$0xE880] =	vst v63  }
0x9a: {  	s24 =	sadd.s32 s2, s9;
	s25 =	simm.s32 $0xB418  }
0x9b: {  	[hbm4b:s24+s4] =	stream.linear.scatter [tilespmem:s25], [sflag:$0x2], $0x400, $0x38;
	[tilespmem:$0xE880] =	vst v63  }
0x9c: {  	s24 =	sadd.s32 s2, s10;
	s25 =	simm.s32 $0xB820  }
0x9d: {  	[hbm4b:s24+s4] =	stream.linear.scatter [tilespmem:s25], [sflag:$0x2], $0x400, $0x38;
	[tilespmem:$0xE880] =	vst v63  }
0x9e: {  	s24 =	sadd.s32 s2, s11;
	s25 =	simm.s32 $0xBC28  }
0x9f: {  	[hbm4b:s24+s4] =	stream.linear.scatter [tilespmem:s25], [sflag:$0x2], $0x400, $0x38;
	[tilespmem:$0xE880] =	vst v63  }
0xa0: {  	s24 =	sadd.s32 s2, s12;
	s25 =	simm.s32 $0xC030  }
0xa1: {  	[hbm4b:s24+s4] =	stream.linear.scatter [tilespmem:s25], [sflag:$0x2], $0x400, $0x38;
	[tilespmem:$0xE880] =	vst v63  }
0xa2: {  	s24 =	sadd.s32 s2, s13;
	s25 =	simm.s32 $0xC438  }
0xa3: {  	[hbm4b:s24+s4] =	stream.linear.scatter [tilespmem:s25], [sflag:$0x2], $0x400, $0x38;
	[tilespmem:$0xE880] =	vst v63  }
0xa4: {  	s24 =	sadd.s32 s2, s14;
	s25 =	simm.s32 $0xC840  }
0xa5: {  	[hbm4b:s24+s4] =	stream.linear.scatter [tilespmem:s25], [sflag:$0x2], $0x400, $0x38;
	[tilespmem:$0xE880] =	vst v63  }
0xa6: {  	s24 =	sadd.s32 s2, s15;
	s25 =	simm.s32 $0xCC48  }
0xa7: {  	[hbm4b:s24+s4] =	stream.linear.scatter [tilespmem:s25], [sflag:$0x2], $0x400, $0x38;
	[tilespmem:$0xE880] =	vst v63  }
0xa8: {  	s24 =	sadd.s32 s2, s16;
	s25 =	simm.s32 $0xD050  }
0xa9: {  	[hbm4b:s24+s4] =	stream.linear.scatter [tilespmem:s25], [sflag:$0x2], $0x400, $0x38;
	[tilespmem:$0xE880] =	vst v63  }
0xaa: {  	s24 =	sadd.s32 s2, s17;
	s25 =	simm.s32 $0xD458  }
0xab: {  	[hbm4b:s24+s4] =	stream.linear.scatter [tilespmem:s25], [sflag:$0x2], $0x400, $0x38;
	[tilespmem:$0xE880] =	vst v63  }
0xac: {  	s24 =	sadd.s32 s2, s18;
	s25 =	simm.s32 $0xD860  }
0xad: {  	[hbm4b:s24+s4] =	stream.linear.scatter [tilespmem:s25], [sflag:$0x2], $0x400, $0x38;
	[tilespmem:$0xE880] =	vst v63  }
0xae: {  	s24 =	sadd.s32 s2, s19  }
0xaf: {  	[hbm4b:s24+s4] =	stream.linear.scatter [tilespmem:s26], [sflag:$0x2], $0x400, $0x38;
	[tilespmem:$0xE880] =	vst v63  }
0xb0: {  	s25 =	sadd.s32 s2, s20  }
0xb1: {  	[hbm4b:s25+s4] =	stream.linear.scatter [tilespmem:s28], [sflag:$0x2], $0x400, $0x38;
	[tilespmem:$0xE880] =	vst v63  }
0xb2: {  	s2 =	sadd.s32 s2, s21  }
0xb3: {  	[hbm4b:s2+s4] =	stream.linear.scatter [tilespmem:s29], [sflag:$0x2], $0x400, $0x38;
	[tilespmem:$0xE880] =	vst v63  }
0xb4: {  	_ =	swait.ge [sflag:s30], $0x400  }
0xb5: {  	[sflag:s30] =	ssyncset.done $0x0  }
0xb6: {  	[sflag:s30] =	ssyncadd.s32 $0xFFFFFC00  }
0xb7: {  	_ =	swait.ge [sflag:s30], $0x400  }
0xb8: {  	[sflag:s30] =	ssyncset.done $0x0  }
0xb9: {  	[sflag:s30] =	ssyncadd.s32 $0xFFFFFC00  }
0xba: {  	_ =	swait.ge [sflag:s30], $0x400  }
0xbb: {  	[sflag:s30] =	ssyncset.done $0x0  }
0xbc: {  	[sflag:s30] =	ssyncadd.s32 $0xFFFFFC00  }
0xbd: {  	_ =	swait.ge [sflag:s30], $0x400  }
0xbe: {  	[sflag:s30] =	ssyncset.done $0x0  }
0xbf: {  	[sflag:s30] =	ssyncadd.s32 $0xFFFFFC00  }
0xc0: {  	_ =	swait.ge [sflag:s30], $0x400  }
0xc1: {  	[sflag:s30] =	ssyncset.done $0x0  }
0xc2: {  	[sflag:s30] =	ssyncadd.s32 $0xFFFFFC00  }
0xc3: {  	_ =	swait.ge [sflag:s30], $0x400  }
0xc4: {  	[sflag:s30] =	ssyncset.done $0x0  }
0xc5: {  	[sflag:s30] =	ssyncadd.s32 $0xFFFFFC00  }
0xc6: {  	_ =	swait.ge [sflag:s30], $0x400  }
0xc7: {  	[sflag:s30] =	ssyncset.done $0x0  }
0xc8: {  	[sflag:s30] =	ssyncadd.s32 $0xFFFFFC00  }
0xc9: {  	_ =	swait.ge [sflag:s30], $0x400  }
0xca: {  	[sflag:s30] =	ssyncset.done $0x0  }
0xcb: {  	[sflag:s30] =	ssyncadd.s32 $0xFFFFFC00  }
0xcc: {  	_ =	swait.ge [sflag:s30], $0x400  }
0xcd: {  	[sflag:s30] =	ssyncset.done $0x0  }
0xce: {  	[sflag:s30] =	ssyncadd.s32 $0xFFFFFC00  }
0xcf: {  	_ =	swait.ge [sflag:s30], $0x400  }
0xd0: {  	[sflag:s30] =	ssyncset.done $0x0  }
0xd1: {  	[sflag:s30] =	ssyncadd.s32 $0xFFFFFC00  }
0xd2: {  	_ =	swait.ge [sflag:s30], $0x400  }
0xd3: {  	[sflag:s30] =	ssyncset.done $0x0  }
0xd4: {  	[sflag:s30] =	ssyncadd.s32 $0xFFFFFC00  }
0xd5: {  	_ =	swait.ge [sflag:s30], $0x400  }
0xd6: {  	[sflag:s30] =	ssyncset.done $0x0  }
0xd7: {  	[sflag:s30] =	ssyncadd.s32 $0xFFFFFC00  }
0xd8: {  	_ =	swait.ge [sflag:s30], $0x400  }
0xd9: {  	[sflag:s30] =	ssyncset.done $0x0  }
0xda: {  	[sflag:s30] =	ssyncadd.s32 $0xFFFFFC00  }
0xdb: {  	_ =	swait.ge [sflag:s30], $0x400  }
0xdc: {  	[sflag:s30] =	ssyncset.done $0x0  }
0xdd: {  	[sflag:s30] =	ssyncadd.s32 $0xFFFFFC00  }
0xde: {  	p1 =	sne.s32 s6, $0xA;
	_ =	swait.ge [sflag:s30], $0x400  }
.Ltmp1:
0xdf: {  	[sflag:s30] =	ssyncset.done $0x0;
	(pc) =	sbr.rel @p1 .LBB2_2-.Ltmp1, $4  }
0xe0: {  	[sflag:s30] =	ssyncadd.s32 $0xFFFFFC00  }
0xe1: {  	_ =	swait.ge [sflag:s30], $0x400  }
0xe2: {  	[sflag:s30] =	ssyncset.done $0x0  }
0xe3: {  	p0 =	por !p0, !p0;
	s31 =	smov.u32 s6;
	[sflag:s30] =	ssyncadd.s32 $0xFFFFFC00  }
0xe4: {  	s6 =	rddreg [dreg:$0x5]  }
0xe5: {  	s2 =	rddreg [dreg:$0x4];
	s6 =	sadd.s32 $0x1, s6  }
0xe6: {  	p0 =	sne.s32 s6, s2  }
.Ltmp2:
0xe7: {  	_ = 	snop;
	(pc) =	sbr.rel @p0 .LBB2_1-.Ltmp2, $1  }
0xe8: {  	_ =	sdelay $0x3  }
0xe9: {  	_ =	sfence.sel $0x180000  }
0xea: {  	[bflag:$0x0] =	sbarrier.arrive $0xFFFF  }
0xeb: {  	_ =	strace $0x9000004A  }
0xec: {  	s0 =	stileid.u32;
	[bflag:$0x2] =	sbarrier.arrive $0xFFFF  }
0xed: {  	p0 =	sne.s32 s0, $0x0;
	s0 =	rddreg [dreg:$0x2]  }
0xee: {  	s0 =	sadd.s32 @!p0 $0x100000, s0  }
0xef: {  	[sflag:s0] =	ssyncadd.tile.s32 @!p0 $0x1;
	_ =	shalt  }
.Lfunc_end2:
_tile_overlayer_lowered:
.L_overlay_start_2:
0xf0: {  	(tag) =	ssettag $0x2  }
0xf1: {  	s0 =	rddreg [dreg:$0x0];
	s2 =	stileid.u32  }
0xf2: {  	s1 =	rddreg [dreg:$0x1];
	p0 =	sne.s32 s2, $0x0  }
0xf3: {  	s3 =	rddreg [dreg:$0x2];
	[bflag:$0x3] =	sbarrier.arrive $0xFFFF;
	s2 =	simm.s32 @!p0 $0x1C03  }
0xf4: {  	[timem:s3], [sflag:s2] =	dma.local @!p0 [hbm:s0], s1  }
0xf5: {  	s0 =	simm.s32 @!p0 $0x3  }
0xf6: {  	_ =	swait.ge @!p0 [sflag:s0], s1  }
0xf7: {  	s1 =	ssub.s32 @!p0 $0x0, s1;
	[sflag:s0] =	ssyncset.done @!p0 $0x0  }
0xf8: {  	[sflag:s0] =	ssyncadd.s32 @!p0 s1  }
0xf9: {  	[bflag:$0x3] =	sbarrier.arrive $0xFFFF  }
0xfa: {  	_ =	shalt  }

</sc_bundles>
